<compile_context>
chip_gen: v7x
topology: tpu7x:2x2x1
jax: 0.10.2.dev20260603
libtpu: 0.0.44.dev20260713+nightly
codegen_flags: <defaults>
</compile_context>

<pallas_src>
import functools

import jax
import jax.numpy as jnp
import numpy as np
from jax import lax
from jax.experimental import pallas as pl
from jax.experimental.pallas import tpu as pltpu
from jax.experimental.pallas import tpu_sc as plsc

N = 10000
E = 320000
D = 128
H = 4
C = 32
HID = 128
G = 64

INV_SQRT_C = float(1.0 / np.sqrt(C))
ACCW = 144
CH = 64
ROWS_BLK = 1000
N_BLKS = N // ROWS_BLK

try:
    _info = plsc.get_sparse_core_info()
    NSC = _info.num_cores
    NSUB = _info.num_subcores
except ValueError:
    NSC, NSUB = 2, 16
NW = NSC * NSUB
N_CHUNKS = E // CH
BASE_CNT = N_CHUNKS // NW
REM = N_CHUNKS - BASE_CNT * NW
FL_BLK = 80
NFB = N // FL_BLK
FB_BASE = NFB // NSUB
FB_REM = NFB - FB_BASE * NSUB



def _qkvs_body(x_ref, w_ref, b_ref, q_ref, k_ref, v_ref, s_ref):
    y = jnp.dot(x_ref[...], w_ref[...], preferred_element_type=jnp.float32, precision=jax.lax.Precision.HIGHEST)
    y = y + b_ref[...]
    zpad = jnp.zeros((y.shape[0], ACCW - HID), jnp.float32)
    q_ref[...] = jnp.concatenate([y[:, 0:128] * INV_SQRT_C, zpad], axis=1)
    k_ref[...] = jnp.concatenate([y[:, 128:256], zpad], axis=1)
    v_ref[...] = jnp.concatenate([y[:, 256:384], zpad], axis=1)
    s_ref[...] = y[:, 384:512]


def _qkvs(x, wcat, bcat):
    blk = lambda i: (i, 0)
    fix = lambda i: (0, 0)
    return pl.pallas_call(
        _qkvs_body,
        grid=(N_BLKS,),
        in_specs=[
            pl.BlockSpec((ROWS_BLK, HID), blk),
            pl.BlockSpec((HID, 4 * HID), fix),
            pl.BlockSpec((1, 4 * HID), fix),
        ],
        out_specs=[pl.BlockSpec((ROWS_BLK, ACCW), blk)] * 3
        + [pl.BlockSpec((ROWS_BLK, HID), blk)],
        out_shape=[jax.ShapeDtypeStruct((N, ACCW), jnp.float32)] * 3
        + [jax.ShapeDtypeStruct((N, HID), jnp.float32)],
    )(x, wcat, bcat)



def _edge_body(q_hbm, k_hbm, v_hbm, src_hbm, dst_hbm, zer_hbm, out_hbm,
               sidx, didx, qr, kr, vr, orow, acc, sem1, sem2, sem3):
    c = lax.axis_index("c")
    s = lax.axis_index("s")
    t = s * NSC + c

    fstart = s * FB_BASE + jnp.minimum(s, FB_REM)
    fcnt = FB_BASE + jnp.where(s < FB_REM, 1, 0)

    def zero_body(j, _):
        r0 = j * FL_BLK
        pltpu.sync_copy(zer_hbm.at[pl.ds(r0, FL_BLK)],
                        acc.at[pl.ds(r0, FL_BLK)])
        return 0
    lax.fori_loop(fstart, fstart + fcnt, zero_body, 0)

    iota16 = lax.iota(jnp.int32, 16)
    zero16 = jnp.zeros((16,), jnp.float32)

    plsc.subcore_barrier()

    start = t * BASE_CNT + jnp.minimum(t, REM)
    cnt = BASE_CNT + jnp.where(t < REM, 1, 0)

    def chunk_body(i, _):
        base = i * CH
        pltpu.sync_copy(src_hbm.at[pl.ds(base, CH)], sidx)
        pltpu.sync_copy(dst_hbm.at[pl.ds(base, CH)], didx)
        cp1 = pltpu.async_copy(q_hbm.at[didx], qr, sem1)
        cp2 = pltpu.async_copy(k_hbm.at[sidx], kr, sem2)
        cp3 = pltpu.async_copy(v_hbm.at[sidx], vr, sem3)
        cp1.wait()
        cp2.wait()
        cp3.wait()

        lane15 = jnp.full((16,), 15, jnp.int32)
        _dnums = lax.GatherDimensionNumbers(
            offset_dims=(), collapsed_slice_dims=(0,), start_index_map=(0,))

        def _bcast(x, iv):
            return lax.gather(x, iv[:, None], dimension_numbers=_dnums,
                              slice_sizes=(1,),
                              mode=lax.GatherScatterMode.PROMISE_IN_BOUNDS)

        def edge_body(e, _):
            ps = []
            for j in range(8):
                qv = qr[e, pl.ds(j * 16, 16)]
                kv = kr[e, pl.ds(j * 16, 16)]
                ps.append(qv * kv)
            alphav = zero16
            for h in range(H):
                cs = jnp.cumsum(ps[2 * h] + ps[2 * h + 1])
                tot = _bcast(cs, lane15)
                alphav = jnp.where(iota16 == h, tot, alphav)
            exv = jnp.exp(alphav)
            sps = [_bcast(exv, jnp.full((16,), h, jnp.int32))
                   for h in range(H)]
            for j in range(8):
                vv = vr[e, pl.ds(j * 16, 16)]
                orow[e, pl.ds(j * 16, 16)] = vv * sps[j // 2]
            orow[e, pl.ds(HID, 16)] = jnp.where(iota16 < H, exv, 0.0)
            return 0

        lax.fori_loop(0, CH, edge_body, 0)
        pltpu.sync_copy(orow, acc.at[didx], add=True)
        return 0

    lax.fori_loop(start, start + cnt, chunk_body, 0)

    plsc.subcore_barrier()

    def flush_body(j, _):
        r0 = j * FL_BLK
        pltpu.sync_copy(acc.at[pl.ds(r0, FL_BLK)],
                        out_hbm.at[c, pl.ds(r0, FL_BLK)])
        return 0
    lax.fori_loop(fstart, fstart + fcnt, flush_body, 0)


_edge_sc = functools.partial(
    pl.kernel,
    mesh=plsc.VectorSubcoreMesh(core_axis_name="c", subcore_axis_name="s",
                                num_cores=NSC, num_subcores=NSUB),
    out_type=jax.ShapeDtypeStruct((2, N, ACCW), jnp.float32),
    scratch_types=[
        pltpu.VMEM((CH,), jnp.int32),
        pltpu.VMEM((CH,), jnp.int32),
        pltpu.VMEM((CH, ACCW), jnp.float32),
        pltpu.VMEM((CH, ACCW), jnp.float32),
        pltpu.VMEM((CH, ACCW), jnp.float32),
        pltpu.VMEM((CH, ACCW), jnp.float32),
        pltpu.VMEM_SHARED((N, ACCW), jnp.float32),
        pltpu.SemaphoreType.DMA,
        pltpu.SemaphoreType.DMA,
        pltpu.SemaphoreType.DMA,
    ],
    compiler_params=pltpu.CompilerParams(use_tc_tiling_on_sc=False,
                                         needs_layout_passes=False),
)(_edge_body)



def _den_broadcast(p, rows):
    num = p[:, 0:HID]
    cols = [jnp.broadcast_to(p[:, HID + h:HID + h + 1], (rows, C))
            for h in range(H)]
    denb = jnp.concatenate(cols, axis=1)
    return num / (denb + 1e-16)


def _combine_body(p_ref, s_ref, w_ref, b_ref, q_ref, k_ref, v_ref, s2_ref):
    p = p_ref[0] + p_ref[1]
    hcur = jnp.maximum(_den_broadcast(p, ROWS_BLK) + s_ref[...], 0.0)
    y = jnp.dot(hcur, w_ref[...], preferred_element_type=jnp.float32, precision=jax.lax.Precision.HIGHEST)
    y = y + b_ref[...]
    zpad = jnp.zeros((y.shape[0], ACCW - HID), jnp.float32)
    q_ref[...] = jnp.concatenate([y[:, 0:128] * INV_SQRT_C, zpad], axis=1)
    k_ref[...] = jnp.concatenate([y[:, 128:256], zpad], axis=1)
    v_ref[...] = jnp.concatenate([y[:, 256:384], zpad], axis=1)
    s2_ref[...] = y[:, 384:512]


def _combine(part, skip, wcat, bcat):
    blk = lambda i: (i, 0)
    return pl.pallas_call(
        _combine_body,
        grid=(N_BLKS,),
        in_specs=[
            pl.BlockSpec((2, ROWS_BLK, ACCW), lambda i: (0, i, 0)),
            pl.BlockSpec((ROWS_BLK, HID), blk),
            pl.BlockSpec((HID, 4 * HID), lambda i: (0, 0)),
            pl.BlockSpec((1, 4 * HID), lambda i: (0, 0)),
        ],
        out_specs=[pl.BlockSpec((ROWS_BLK, ACCW), blk)] * 3
        + [pl.BlockSpec((ROWS_BLK, HID), blk)],
        out_shape=[jax.ShapeDtypeStruct((N, ACCW), jnp.float32)] * 3
        + [jax.ShapeDtypeStruct((N, HID), jnp.float32)],
    )(part, skip, wcat, bcat)



def _pool_body(p_ref, s_ref, b_ref, wf_ref, bf_ref, out_ref, sums, cnt):
    i = pl.program_id(0)

    @pl.when(i == 0)
    def _():
        sums[...] = jnp.zeros_like(sums)
        cnt[...] = jnp.zeros_like(cnt)

    p = p_ref[0] + p_ref[1]
    h2 = jnp.maximum(_den_broadcast(p, ROWS_BLK) + s_ref[...], 0.0)
    b = b_ref[0]
    seg = jax.lax.broadcasted_iota(jnp.int32, (G, ROWS_BLK), 0)
    onehot = (b == seg).astype(jnp.float32)
    sums[...] += jnp.dot(onehot, h2, preferred_element_type=jnp.float32, precision=jax.lax.Precision.HIGHEST)
    cnt[...] += jnp.sum(onehot, axis=1, keepdims=True)

    @pl.when(i == N_BLKS - 1)
    def _():
        pooled = sums[...] / jnp.maximum(cnt[...], 1.0)
        out_ref[...] = (jnp.dot(pooled, wf_ref[...],
                                preferred_element_type=jnp.float32,
                                precision=jax.lax.Precision.HIGHEST)
                        + bf_ref[0, 0])


def _pool(part, skip, batch3, wf, bf):
    return pl.pallas_call(
        _pool_body,
        grid=(N_BLKS,),
        in_specs=[
            pl.BlockSpec((2, ROWS_BLK, ACCW), lambda i: (0, i, 0)),
            pl.BlockSpec((ROWS_BLK, HID), lambda i: (i, 0)),
            pl.BlockSpec((1, 1, ROWS_BLK), lambda i: (i, 0, 0)),
            pl.BlockSpec((HID, 1), lambda i: (0, 0)),
            pl.BlockSpec((1, 1), lambda i: (0, 0)),
        ],
        out_specs=pl.BlockSpec((G, 1), lambda i: (0, 0)),
        out_shape=jax.ShapeDtypeStruct((G, 1), jnp.float32),
        scratch_shapes=[
            pltpu.VMEM((G, HID), jnp.float32),
            pltpu.VMEM((G, 1), jnp.float32),
        ],
    )(part, skip, batch3, wf, bf)



def kernel(x, edge_index, batch,
           Wq1, bq1, Wk1, bk1, Wv1, bv1, Ws1, bs1,
           Wq2, bq2, Wk2, bk2, Wv2, bv2, Ws2, bs2,
           Wf, bf):
    src = edge_index[0]
    dst = edge_index[1]
    w1 = jnp.concatenate([Wq1, Wk1, Wv1, Ws1], axis=1)
    b1 = jnp.concatenate([bq1, bk1, bv1, bs1]).reshape(1, 4 * HID)
    w2 = jnp.concatenate([Wq2, Wk2, Wv2, Ws2], axis=1)
    b2 = jnp.concatenate([bq2, bk2, bv2, bs2]).reshape(1, 4 * HID)
    zer = jnp.zeros((N, ACCW), jnp.float32)

    q1, k1, v1, s1 = _qkvs(x, w1, b1)
    part1 = _edge_sc(q1, k1, v1, src, dst, zer)
    q2, k2, v2, s2 = _combine(part1, s1, w2, b2)
    part2 = _edge_sc(q2, k2, v2, src, dst, zer)
    out = _pool(part2, s2, batch.reshape(N_BLKS, 1, ROWS_BLK), Wf,
                bf.reshape(1, 1))
    return out.reshape(G)

# --- scband reference (transcript-rebuilt; emitter-appended) ---
"""Pipeline reference for scband-graph-transformer-26809185862281 (READ-ONLY COPY).

The authoritative reference and input builder live on the scoring server;
editing this copy changes nothing except your own understanding.
"""

import jax, jax.numpy as jnp
import numpy as np

N = 10000
E = 320000
D = 128
H = 4
C = 32
HID = 128
G = 64


def _lin(k, fin, fout):
    w = jax.random.normal(k, (fin, fout), dtype=jnp.float32) / np.sqrt(fin)
    b = jnp.zeros((fout,), dtype=jnp.float32)
    return w, b


def setup_inputs(seed: int = 0) -> dict:
    key = jax.random.key(seed)
    ks = jax.random.split(key, 12)
    x = jax.random.normal(ks[0], (N, D), dtype=jnp.float32)
    edge_index = jax.random.randint(ks[1], (2, E), 0, N, dtype=jnp.int32)
    batch = jnp.sort(jax.random.randint(ks[2], (N,), 0, G, dtype=jnp.int32))
    Wq1, bq1 = _lin(ks[3], D, HID)
    Wk1, bk1 = _lin(ks[4], D, HID)
    Wv1, bv1 = _lin(ks[5], D, HID)
    Ws1, bs1 = _lin(ks[6], D, HID)
    Wq2, bq2 = _lin(ks[7], HID, HID)
    Wk2, bk2 = _lin(ks[8], HID, HID)
    Wv2, bv2 = _lin(ks[9], HID, HID)
    Ws2, bs2 = _lin(ks[10], HID, HID)
    Wf, bf = _lin(ks[11], HID, 1)
    return dict(x=x, edge_index=edge_index, batch=batch,
                Wq1=Wq1, bq1=bq1, Wk1=Wk1, bk1=bk1, Wv1=Wv1, bv1=bv1, Ws1=Ws1, bs1=bs1,
                Wq2=Wq2, bq2=bq2, Wk2=Wk2, bk2=bk2, Wv2=Wv2, bv2=bv2, Ws2=Ws2, bs2=bs2,
                Wf=Wf, bf=bf)


def _transformer_conv(x, src, dst, Wq, bq, Wk, bk, Wv, bv, Ws, bs):
    # PyG TransformerConv (concat=True, root_weight=True, beta=False)
    q = (x @ Wq + bq).reshape(-1, H, C)
    k = (x @ Wk + bk).reshape(-1, H, C)
    v = (x @ Wv + bv).reshape(-1, H, C)
    alpha = (q[dst] * k[src]).sum(-1) / np.sqrt(C)  # [E, H]
    amax = jax.ops.segment_max(alpha, dst, num_segments=N)
    amax = jnp.where(jnp.isfinite(amax), amax, 0.0)
    amax = jax.lax.stop_gradient(amax)
    ex = jnp.exp(alpha - amax[dst])
    den = jax.ops.segment_sum(ex, dst, num_segments=N)
    attn = ex / (den[dst] + 1e-16)  # segment softmax over incoming edges
    out = jax.ops.segment_sum(v[src] * attn[:, :, None], dst, num_segments=N)
    out = out.reshape(-1, H * C)
    return out + (x @ Ws + bs)  # skip/root connection


def reference(x, edge_index, batch,
              Wq1, bq1, Wk1, bk1, Wv1, bv1, Ws1, bs1,
              Wq2, bq2, Wk2, bk2, Wv2, bv2, Ws2, bs2,
              Wf, bf):
    src = edge_index[0]
    dst = edge_index[1]
    h = jax.nn.relu(_transformer_conv(x, src, dst, Wq1, bq1, Wk1, bk1, Wv1, bv1, Ws1, bs1))
    h = jax.nn.relu(_transformer_conv(h, src, dst, Wq2, bq2, Wk2, bk2, Wv2, bv2, Ws2, bs2))
    sums = jax.ops.segment_sum(h, batch, num_segments=G)
    cnt = jax.ops.segment_sum(jnp.ones((h.shape[0],), h.dtype), batch, num_segments=G)
    pooled = sums / jnp.clip(cnt, 1.0)[:, None]  # global_mean_pool
    out = (pooled @ Wf + bf).squeeze(-1)
    return out

if __name__ == "__main__":
    import jax
    _d = setup_inputs()
    print(jax.jit(kernel)(*tuple(_d.values())))

</pallas_src>

<mosaic_0001>
#map = affine_map<(d0, d1) -> (0, 0)>
#map1 = affine_map<(d0, d1) -> (0)>
#map2 = affine_map<(d0, d1) -> (0, 0, 0)>
module attributes {stable_mosaic.version = 14 : i64} {
  func.func @_edge_body(%arg0: i32, %arg1: i32, %arg2: memref<10000x144xf32, #tpu.memory_space<hbm>>, %arg3: memref<10000x144xf32, #tpu.memory_space<hbm>>, %arg4: memref<10000x144xf32, #tpu.memory_space<hbm>>, %arg5: memref<320000xi32, #tpu.memory_space<hbm>>, %arg6: memref<320000xi32, #tpu.memory_space<hbm>>, %arg7: memref<10000x144xf32, #tpu.memory_space<hbm>>, %arg8: memref<2x10000x144xf32, #tpu.memory_space<hbm>>, %arg9: memref<64xi32, #tpu.memory_space<vmem>>, %arg10: memref<64xi32, #tpu.memory_space<vmem>>, %arg11: memref<64x144xf32, #tpu.memory_space<vmem>>, %arg12: memref<64x144xf32, #tpu.memory_space<vmem>>, %arg13: memref<64x144xf32, #tpu.memory_space<vmem>>, %arg14: memref<64x144xf32, #tpu.memory_space<vmem>>, %arg15: memref<10000x144xf32, #tpu.memory_space<vmem_shared>>, %arg16: memref<!tpu.dma_semaphore, #tpu.memory_space<semaphore_mem>>, %arg17: memref<!tpu.dma_semaphore, #tpu.memory_space<semaphore_mem>>, %arg18: memref<!tpu.dma_semaphore, #tpu.memory_space<semaphore_mem>>) attributes {dimension_semantics = [#tpu.dimension_semantics<core_parallel>, #tpu.dimension_semantics<subcore_parallel>], iteration_bounds = array<i64: 2, 16>, scalar_prefetch = 0 : i64, scratch_operands = 10 : i64, tpu.core_type = #tpu.core_type<sc_vector_subcore>, window_params = [{transform_indices = #map}, {transform_indices = #map}, {transform_indices = #map}, {transform_indices = #map1}, {transform_indices = #map1}, {transform_indices = #map}, {transform_indices = #map2}]} {
    %mul3A = arith.constant 2 : i32
    %mul3A_0 = arith.muli %arg1, %mul3A : i32
    %add3A = arith.addi %mul3A_0, %arg0 : i32
    %mul3A_1 = arith.constant 7 : i32
    %mul3A_2 = arith.muli %arg1, %mul3A_1 : i32
    %min3A = arith.constant 13 : i32
    %min3A_3 = arith.minsi %arg1, %min3A : i32
    %add3A_4 = arith.addi %mul3A_2, %min3A_3 : i32
    %lt3A = arith.constant 13 : i32
    %lt3A_5 = arith.cmpi slt, %arg1, %lt3A : i32
    %jit3A = arith.constant 1 : i32
    %jit3A_6 = arith.constant 0 : i32
    %select_n3A = arith.select %lt3A_5, %jit3A, %jit3A_6 : i32
    %add3A_7 = arith.constant 7 : i32
    %add3A_8 = arith.addi %add3A_7, %select_n3A : i32
    %add3A_9 = arith.addi %add3A_4, %add3A_8 : i32
    %while3A = arith.constant 0 : i32
    %while3A_10 = arith.subi %add3A_9, %add3A_4 : i32
    %while3A_11 = arith.addi %add3A_4, %while3A_10 : i32
    %while3A_12 = arith.constant 1 : i32
    %while3A_13 = arith.divsi %while3A_10, %while3A_12 : i32
    %while3A_14 = arith.muli %while3A_13, %while3A_12 : i32
    %while3A_15 = arith.addi %add3A_4, %while3A_14 : i32
    %while3A_16 = arith.constant 1 : i32
    %while3A_17 = scf.for %while3A_58 = %add3A_4 to %while3A_15 step %while3A_16 iter_args(%while3A_59 = %while3A) -> (i32)  : i32 {
      %mul3A_60 = arith.constant 80 : i32
      %mul3A_61 = arith.muli %while3A_58, %mul3A_60 : i32
      "tpu.region"() ({
        %run_scoped3A = tpu.sem_alloc : memref<!tpu.dma_semaphore, #tpu.memory_space<semaphore_mem>>
        %dma_start3A = arith.constant 0 : i32
        %dma_start3A_63 = tpu.memref_slice %arg15[%mul3A_61, %dma_start3A] : memref<10000x144xf32, #tpu.memory_space<vmem_shared>> -> memref<80x144xf32, #tpu.memory_space<vmem_shared>>
        %dma_start3A_64 = arith.constant 0 : i32
        %dma_start3A_65 = tpu.memref_slice %arg7[%mul3A_61, %dma_start3A_64] : memref<10000x144xf32, #tpu.memory_space<hbm>> -> memref<80x144xf32, #tpu.memory_space<hbm>>
        tpu.enqueue_dma source(%dma_start3A_65 : memref<80x144xf32, #tpu.memory_space<hbm>>) target(%dma_start3A_63 : memref<80x144xf32, #tpu.memory_space<vmem_shared>>) target_semaphore(%run_scoped3A : memref<!tpu.dma_semaphore, #tpu.memory_space<semaphore_mem>>)
        %dma_wait3A = arith.constant 0 : i32
        %dma_wait3A_66 = tpu.memref_slice %arg15[%mul3A_61, %dma_wait3A] : memref<10000x144xf32, #tpu.memory_space<vmem_shared>> -> memref<80x144xf32, #tpu.memory_space<vmem_shared>>
        %dma_wait3A_67 = arith.constant 0 : i32
        %dma_wait3A_68 = tpu.memref_slice %arg7[%mul3A_61, %dma_wait3A_67] : memref<10000x144xf32, #tpu.memory_space<hbm>> -> memref<80x144xf32, #tpu.memory_space<hbm>>
        tpu.wait_dma2 semaphore(%run_scoped3A : memref<!tpu.dma_semaphore, #tpu.memory_space<semaphore_mem>>) src(%dma_wait3A_68 : memref<80x144xf32, #tpu.memory_space<hbm>>) dst(%dma_wait3A_66 : memref<80x144xf32, #tpu.memory_space<vmem_shared>>)
        tpu.yield
      }) : () -> ()
      %while3A_62 = arith.constant 0 : i32
      scf.yield %while3A_62 : i32
    }
    %while3A_18 = arith.constant 1 : i32
    %while3A_19 = scf.for %while3A_58 = %while3A_15 to %while3A_11 step %while3A_18 iter_args(%while3A_59 = %while3A_17) -> (i32)  : i32 {
      %mul3A_60 = arith.constant 80 : i32
      %mul3A_61 = arith.muli %while3A_58, %mul3A_60 : i32
      "tpu.region"() ({
        %run_scoped3A = tpu.sem_alloc : memref<!tpu.dma_semaphore, #tpu.memory_space<semaphore_mem>>
        %dma_start3A = arith.constant 0 : i32
        %dma_start3A_63 = tpu.memref_slice %arg15[%mul3A_61, %dma_start3A] : memref<10000x144xf32, #tpu.memory_space<vmem_shared>> -> memref<80x144xf32, #tpu.memory_space<vmem_shared>>
        %dma_start3A_64 = arith.constant 0 : i32
        %dma_start3A_65 = tpu.memref_slice %arg7[%mul3A_61, %dma_start3A_64] : memref<10000x144xf32, #tpu.memory_space<hbm>> -> memref<80x144xf32, #tpu.memory_space<hbm>>
        tpu.enqueue_dma source(%dma_start3A_65 : memref<80x144xf32, #tpu.memory_space<hbm>>) target(%dma_start3A_63 : memref<80x144xf32, #tpu.memory_space<vmem_shared>>) target_semaphore(%run_scoped3A : memref<!tpu.dma_semaphore, #tpu.memory_space<semaphore_mem>>)
        %dma_wait3A = arith.constant 0 : i32
        %dma_wait3A_66 = tpu.memref_slice %arg15[%mul3A_61, %dma_wait3A] : memref<10000x144xf32, #tpu.memory_space<vmem_shared>> -> memref<80x144xf32, #tpu.memory_space<vmem_shared>>
        %dma_wait3A_67 = arith.constant 0 : i32
        %dma_wait3A_68 = tpu.memref_slice %arg7[%mul3A_61, %dma_wait3A_67] : memref<10000x144xf32, #tpu.memory_space<hbm>> -> memref<80x144xf32, #tpu.memory_space<hbm>>
        tpu.wait_dma2 semaphore(%run_scoped3A : memref<!tpu.dma_semaphore, #tpu.memory_space<semaphore_mem>>) src(%dma_wait3A_68 : memref<80x144xf32, #tpu.memory_space<hbm>>) dst(%dma_wait3A_66 : memref<80x144xf32, #tpu.memory_space<vmem_shared>>)
        tpu.yield
      }) : () -> ()
      %while3A_62 = arith.constant 0 : i32
      scf.yield %while3A_62 : i32
    }
    %iota3A = tpu.iota {dimensions = array<i32: 0>} : vector<16xi32>
    %broadcast_in_dim3A = arith.constant 0.000000e+00 : f32
    %broadcast_in_dim3A_20 = vector.broadcast %broadcast_in_dim3A : f32 to vector<16xf32>
    %barrier3A = arith.constant 0 : index
    tpu.barrier barrier_id(%barrier3A)
    %mul3A_21 = arith.constant 156 : i32
    %mul3A_22 = arith.muli %add3A, %mul3A_21 : i32
    %min3A_23 = arith.constant 8 : i32
    %min3A_24 = arith.minsi %add3A, %min3A_23 : i32
    %add3A_25 = arith.addi %mul3A_22, %min3A_24 : i32
    %lt3A_26 = arith.constant 8 : i32
    %lt3A_27 = arith.cmpi slt, %add3A, %lt3A_26 : i32
    %jit3A_28 = arith.constant 1 : i32
    %jit3A_29 = arith.constant 0 : i32
    %select_n3A_30 = arith.select %lt3A_27, %jit3A_28, %jit3A_29 : i32
    %add3A_31 = arith.constant 156 : i32
    %add3A_32 = arith.addi %add3A_31, %select_n3A_30 : i32
    %add3A_33 = arith.addi %add3A_25, %add3A_32 : i32
    %while3A_34 = arith.constant 0 : i32
    %while3A_35 = arith.subi %add3A_33, %add3A_25 : i32
    %while3A_36 = arith.addi %add3A_25, %while3A_35 : i32
    %while3A_37 = arith.constant 1 : i32
    %while3A_38 = arith.divsi %while3A_35, %while3A_37 : i32
    %while3A_39 = arith.muli %while3A_38, %while3A_37 : i32
    %while3A_40 = arith.addi %add3A_25, %while3A_39 : i32
    %while3A_41 = arith.constant 1 : i32
    %while3A_42 = scf.for %while3A_58 = %add3A_25 to %while3A_40 step %while3A_41 iter_args(%while3A_59 = %while3A_34) -> (i32)  : i32 {
      %mul3A_60 = arith.constant 64 : i32
      %mul3A_61 = arith.muli %while3A_58, %mul3A_60 : i32
      "tpu.region"() ({
        %run_scoped3A = tpu.sem_alloc : memref<!tpu.dma_semaphore, #tpu.memory_space<semaphore_mem>>
        %dma_start3A_87 = tpu.memref_slice %arg5[%mul3A_61] : memref<320000xi32, #tpu.memory_space<hbm>> -> memref<64xi32, #tpu.memory_space<hbm>>
        %dma_start3A_88 = tpu.memref_slice %arg5[%mul3A_61] : memref<320000xi32, #tpu.memory_space<hbm>> -> memref<64xi32, #tpu.memory_space<hbm>>
        tpu.enqueue_dma source(%dma_start3A_88 : memref<64xi32, #tpu.memory_space<hbm>>) target(%arg9 : memref<64xi32, #tpu.memory_space<vmem>>) target_semaphore(%run_scoped3A : memref<!tpu.dma_semaphore, #tpu.memory_space<semaphore_mem>>)
        %dma_wait3A_89 = tpu.memref_slice %arg5[%mul3A_61] : memref<320000xi32, #tpu.memory_space<hbm>> -> memref<64xi32, #tpu.memory_space<hbm>>
        %dma_wait3A_90 = tpu.memref_slice %arg5[%mul3A_61] : memref<320000xi32, #tpu.memory_space<hbm>> -> memref<64xi32, #tpu.memory_space<hbm>>
        tpu.wait_dma2 semaphore(%run_scoped3A : memref<!tpu.dma_semaphore, #tpu.memory_space<semaphore_mem>>) src(%dma_wait3A_90 : memref<64xi32, #tpu.memory_space<hbm>>) dst(%arg9 : memref<64xi32, #tpu.memory_space<vmem>>)
        tpu.yield
      }) : () -> ()
      "tpu.region"() ({
        %run_scoped3A = tpu.sem_alloc : memref<!tpu.dma_semaphore, #tpu.memory_space<semaphore_mem>>
        %dma_start3A_87 = tpu.memref_slice %arg6[%mul3A_61] : memref<320000xi32, #tpu.memory_space<hbm>> -> memref<64xi32, #tpu.memory_space<hbm>>
        %dma_start3A_88 = tpu.memref_slice %arg6[%mul3A_61] : memref<320000xi32, #tpu.memory_space<hbm>> -> memref<64xi32, #tpu.memory_space<hbm>>
        tpu.enqueue_dma source(%dma_start3A_88 : memref<64xi32, #tpu.memory_space<hbm>>) target(%arg10 : memref<64xi32, #tpu.memory_space<vmem>>) target_semaphore(%run_scoped3A : memref<!tpu.dma_semaphore, #tpu.memory_space<semaphore_mem>>)
        %dma_wait3A_89 = tpu.memref_slice %arg6[%mul3A_61] : memref<320000xi32, #tpu.memory_space<hbm>> -> memref<64xi32, #tpu.memory_space<hbm>>
        %dma_wait3A_90 = tpu.memref_slice %arg6[%mul3A_61] : memref<320000xi32, #tpu.memory_space<hbm>> -> memref<64xi32, #tpu.memory_space<hbm>>
        tpu.wait_dma2 semaphore(%run_scoped3A : memref<!tpu.dma_semaphore, #tpu.memory_space<semaphore_mem>>) src(%dma_wait3A_90 : memref<64xi32, #tpu.memory_space<hbm>>) dst(%arg10 : memref<64xi32, #tpu.memory_space<vmem>>)
        tpu.yield
      }) : () -> ()
      %dma_start3A = arith.constant 0 : i32
      %dma_start3A_62 = arith.constant 0 : i32
      %dma_start3A_63 = tpu.memref_slice %arg2[%dma_start3A, %dma_start3A_62] : memref<10000x144xf32, #tpu.memory_space<hbm>> -> memref<10000x144xf32, #tpu.memory_space<hbm>>
      tpu.enqueue_indirect_dma source(%dma_start3A_63 : memref<10000x144xf32, #tpu.memory_space<hbm>>) target(%arg11 : memref<64x144xf32, #tpu.memory_space<vmem>>) offsets(%arg10 : memref<64xi32, #tpu.memory_space<vmem>>) semaphore(%arg16 : memref<!tpu.dma_semaphore, #tpu.memory_space<semaphore_mem>>)
      %dma_start3A_64 = arith.constant 0 : i32
      %dma_start3A_65 = arith.constant 0 : i32
      %dma_start3A_66 = tpu.memref_slice %arg3[%dma_start3A_64, %dma_start3A_65] : memref<10000x144xf32, #tpu.memory_space<hbm>> -> memref<10000x144xf32, #tpu.memory_space<hbm>>
      tpu.enqueue_indirect_dma source(%dma_start3A_66 : memref<10000x144xf32, #tpu.memory_space<hbm>>) target(%arg12 : memref<64x144xf32, #tpu.memory_space<vmem>>) offsets(%arg9 : memref<64xi32, #tpu.memory_space<vmem>>) semaphore(%arg17 : memref<!tpu.dma_semaphore, #tpu.memory_space<semaphore_mem>>)
      %dma_start3A_67 = arith.constant 0 : i32
      %dma_start3A_68 = arith.constant 0 : i32
      %dma_start3A_69 = tpu.memref_slice %arg4[%dma_start3A_67, %dma_start3A_68] : memref<10000x144xf32, #tpu.memory_space<hbm>> -> memref<10000x144xf32, #tpu.memory_space<hbm>>
      tpu.enqueue_indirect_dma source(%dma_start3A_69 : memref<10000x144xf32, #tpu.memory_space<hbm>>) target(%arg13 : memref<64x144xf32, #tpu.memory_space<vmem>>) offsets(%arg9 : memref<64xi32, #tpu.memory_space<vmem>>) semaphore(%arg18 : memref<!tpu.dma_semaphore, #tpu.memory_space<semaphore_mem>>)
      %dma_wait3A = arith.constant 0 : i32
      %dma_wait3A_70 = arith.constant 0 : i32
      %dma_wait3A_71 = tpu.memref_slice %arg2[%dma_wait3A, %dma_wait3A_70] : memref<10000x144xf32, #tpu.memory_space<hbm>> -> memref<10000x144xf32, #tpu.memory_space<hbm>>
      tpu.wait_indirect_dma semaphore(%arg16 : memref<!tpu.dma_semaphore, #tpu.memory_space<semaphore_mem>>) src(%dma_wait3A_71 : memref<10000x144xf32, #tpu.memory_space<hbm>>) dst(%arg11 : memref<64x144xf32, #tpu.memory_space<vmem>>)
      %dma_wait3A_72 = arith.constant 0 : i32
      %dma_wait3A_73 = arith.constant 0 : i32
      %dma_wait3A_74 = tpu.memref_slice %arg3[%dma_wait3A_72, %dma_wait3A_73] : memref<10000x144xf32, #tpu.memory_space<hbm>> -> memref<10000x144xf32, #tpu.memory_space<hbm>>
      tpu.wait_indirect_dma semaphore(%arg17 : memref<!tpu.dma_semaphore, #tpu.memory_space<semaphore_mem>>) src(%dma_wait3A_74 : memref<10000x144xf32, #tpu.memory_space<hbm>>) dst(%arg12 : memref<64x144xf32, #tpu.memory_space<vmem>>)
      %dma_wait3A_75 = arith.constant 0 : i32
      %dma_wait3A_76 = arith.constant 0 : i32
      %dma_wait3A_77 = tpu.memref_slice %arg4[%dma_wait3A_75, %dma_wait3A_76] : memref<10000x144xf32, #tpu.memory_space<hbm>> -> memref<10000x144xf32, #tpu.memory_space<hbm>>
      tpu.wait_indirect_dma semaphore(%arg18 : memref<!tpu.dma_semaphore, #tpu.memory_space<semaphore_mem>>) src(%dma_wait3A_77 : memref<10000x144xf32, #tpu.memory_space<hbm>>) dst(%arg13 : memref<64x144xf32, #tpu.memory_space<vmem>>)
      %broadcast_in_dim3A_78 = arith.constant 15 : i32
      %broadcast_in_dim3A_79 = vector.broadcast %broadcast_in_dim3A_78 : i32 to vector<16xi32>
      %scan3A = arith.constant 0 : i32
      %scan3A_80 = arith.constant 0 : i32
      %scan3A_81 = arith.constant 64 : i32
      %scan3A_82 = arith.addi %scan3A_80, %scan3A_81 : i32
      %scan3A_83 = arith.constant 1 : i32
      %scan3A_84 = scf.for %scan3A_87 = %scan3A_80 to %scan3A_82 step %scan3A_83 iter_args(%scan3A_88 = %scan3A) -> (i32)  : i32 {
        %get3A = arith.index_cast %scan3A_87 : i32 to index
        %get3A_89 = arith.constant 0 : index
        %get3A_90 = tpu.vector_load %arg11[%get3A, %get3A_89] {strides = array<i32>} : memref<64x144xf32, #tpu.memory_space<vmem>>, vector<16xf32>,
        %get3A_91 = arith.index_cast %scan3A_87 : i32 to index
        %get3A_92 = arith.constant 0 : index
        %get3A_93 = tpu.vector_load %arg12[%get3A_91, %get3A_92] {strides = array<i32>} : memref<64x144xf32, #tpu.memory_space<vmem>>, vector<16xf32>,
        %mul3A_94 = arith.mulf %get3A_90, %get3A_93 : vector<16xf32>
        %get3A_95 = arith.index_cast %scan3A_87 : i32 to index
        %get3A_96 = arith.constant 16 : index
        %get3A_97 = tpu.vector_load %arg11[%get3A_95, %get3A_96] {strides = array<i32>} : memref<64x144xf32, #tpu.memory_space<vmem>>, vector<16xf32>,
        %get3A_98 = arith.index_cast %scan3A_87 : i32 to index
        %get3A_99 = arith.constant 16 : index
        %get3A_100 = tpu.vector_load %arg12[%get3A_98, %get3A_99] {strides = array<i32>} : memref<64x144xf32, #tpu.memory_space<vmem>>, vector<16xf32>,
        %mul3A_101 = arith.mulf %get3A_97, %get3A_100 : vector<16xf32>
        %get3A_102 = arith.index_cast %scan3A_87 : i32 to index
        %get3A_103 = arith.constant 32 : index
        %get3A_104 = tpu.vector_load %arg11[%get3A_102, %get3A_103] {strides = array<i32>} : memref<64x144xf32, #tpu.memory_space<vmem>>, vector<16xf32>,
        %get3A_105 = arith.index_cast %scan3A_87 : i32 to index
        %get3A_106 = arith.constant 32 : index
        %get3A_107 = tpu.vector_load %arg12[%get3A_105, %get3A_106] {strides = array<i32>} : memref<64x144xf32, #tpu.memory_space<vmem>>, vector<16xf32>,
        %mul3A_108 = arith.mulf %get3A_104, %get3A_107 : vector<16xf32>
        %get3A_109 = arith.index_cast %scan3A_87 : i32 to index
        %get3A_110 = arith.constant 48 : index
        %get3A_111 = tpu.vector_load %arg11[%get3A_109, %get3A_110] {strides = array<i32>} : memref<64x144xf32, #tpu.memory_space<vmem>>, vector<16xf32>,
        %get3A_112 = arith.index_cast %scan3A_87 : i32 to index
        %get3A_113 = arith.constant 48 : index
        %get3A_114 = tpu.vector_load %arg12[%get3A_112, %get3A_113] {strides = array<i32>} : memref<64x144xf32, #tpu.memory_space<vmem>>, vector<16xf32>,
        %mul3A_115 = arith.mulf %get3A_111, %get3A_114 : vector<16xf32>
        %get3A_116 = arith.index_cast %scan3A_87 : i32 to index
        %get3A_117 = arith.constant 64 : index
        %get3A_118 = tpu.vector_load %arg11[%get3A_116, %get3A_117] {strides = array<i32>} : memref<64x144xf32, #tpu.memory_space<vmem>>, vector<16xf32>,
        %get3A_119 = arith.index_cast %scan3A_87 : i32 to index
        %get3A_120 = arith.constant 64 : index
        %get3A_121 = tpu.vector_load %arg12[%get3A_119, %get3A_120] {strides = array<i32>} : memref<64x144xf32, #tpu.memory_space<vmem>>, vector<16xf32>,
        %mul3A_122 = arith.mulf %get3A_118, %get3A_121 : vector<16xf32>
        %get3A_123 = arith.index_cast %scan3A_87 : i32 to index
        %get3A_124 = arith.constant 80 : index
        %get3A_125 = tpu.vector_load %arg11[%get3A_123, %get3A_124] {strides = array<i32>} : memref<64x144xf32, #tpu.memory_space<vmem>>, vector<16xf32>,
        %get3A_126 = arith.index_cast %scan3A_87 : i32 to index
        %get3A_127 = arith.constant 80 : index
        %get3A_128 = tpu.vector_load %arg12[%get3A_126, %get3A_127] {strides = array<i32>} : memref<64x144xf32, #tpu.memory_space<vmem>>, vector<16xf32>,
        %mul3A_129 = arith.mulf %get3A_125, %get3A_128 : vector<16xf32>
        %get3A_130 = arith.index_cast %scan3A_87 : i32 to index
        %get3A_131 = arith.constant 96 : index
        %get3A_132 = tpu.vector_load %arg11[%get3A_130, %get3A_131] {strides = array<i32>} : memref<64x144xf32, #tpu.memory_space<vmem>>, vector<16xf32>,
        %get3A_133 = arith.index_cast %scan3A_87 : i32 to index
        %get3A_134 = arith.constant 96 : index
        %get3A_135 = tpu.vector_load %arg12[%get3A_133, %get3A_134] {strides = array<i32>} : memref<64x144xf32, #tpu.memory_space<vmem>>, vector<16xf32>,
        %mul3A_136 = arith.mulf %get3A_132, %get3A_135 : vector<16xf32>
        %get3A_137 = arith.index_cast %scan3A_87 : i32 to index
        %get3A_138 = arith.constant 112 : index
        %get3A_139 = tpu.vector_load %arg11[%get3A_137, %get3A_138] {strides = array<i32>} : memref<64x144xf32, #tpu.memory_space<vmem>>, vector<16xf32>,
        %get3A_140 = arith.index_cast %scan3A_87 : i32 to index
        %get3A_141 = arith.constant 112 : index
        %get3A_142 = tpu.vector_load %arg12[%get3A_140, %get3A_141] {strides = array<i32>} : memref<64x144xf32, #tpu.memory_space<vmem>>, vector<16xf32>,
        %mul3A_143 = arith.mulf %get3A_139, %get3A_142 : vector<16xf32>
        %add3A_144 = arith.addf %mul3A_94, %mul3A_101 : vector<16xf32>
        %cumsum3A = arith.constant true
        %cumsum3A_145 = vector.broadcast %cumsum3A : i1 to vector<16xi1>
        %cumsum3A_146 = tpu.scan <sum>, %add3A_144 masked %cumsum3A_145 : vector<16xf32>, vector<16xi1> -> vector<16xf32>
        %broadcast_in_dim3A_147 = vector.shape_cast %broadcast_in_dim3A_79 : vector<16xi32> to vector<16x1xi32>
        %gather3A = vector.shape_cast %broadcast_in_dim3A_147 : vector<16x1xi32> to vector<16xi32>
        %gather3A_148 = tpu.dynamic_gather %cumsum3A_146[%gather3A] in [0] : vector<16xf32>, vector<16xi32> -> vector<16xf32>
        %eq3A = arith.constant 0 : i32
        %eq3A_149 = vector.broadcast %eq3A : i32 to vector<16xi32>
        %eq3A_150 = arith.cmpi eq, %iota3A, %eq3A_149 : vector<16xi32>
        %select_n3A_151 = arith.select %eq3A_150, %gather3A_148, %broadcast_in_dim3A_20 : vector<16xi1>, vector<16xf32>
        %add3A_152 = arith.addf %mul3A_108, %mul3A_115 : vector<16xf32>
        %cumsum3A_153 = arith.constant true
        %cumsum3A_154 = vector.broadcast %cumsum3A_153 : i1 to vector<16xi1>
        %cumsum3A_155 = tpu.scan <sum>, %add3A_152 masked %cumsum3A_154 : vector<16xf32>, vector<16xi1> -> vector<16xf32>
        %broadcast_in_dim3A_156 = vector.shape_cast %broadcast_in_dim3A_79 : vector<16xi32> to vector<16x1xi32>
        %gather3A_157 = vector.shape_cast %broadcast_in_dim3A_156 : vector<16x1xi32> to vector<16xi32>
        %gather3A_158 = tpu.dynamic_gather %cumsum3A_155[%gather3A_157] in [0] : vector<16xf32>, vector<16xi32> -> vector<16xf32>
        %eq3A_159 = arith.constant 1 : i32
        %eq3A_160 = vector.broadcast %eq3A_159 : i32 to vector<16xi32>
        %eq3A_161 = arith.cmpi eq, %iota3A, %eq3A_160 : vector<16xi32>
        %select_n3A_162 = arith.select %eq3A_161, %gather3A_158, %select_n3A_151 : vector<16xi1>, vector<16xf32>
        %add3A_163 = arith.addf %mul3A_122, %mul3A_129 : vector<16xf32>
        %cumsum3A_164 = arith.constant true
        %cumsum3A_165 = vector.broadcast %cumsum3A_164 : i1 to vector<16xi1>
        %cumsum3A_166 = tpu.scan <sum>, %add3A_163 masked %cumsum3A_165 : vector<16xf32>, vector<16xi1> -> vector<16xf32>
        %broadcast_in_dim3A_167 = vector.shape_cast %broadcast_in_dim3A_79 : vector<16xi32> to vector<16x1xi32>
        %gather3A_168 = vector.shape_cast %broadcast_in_dim3A_167 : vector<16x1xi32> to vector<16xi32>
        %gather3A_169 = tpu.dynamic_gather %cumsum3A_166[%gather3A_168] in [0] : vector<16xf32>, vector<16xi32> -> vector<16xf32>
        %eq3A_170 = arith.constant 2 : i32
        %eq3A_171 = vector.broadcast %eq3A_170 : i32 to vector<16xi32>
        %eq3A_172 = arith.cmpi eq, %iota3A, %eq3A_171 : vector<16xi32>
        %select_n3A_173 = arith.select %eq3A_172, %gather3A_169, %select_n3A_162 : vector<16xi1>, vector<16xf32>
        %add3A_174 = arith.addf %mul3A_136, %mul3A_143 : vector<16xf32>
        %cumsum3A_175 = arith.constant true
        %cumsum3A_176 = vector.broadcast %cumsum3A_175 : i1 to vector<16xi1>
        %cumsum3A_177 = tpu.scan <sum>, %add3A_174 masked %cumsum3A_176 : vector<16xf32>, vector<16xi1> -> vector<16xf32>
        %broadcast_in_dim3A_178 = vector.shape_cast %broadcast_in_dim3A_79 : vector<16xi32> to vector<16x1xi32>
        %gather3A_179 = vector.shape_cast %broadcast_in_dim3A_178 : vector<16x1xi32> to vector<16xi32>
        %gather3A_180 = tpu.dynamic_gather %cumsum3A_177[%gather3A_179] in [0] : vector<16xf32>, vector<16xi32> -> vector<16xf32>
        %eq3A_181 = arith.constant 3 : i32
        %eq3A_182 = vector.broadcast %eq3A_181 : i32 to vector<16xi32>
        %eq3A_183 = arith.cmpi eq, %iota3A, %eq3A_182 : vector<16xi32>
        %select_n3A_184 = arith.select %eq3A_183, %gather3A_180, %select_n3A_173 : vector<16xi1>, vector<16xf32>
        %exp3A = math.exp %select_n3A_184 : vector<16xf32>
        %broadcast_in_dim3A_185 = arith.constant 0 : i32
        %broadcast_in_dim3A_186 = vector.broadcast %broadcast_in_dim3A_185 : i32 to vector<16xi32>
        %broadcast_in_dim3A_187 = vector.shape_cast %broadcast_in_dim3A_186 : vector<16xi32> to vector<16x1xi32>
        %gather3A_188 = vector.shape_cast %broadcast_in_dim3A_187 : vector<16x1xi32> to vector<16xi32>
        %gather3A_189 = tpu.dynamic_gather %exp3A[%gather3A_188] in [0] : vector<16xf32>, vector<16xi32> -> vector<16xf32>
        %broadcast_in_dim3A_190 = arith.constant 1 : i32
        %broadcast_in_dim3A_191 = vector.broadcast %broadcast_in_dim3A_190 : i32 to vector<16xi32>
        %broadcast_in_dim3A_192 = vector.shape_cast %broadcast_in_dim3A_191 : vector<16xi32> to vector<16x1xi32>
        %gather3A_193 = vector.shape_cast %broadcast_in_dim3A_192 : vector<16x1xi32> to vector<16xi32>
        %gather3A_194 = tpu.dynamic_gather %exp3A[%gather3A_193] in [0] : vector<16xf32>, vector<16xi32> -> vector<16xf32>
        %broadcast_in_dim3A_195 = arith.constant 2 : i32
        %broadcast_in_dim3A_196 = vector.broadcast %broadcast_in_dim3A_195 : i32 to vector<16xi32>
        %broadcast_in_dim3A_197 = vector.shape_cast %broadcast_in_dim3A_196 : vector<16xi32> to vector<16x1xi32>
        %gather3A_198 = vector.shape_cast %broadcast_in_dim3A_197 : vector<16x1xi32> to vector<16xi32>
        %gather3A_199 = tpu.dynamic_gather %exp3A[%gather3A_198] in [0] : vector<16xf32>, vector<16xi32> -> vector<16xf32>
        %broadcast_in_dim3A_200 = arith.constant 3 : i32
        %broadcast_in_dim3A_201 = vector.broadcast %broadcast_in_dim3A_200 : i32 to vector<16xi32>
        %broadcast_in_dim3A_202 = vector.shape_cast %broadcast_in_dim3A_201 : vector<16xi32> to vector<16x1xi32>
        %gather3A_203 = vector.shape_cast %broadcast_in_dim3A_202 : vector<16x1xi32> to vector<16xi32>
        %gather3A_204 = tpu.dynamic_gather %exp3A[%gather3A_203] in [0] : vector<16xf32>, vector<16xi32> -> vector<16xf32>
        %get3A_205 = arith.index_cast %scan3A_87 : i32 to index
        %get3A_206 = arith.constant 0 : index
        %get3A_207 = tpu.vector_load %arg13[%get3A_205, %get3A_206] {strides = array<i32>} : memref<64x144xf32, #tpu.memory_space<vmem>>, vector<16xf32>,
        %mul3A_208 = arith.mulf %get3A_207, %gather3A_189 : vector<16xf32>
        %swap3A = arith.index_cast %scan3A_87 : i32 to index
        %swap3A_209 = arith.constant 0 : index
        %swap3A_210 = tpu.vector_load %arg14[%swap3A, %swap3A_209] {strides = array<i32>} : memref<64x144xf32, #tpu.memory_space<vmem>>, vector<16xf32>,
        tpu.vector_store %arg14[%swap3A, %swap3A_209], %mul3A_208 {strides = array<i32>} : memref<64x144xf32, #tpu.memory_space<vmem>>, vector<16xf32>,
        %get3A_211 = arith.index_cast %scan3A_87 : i32 to index
        %get3A_212 = arith.constant 16 : index
        %get3A_213 = tpu.vector_load %arg13[%get3A_211, %get3A_212] {strides = array<i32>} : memref<64x144xf32, #tpu.memory_space<vmem>>, vector<16xf32>,
        %mul3A_214 = arith.mulf %get3A_213, %gather3A_189 : vector<16xf32>
        %swap3A_215 = arith.index_cast %scan3A_87 : i32 to index
        %swap3A_216 = arith.constant 16 : index
        %swap3A_217 = tpu.vector_load %arg14[%swap3A_215, %swap3A_216] {strides = array<i32>} : memref<64x144xf32, #tpu.memory_space<vmem>>, vector<16xf32>,
        tpu.vector_store %arg14[%swap3A_215, %swap3A_216], %mul3A_214 {strides = array<i32>} : memref<64x144xf32, #tpu.memory_space<vmem>>, vector<16xf32>,
        %get3A_218 = arith.index_cast %scan3A_87 : i32 to index
        %get3A_219 = arith.constant 32 : index
        %get3A_220 = tpu.vector_load %arg13[%get3A_218, %get3A_219] {strides = array<i32>} : memref<64x144xf32, #tpu.memory_space<vmem>>, vector<16xf32>,
        %mul3A_221 = arith.mulf %get3A_220, %gather3A_194 : vector<16xf32>
        %swap3A_222 = arith.index_cast %scan3A_87 : i32 to index
        %swap3A_223 = arith.constant 32 : index
        %swap3A_224 = tpu.vector_load %arg14[%swap3A_222, %swap3A_223] {strides = array<i32>} : memref<64x144xf32, #tpu.memory_space<vmem>>, vector<16xf32>,
        tpu.vector_store %arg14[%swap3A_222, %swap3A_223], %mul3A_221 {strides = array<i32>} : memref<64x144xf32, #tpu.memory_space<vmem>>, vector<16xf32>,
        %get3A_225 = arith.index_cast %scan3A_87 : i32 to index
        %get3A_226 = arith.constant 48 : index
        %get3A_227 = tpu.vector_load %arg13[%get3A_225, %get3A_226] {strides = array<i32>} : memref<64x144xf32, #tpu.memory_space<vmem>>, vector<16xf32>,
        %mul3A_228 = arith.mulf %get3A_227, %gather3A_194 : vector<16xf32>
        %swap3A_229 = arith.index_cast %scan3A_87 : i32 to index
        %swap3A_230 = arith.constant 48 : index
        %swap3A_231 = tpu.vector_load %arg14[%swap3A_229, %swap3A_230] {strides = array<i32>} : memref<64x144xf32, #tpu.memory_space<vmem>>, vector<16xf32>,
        tpu.vector_store %arg14[%swap3A_229, %swap3A_230], %mul3A_228 {strides = array<i32>} : memref<64x144xf32, #tpu.memory_space<vmem>>, vector<16xf32>,
        %get3A_232 = arith.index_cast %scan3A_87 : i32 to index
        %get3A_233 = arith.constant 64 : index
        %get3A_234 = tpu.vector_load %arg13[%get3A_232, %get3A_233] {strides = array<i32>} : memref<64x144xf32, #tpu.memory_space<vmem>>, vector<16xf32>,
        %mul3A_235 = arith.mulf %get3A_234, %gather3A_199 : vector<16xf32>
        %swap3A_236 = arith.index_cast %scan3A_87 : i32 to index
        %swap3A_237 = arith.constant 64 : index
        %swap3A_238 = tpu.vector_load %arg14[%swap3A_236, %swap3A_237] {strides = array<i32>} : memref<64x144xf32, #tpu.memory_space<vmem>>, vector<16xf32>,
        tpu.vector_store %arg14[%swap3A_236, %swap3A_237], %mul3A_235 {strides = array<i32>} : memref<64x144xf32, #tpu.memory_space<vmem>>, vector<16xf32>,
        %get3A_239 = arith.index_cast %scan3A_87 : i32 to index
        %get3A_240 = arith.constant 80 : index
        %get3A_241 = tpu.vector_load %arg13[%get3A_239, %get3A_240] {strides = array<i32>} : memref<64x144xf32, #tpu.memory_space<vmem>>, vector<16xf32>,
        %mul3A_242 = arith.mulf %get3A_241, %gather3A_199 : vector<16xf32>
        %swap3A_243 = arith.index_cast %scan3A_87 : i32 to index
        %swap3A_244 = arith.constant 80 : index
        %swap3A_245 = tpu.vector_load %arg14[%swap3A_243, %swap3A_244] {strides = array<i32>} : memref<64x144xf32, #tpu.memory_space<vmem>>, vector<16xf32>,
        tpu.vector_store %arg14[%swap3A_243, %swap3A_244], %mul3A_242 {strides = array<i32>} : memref<64x144xf32, #tpu.memory_space<vmem>>, vector<16xf32>,
        %get3A_246 = arith.index_cast %scan3A_87 : i32 to index
        %get3A_247 = arith.constant 96 : index
        %get3A_248 = tpu.vector_load %arg13[%get3A_246, %get3A_247] {strides = array<i32>} : memref<64x144xf32, #tpu.memory_space<vmem>>, vector<16xf32>,
        %mul3A_249 = arith.mulf %get3A_248, %gather3A_204 : vector<16xf32>
        %swap3A_250 = arith.index_cast %scan3A_87 : i32 to index
        %swap3A_251 = arith.constant 96 : index
        %swap3A_252 = tpu.vector_load %arg14[%swap3A_250, %swap3A_251] {strides = array<i32>} : memref<64x144xf32, #tpu.memory_space<vmem>>, vector<16xf32>,
        tpu.vector_store %arg14[%swap3A_250, %swap3A_251], %mul3A_249 {strides = array<i32>} : memref<64x144xf32, #tpu.memory_space<vmem>>, vector<16xf32>,
        %get3A_253 = arith.index_cast %scan3A_87 : i32 to index
        %get3A_254 = arith.constant 112 : index
        %get3A_255 = tpu.vector_load %arg13[%get3A_253, %get3A_254] {strides = array<i32>} : memref<64x144xf32, #tpu.memory_space<vmem>>, vector<16xf32>,
        %mul3A_256 = arith.mulf %get3A_255, %gather3A_204 : vector<16xf32>
        %swap3A_257 = arith.index_cast %scan3A_87 : i32 to index
        %swap3A_258 = arith.constant 112 : index
        %swap3A_259 = tpu.vector_load %arg14[%swap3A_257, %swap3A_258] {strides = array<i32>} : memref<64x144xf32, #tpu.memory_space<vmem>>, vector<16xf32>,
        tpu.vector_store %arg14[%swap3A_257, %swap3A_258], %mul3A_256 {strides = array<i32>} : memref<64x144xf32, #tpu.memory_space<vmem>>, vector<16xf32>,
        %lt3A_260 = arith.constant 4 : i32
        %lt3A_261 = vector.broadcast %lt3A_260 : i32 to vector<16xi32>
        %lt3A_262 = arith.cmpi slt, %iota3A, %lt3A_261 : vector<16xi32>
        %jit3A_263 = arith.constant 0.000000e+00 : f32
        %broadcast_in_dim3A_264 = vector.broadcast %jit3A_263 : f32 to vector<16xf32>
        %select_n3A_265 = arith.select %lt3A_262, %exp3A, %broadcast_in_dim3A_264 : vector<16xi1>, vector<16xf32>
        %swap3A_266 = arith.index_cast %scan3A_87 : i32 to index
        %swap3A_267 = arith.constant 128 : index
        %swap3A_268 = tpu.vector_load %arg14[%swap3A_266, %swap3A_267] {strides = array<i32>} : memref<64x144xf32, #tpu.memory_space<vmem>>, vector<16xf32>,
        tpu.vector_store %arg14[%swap3A_266, %swap3A_267], %select_n3A_265 {strides = array<i32>} : memref<64x144xf32, #tpu.memory_space<vmem>>, vector<16xf32>,
        %scan3A_269 = arith.constant 0 : i32
        scf.yield %scan3A_269 : i32
      }
      %scan3A_85 = arith.constant 64 : i32
      "tpu.region"() ({
        %run_scoped3A = tpu.sem_alloc : memref<!tpu.dma_semaphore, #tpu.memory_space<semaphore_mem>>
        %dma_start3A_87 = arith.constant 0 : i32
        %dma_start3A_88 = arith.constant 0 : i32
        %dma_start3A_89 = tpu.memref_slice %arg15[%dma_start3A_87, %dma_start3A_88] : memref<10000x144xf32, #tpu.memory_space<vmem_shared>> -> memref<10000x144xf32, #tpu.memory_space<vmem_shared>>
        tpu.enqueue_indirect_dma source(%arg14 : memref<64x144xf32, #tpu.memory_space<vmem>>) target(%dma_start3A_89 : memref<10000x144xf32, #tpu.memory_space<vmem_shared>>) offsets(%arg10 : memref<64xi32, #tpu.memory_space<vmem>>) semaphore(%run_scoped3A : memref<!tpu.dma_semaphore, #tpu.memory_space<semaphore_mem>>) {add = true}
        %dma_wait3A_90 = arith.constant 0 : i32
        %dma_wait3A_91 = arith.constant 0 : i32
        %dma_wait3A_92 = tpu.memref_slice %arg15[%dma_wait3A_90, %dma_wait3A_91] : memref<10000x144xf32, #tpu.memory_space<vmem_shared>> -> memref<10000x144xf32, #tpu.memory_space<vmem_shared>>
        tpu.wait_indirect_dma semaphore(%run_scoped3A : memref<!tpu.dma_semaphore, #tpu.memory_space<semaphore_mem>>) src(%arg14 : memref<64x144xf32, #tpu.memory_space<vmem>>) dst(%dma_wait3A_92 : memref<10000x144xf32, #tpu.memory_space<vmem_shared>>)
        tpu.yield
      }) : () -> ()
      %while3A_86 = arith.constant 0 : i32
      scf.yield %while3A_86 : i32
    }
    %while3A_43 = arith.constant 1 : i32
    %while3A_44 = scf.for %while3A_58 = %while3A_40 to %while3A_36 step %while3A_43 iter_args(%while3A_59 = %while3A_42) -> (i32)  : i32 {
      %mul3A_60 = arith.constant 64 : i32
      %mul3A_61 = arith.muli %while3A_58, %mul3A_60 : i32
      "tpu.region"() ({
        %run_scoped3A = tpu.sem_alloc : memref<!tpu.dma_semaphore, #tpu.memory_space<semaphore_mem>>
        %dma_start3A_87 = tpu.memref_slice %arg5[%mul3A_61] : memref<320000xi32, #tpu.memory_space<hbm>> -> memref<64xi32, #tpu.memory_space<hbm>>
        %dma_start3A_88 = tpu.memref_slice %arg5[%mul3A_61] : memref<320000xi32, #tpu.memory_space<hbm>> -> memref<64xi32, #tpu.memory_space<hbm>>
        tpu.enqueue_dma source(%dma_start3A_88 : memref<64xi32, #tpu.memory_space<hbm>>) target(%arg9 : memref<64xi32, #tpu.memory_space<vmem>>) target_semaphore(%run_scoped3A : memref<!tpu.dma_semaphore, #tpu.memory_space<semaphore_mem>>)
        %dma_wait3A_89 = tpu.memref_slice %arg5[%mul3A_61] : memref<320000xi32, #tpu.memory_space<hbm>> -> memref<64xi32, #tpu.memory_space<hbm>>
        %dma_wait3A_90 = tpu.memref_slice %arg5[%mul3A_61] : memref<320000xi32, #tpu.memory_space<hbm>> -> memref<64xi32, #tpu.memory_space<hbm>>
        tpu.wait_dma2 semaphore(%run_scoped3A : memref<!tpu.dma_semaphore, #tpu.memory_space<semaphore_mem>>) src(%dma_wait3A_90 : memref<64xi32, #tpu.memory_space<hbm>>) dst(%arg9 : memref<64xi32, #tpu.memory_space<vmem>>)
        tpu.yield
      }) : () -> ()
      "tpu.region"() ({
        %run_scoped3A = tpu.sem_alloc : memref<!tpu.dma_semaphore, #tpu.memory_space<semaphore_mem>>
        %dma_start3A_87 = tpu.memref_slice %arg6[%mul3A_61] : memref<320000xi32, #tpu.memory_space<hbm>> -> memref<64xi32, #tpu.memory_space<hbm>>
        %dma_start3A_88 = tpu.memref_slice %arg6[%mul3A_61] : memref<320000xi32, #tpu.memory_space<hbm>> -> memref<64xi32, #tpu.memory_space<hbm>>
        tpu.enqueue_dma source(%dma_start3A_88 : memref<64xi32, #tpu.memory_space<hbm>>) target(%arg10 : memref<64xi32, #tpu.memory_space<vmem>>) target_semaphore(%run_scoped3A : memref<!tpu.dma_semaphore, #tpu.memory_space<semaphore_mem>>)
        %dma_wait3A_89 = tpu.memref_slice %arg6[%mul3A_61] : memref<320000xi32, #tpu.memory_space<hbm>> -> memref<64xi32, #tpu.memory_space<hbm>>
        %dma_wait3A_90 = tpu.memref_slice %arg6[%mul3A_61] : memref<320000xi32, #tpu.memory_space<hbm>> -> memref<64xi32, #tpu.memory_space<hbm>>
        tpu.wait_dma2 semaphore(%run_scoped3A : memref<!tpu.dma_semaphore, #tpu.memory_space<semaphore_mem>>) src(%dma_wait3A_90 : memref<64xi32, #tpu.memory_space<hbm>>) dst(%arg10 : memref<64xi32, #tpu.memory_space<vmem>>)
        tpu.yield
      }) : () -> ()
      %dma_start3A = arith.constant 0 : i32
      %dma_start3A_62 = arith.constant 0 : i32
      %dma_start3A_63 = tpu.memref_slice %arg2[%dma_start3A, %dma_start3A_62] : memref<10000x144xf32, #tpu.memory_space<hbm>> -> memref<10000x144xf32, #tpu.memory_space<hbm>>
      tpu.enqueue_indirect_dma source(%dma_start3A_63 : memref<10000x144xf32, #tpu.memory_space<hbm>>) target(%arg11 : memref<64x144xf32, #tpu.memory_space<vmem>>) offsets(%arg10 : memref<64xi32, #tpu.memory_space<vmem>>) semaphore(%arg16 : memref<!tpu.dma_semaphore, #tpu.memory_space<semaphore_mem>>)
      %dma_start3A_64 = arith.constant 0 : i32
      %dma_start3A_65 = arith.constant 0 : i32
      %dma_start3A_66 = tpu.memref_slice %arg3[%dma_start3A_64, %dma_start3A_65] : memref<10000x144xf32, #tpu.memory_space<hbm>> -> memref<10000x144xf32, #tpu.memory_space<hbm>>
      tpu.enqueue_indirect_dma source(%dma_start3A_66 : memref<10000x144xf32, #tpu.memory_space<hbm>>) target(%arg12 : memref<64x144xf32, #tpu.memory_space<vmem>>) offsets(%arg9 : memref<64xi32, #tpu.memory_space<vmem>>) semaphore(%arg17 : memref<!tpu.dma_semaphore, #tpu.memory_space<semaphore_mem>>)
      %dma_start3A_67 = arith.constant 0 : i32
      %dma_start3A_68 = arith.constant 0 : i32
      %dma_start3A_69 = tpu.memref_slice %arg4[%dma_start3A_67, %dma_start3A_68] : memref<10000x144xf32, #tpu.memory_space<hbm>> -> memref<10000x144xf32, #tpu.memory_space<hbm>>
      tpu.enqueue_indirect_dma source(%dma_start3A_69 : memref<10000x144xf32, #tpu.memory_space<hbm>>) target(%arg13 : memref<64x144xf32, #tpu.memory_space<vmem>>) offsets(%arg9 : memref<64xi32, #tpu.memory_space<vmem>>) semaphore(%arg18 : memref<!tpu.dma_semaphore, #tpu.memory_space<semaphore_mem>>)
      %dma_wait3A = arith.constant 0 : i32
      %dma_wait3A_70 = arith.constant 0 : i32
      %dma_wait3A_71 = tpu.memref_slice %arg2[%dma_wait3A, %dma_wait3A_70] : memref<10000x144xf32, #tpu.memory_space<hbm>> -> memref<10000x144xf32, #tpu.memory_space<hbm>>
      tpu.wait_indirect_dma semaphore(%arg16 : memref<!tpu.dma_semaphore, #tpu.memory_space<semaphore_mem>>) src(%dma_wait3A_71 : memref<10000x144xf32, #tpu.memory_space<hbm>>) dst(%arg11 : memref<64x144xf32, #tpu.memory_space<vmem>>)
      %dma_wait3A_72 = arith.constant 0 : i32
      %dma_wait3A_73 = arith.constant 0 : i32
      %dma_wait3A_74 = tpu.memref_slice %arg3[%dma_wait3A_72, %dma_wait3A_73] : memref<10000x144xf32, #tpu.memory_space<hbm>> -> memref<10000x144xf32, #tpu.memory_space<hbm>>
      tpu.wait_indirect_dma semaphore(%arg17 : memref<!tpu.dma_semaphore, #tpu.memory_space<semaphore_mem>>) src(%dma_wait3A_74 : memref<10000x144xf32, #tpu.memory_space<hbm>>) dst(%arg12 : memref<64x144xf32, #tpu.memory_space<vmem>>)
      %dma_wait3A_75 = arith.constant 0 : i32
      %dma_wait3A_76 = arith.constant 0 : i32
      %dma_wait3A_77 = tpu.memref_slice %arg4[%dma_wait3A_75, %dma_wait3A_76] : memref<10000x144xf32, #tpu.memory_space<hbm>> -> memref<10000x144xf32, #tpu.memory_space<hbm>>
      tpu.wait_indirect_dma semaphore(%arg18 : memref<!tpu.dma_semaphore, #tpu.memory_space<semaphore_mem>>) src(%dma_wait3A_77 : memref<10000x144xf32, #tpu.memory_space<hbm>>) dst(%arg13 : memref<64x144xf32, #tpu.memory_space<vmem>>)
      %broadcast_in_dim3A_78 = arith.constant 15 : i32
      %broadcast_in_dim3A_79 = vector.broadcast %broadcast_in_dim3A_78 : i32 to vector<16xi32>
      %scan3A = arith.constant 0 : i32
      %scan3A_80 = arith.constant 0 : i32
      %scan3A_81 = arith.constant 64 : i32
      %scan3A_82 = arith.addi %scan3A_80, %scan3A_81 : i32
      %scan3A_83 = arith.constant 1 : i32
      %scan3A_84 = scf.for %scan3A_87 = %scan3A_80 to %scan3A_82 step %scan3A_83 iter_args(%scan3A_88 = %scan3A) -> (i32)  : i32 {
        %get3A = arith.index_cast %scan3A_87 : i32 to index
        %get3A_89 = arith.constant 0 : index
        %get3A_90 = tpu.vector_load %arg11[%get3A, %get3A_89] {strides = array<i32>} : memref<64x144xf32, #tpu.memory_space<vmem>>, vector<16xf32>,
        %get3A_91 = arith.index_cast %scan3A_87 : i32 to index
        %get3A_92 = arith.constant 0 : index
        %get3A_93 = tpu.vector_load %arg12[%get3A_91, %get3A_92] {strides = array<i32>} : memref<64x144xf32, #tpu.memory_space<vmem>>, vector<16xf32>,
        %mul3A_94 = arith.mulf %get3A_90, %get3A_93 : vector<16xf32>
        %get3A_95 = arith.index_cast %scan3A_87 : i32 to index
        %get3A_96 = arith.constant 16 : index
        %get3A_97 = tpu.vector_load %arg11[%get3A_95, %get3A_96] {strides = array<i32>} : memref<64x144xf32, #tpu.memory_space<vmem>>, vector<16xf32>,
        %get3A_98 = arith.index_cast %scan3A_87 : i32 to index
        %get3A_99 = arith.constant 16 : index
        %get3A_100 = tpu.vector_load %arg12[%get3A_98, %get3A_99] {strides = array<i32>} : memref<64x144xf32, #tpu.memory_space<vmem>>, vector<16xf32>,
        %mul3A_101 = arith.mulf %get3A_97, %get3A_100 : vector<16xf32>
        %get3A_102 = arith.index_cast %scan3A_87 : i32 to index
        %get3A_103 = arith.constant 32 : index
        %get3A_104 = tpu.vector_load %arg11[%get3A_102, %get3A_103] {strides = array<i32>} : memref<64x144xf32, #tpu.memory_space<vmem>>, vector<16xf32>,
        %get3A_105 = arith.index_cast %scan3A_87 : i32 to index
        %get3A_106 = arith.constant 32 : index
        %get3A_107 = tpu.vector_load %arg12[%get3A_105, %get3A_106] {strides = array<i32>} : memref<64x144xf32, #tpu.memory_space<vmem>>, vector<16xf32>,
        %mul3A_108 = arith.mulf %get3A_104, %get3A_107 : vector<16xf32>
        %get3A_109 = arith.index_cast %scan3A_87 : i32 to index
        %get3A_110 = arith.constant 48 : index
        %get3A_111 = tpu.vector_load %arg11[%get3A_109, %get3A_110] {strides = array<i32>} : memref<64x144xf32, #tpu.memory_space<vmem>>, vector<16xf32>,
        %get3A_112 = arith.index_cast %scan3A_87 : i32 to index
        %get3A_113 = arith.constant 48 : index
        %get3A_114 = tpu.vector_load %arg12[%get3A_112, %get3A_113] {strides = array<i32>} : memref<64x144xf32, #tpu.memory_space<vmem>>, vector<16xf32>,
        %mul3A_115 = arith.mulf %get3A_111, %get3A_114 : vector<16xf32>
        %get3A_116 = arith.index_cast %scan3A_87 : i32 to index
        %get3A_117 = arith.constant 64 : index
        %get3A_118 = tpu.vector_load %arg11[%get3A_116, %get3A_117] {strides = array<i32>} : memref<64x144xf32, #tpu.memory_space<vmem>>, vector<16xf32>,
        %get3A_119 = arith.index_cast %scan3A_87 : i32 to index
        %get3A_120 = arith.constant 64 : index
        %get3A_121 = tpu.vector_load %arg12[%get3A_119, %get3A_120] {strides = array<i32>} : memref<64x144xf32, #tpu.memory_space<vmem>>, vector<16xf32>,
        %mul3A_122 = arith.mulf %get3A_118, %get3A_121 : vector<16xf32>
        %get3A_123 = arith.index_cast %scan3A_87 : i32 to index
        %get3A_124 = arith.constant 80 : index
        %get3A_125 = tpu.vector_load %arg11[%get3A_123, %get3A_124] {strides = array<i32>} : memref<64x144xf32, #tpu.memory_space<vmem>>, vector<16xf32>,
        %get3A_126 = arith.index_cast %scan3A_87 : i32 to index
        %get3A_127 = arith.constant 80 : index
        %get3A_128 = tpu.vector_load %arg12[%get3A_126, %get3A_127] {strides = array<i32>} : memref<64x144xf32, #tpu.memory_space<vmem>>, vector<16xf32>,
        %mul3A_129 = arith.mulf %get3A_125, %get3A_128 : vector<16xf32>
        %get3A_130 = arith.index_cast %scan3A_87 : i32 to index
        %get3A_131 = arith.constant 96 : index
        %get3A_132 = tpu.vector_load %arg11[%get3A_130, %get3A_131] {strides = array<i32>} : memref<64x144xf32, #tpu.memory_space<vmem>>, vector<16xf32>,
        %get3A_133 = arith.index_cast %scan3A_87 : i32 to index
        %get3A_134 = arith.constant 96 : index
        %get3A_135 = tpu.vector_load %arg12[%get3A_133, %get3A_134] {strides = array<i32>} : memref<64x144xf32, #tpu.memory_space<vmem>>, vector<16xf32>,
        %mul3A_136 = arith.mulf %get3A_132, %get3A_135 : vector<16xf32>
        %get3A_137 = arith.index_cast %scan3A_87 : i32 to index
        %get3A_138 = arith.constant 112 : index
        %get3A_139 = tpu.vector_load %arg11[%get3A_137, %get3A_138] {strides = array<i32>} : memref<64x144xf32, #tpu.memory_space<vmem>>, vector<16xf32>,
        %get3A_140 = arith.index_cast %scan3A_87 : i32 to index
        %get3A_141 = arith.constant 112 : index
        %get3A_142 = tpu.vector_load %arg12[%get3A_140, %get3A_141] {strides = array<i32>} : memref<64x144xf32, #tpu.memory_space<vmem>>, vector<16xf32>,
        %mul3A_143 = arith.mulf %get3A_139, %get3A_142 : vector<16xf32>
        %add3A_144 = arith.addf %mul3A_94, %mul3A_101 : vector<16xf32>
        %cumsum3A = arith.constant true
        %cumsum3A_145 = vector.broadcast %cumsum3A : i1 to vector<16xi1>
        %cumsum3A_146 = tpu.scan <sum>, %add3A_144 masked %cumsum3A_145 : vector<16xf32>, vector<16xi1> -> vector<16xf32>
        %broadcast_in_dim3A_147 = vector.shape_cast %broadcast_in_dim3A_79 : vector<16xi32> to vector<16x1xi32>
        %gather3A = vector.shape_cast %broadcast_in_dim3A_147 : vector<16x1xi32> to vector<16xi32>
        %gather3A_148 = tpu.dynamic_gather %cumsum3A_146[%gather3A] in [0] : vector<16xf32>, vector<16xi32> -> vector<16xf32>
        %eq3A = arith.constant 0 : i32
        %eq3A_149 = vector.broadcast %eq3A : i32 to vector<16xi32>
        %eq3A_150 = arith.cmpi eq, %iota3A, %eq3A_149 : vector<16xi32>
        %select_n3A_151 = arith.select %eq3A_150, %gather3A_148, %broadcast_in_dim3A_20 : vector<16xi1>, vector<16xf32>
        %add3A_152 = arith.addf %mul3A_108, %mul3A_115 : vector<16xf32>
        %cumsum3A_153 = arith.constant true
        %cumsum3A_154 = vector.broadcast %cumsum3A_153 : i1 to vector<16xi1>
        %cumsum3A_155 = tpu.scan <sum>, %add3A_152 masked %cumsum3A_154 : vector<16xf32>, vector<16xi1> -> vector<16xf32>
        %broadcast_in_dim3A_156 = vector.shape_cast %broadcast_in_dim3A_79 : vector<16xi32> to vector<16x1xi32>
        %gather3A_157 = vector.shape_cast %broadcast_in_dim3A_156 : vector<16x1xi32> to vector<16xi32>
        %gather3A_158 = tpu.dynamic_gather %cumsum3A_155[%gather3A_157] in [0] : vector<16xf32>, vector<16xi32> -> vector<16xf32>
        %eq3A_159 = arith.constant 1 : i32
        %eq3A_160 = vector.broadcast %eq3A_159 : i32 to vector<16xi32>
        %eq3A_161 = arith.cmpi eq, %iota3A, %eq3A_160 : vector<16xi32>
        %select_n3A_162 = arith.select %eq3A_161, %gather3A_158, %select_n3A_151 : vector<16xi1>, vector<16xf32>
        %add3A_163 = arith.addf %mul3A_122, %mul3A_129 : vector<16xf32>
        %cumsum3A_164 = arith.constant true
        %cumsum3A_165 = vector.broadcast %cumsum3A_164 : i1 to vector<16xi1>
        %cumsum3A_166 = tpu.scan <sum>, %add3A_163 masked %cumsum3A_165 : vector<16xf32>, vector<16xi1> -> vector<16xf32>
        %broadcast_in_dim3A_167 = vector.shape_cast %broadcast_in_dim3A_79 : vector<16xi32> to vector<16x1xi32>
        %gather3A_168 = vector.shape_cast %broadcast_in_dim3A_167 : vector<16x1xi32> to vector<16xi32>
        %gather3A_169 = tpu.dynamic_gather %cumsum3A_166[%gather3A_168] in [0] : vector<16xf32>, vector<16xi32> -> vector<16xf32>
        %eq3A_170 = arith.constant 2 : i32
        %eq3A_171 = vector.broadcast %eq3A_170 : i32 to vector<16xi32>
        %eq3A_172 = arith.cmpi eq, %iota3A, %eq3A_171 : vector<16xi32>
        %select_n3A_173 = arith.select %eq3A_172, %gather3A_169, %select_n3A_162 : vector<16xi1>, vector<16xf32>
        %add3A_174 = arith.addf %mul3A_136, %mul3A_143 : vector<16xf32>
        %cumsum3A_175 = arith.constant true
        %cumsum3A_176 = vector.broadcast %cumsum3A_175 : i1 to vector<16xi1>
        %cumsum3A_177 = tpu.scan <sum>, %add3A_174 masked %cumsum3A_176 : vector<16xf32>, vector<16xi1> -> vector<16xf32>
        %broadcast_in_dim3A_178 = vector.shape_cast %broadcast_in_dim3A_79 : vector<16xi32> to vector<16x1xi32>
        %gather3A_179 = vector.shape_cast %broadcast_in_dim3A_178 : vector<16x1xi32> to vector<16xi32>
        %gather3A_180 = tpu.dynamic_gather %cumsum3A_177[%gather3A_179] in [0] : vector<16xf32>, vector<16xi32> -> vector<16xf32>
        %eq3A_181 = arith.constant 3 : i32
        %eq3A_182 = vector.broadcast %eq3A_181 : i32 to vector<16xi32>
        %eq3A_183 = arith.cmpi eq, %iota3A, %eq3A_182 : vector<16xi32>
        %select_n3A_184 = arith.select %eq3A_183, %gather3A_180, %select_n3A_173 : vector<16xi1>, vector<16xf32>
        %exp3A = math.exp %select_n3A_184 : vector<16xf32>
        %broadcast_in_dim3A_185 = arith.constant 0 : i32
        %broadcast_in_dim3A_186 = vector.broadcast %broadcast_in_dim3A_185 : i32 to vector<16xi32>
        %broadcast_in_dim3A_187 = vector.shape_cast %broadcast_in_dim3A_186 : vector<16xi32> to vector<16x1xi32>
        %gather3A_188 = vector.shape_cast %broadcast_in_dim3A_187 : vector<16x1xi32> to vector<16xi32>
        %gather3A_189 = tpu.dynamic_gather %exp3A[%gather3A_188] in [0] : vector<16xf32>, vector<16xi32> -> vector<16xf32>
        %broadcast_in_dim3A_190 = arith.constant 1 : i32
        %broadcast_in_dim3A_191 = vector.broadcast %broadcast_in_dim3A_190 : i32 to vector<16xi32>
        %broadcast_in_dim3A_192 = vector.shape_cast %broadcast_in_dim3A_191 : vector<16xi32> to vector<16x1xi32>
        %gather3A_193 = vector.shape_cast %broadcast_in_dim3A_192 : vector<16x1xi32> to vector<16xi32>
        %gather3A_194 = tpu.dynamic_gather %exp3A[%gather3A_193] in [0] : vector<16xf32>, vector<16xi32> -> vector<16xf32>
        %broadcast_in_dim3A_195 = arith.constant 2 : i32
        %broadcast_in_dim3A_196 = vector.broadcast %broadcast_in_dim3A_195 : i32 to vector<16xi32>
        %broadcast_in_dim3A_197 = vector.shape_cast %broadcast_in_dim3A_196 : vector<16xi32> to vector<16x1xi32>
        %gather3A_198 = vector.shape_cast %broadcast_in_dim3A_197 : vector<16x1xi32> to vector<16xi32>
        %gather3A_199 = tpu.dynamic_gather %exp3A[%gather3A_198] in [0] : vector<16xf32>, vector<16xi32> -> vector<16xf32>
        %broadcast_in_dim3A_200 = arith.constant 3 : i32
        %broadcast_in_dim3A_201 = vector.broadcast %broadcast_in_dim3A_200 : i32 to vector<16xi32>
        %broadcast_in_dim3A_202 = vector.shape_cast %broadcast_in_dim3A_201 : vector<16xi32> to vector<16x1xi32>
        %gather3A_203 = vector.shape_cast %broadcast_in_dim3A_202 : vector<16x1xi32> to vector<16xi32>
        %gather3A_204 = tpu.dynamic_gather %exp3A[%gather3A_203] in [0] : vector<16xf32>, vector<16xi32> -> vector<16xf32>
        %get3A_205 = arith.index_cast %scan3A_87 : i32 to index
        %get3A_206 = arith.constant 0 : index
        %get3A_207 = tpu.vector_load %arg13[%get3A_205, %get3A_206] {strides = array<i32>} : memref<64x144xf32, #tpu.memory_space<vmem>>, vector<16xf32>,
        %mul3A_208 = arith.mulf %get3A_207, %gather3A_189 : vector<16xf32>
        %swap3A = arith.index_cast %scan3A_87 : i32 to index
        %swap3A_209 = arith.constant 0 : index
        %swap3A_210 = tpu.vector_load %arg14[%swap3A, %swap3A_209] {strides = array<i32>} : memref<64x144xf32, #tpu.memory_space<vmem>>, vector<16xf32>,
        tpu.vector_store %arg14[%swap3A, %swap3A_209], %mul3A_208 {strides = array<i32>} : memref<64x144xf32, #tpu.memory_space<vmem>>, vector<16xf32>,
        %get3A_211 = arith.index_cast %scan3A_87 : i32 to index
        %get3A_212 = arith.constant 16 : index
        %get3A_213 = tpu.vector_load %arg13[%get3A_211, %get3A_212] {strides = array<i32>} : memref<64x144xf32, #tpu.memory_space<vmem>>, vector<16xf32>,
        %mul3A_214 = arith.mulf %get3A_213, %gather3A_189 : vector<16xf32>
        %swap3A_215 = arith.index_cast %scan3A_87 : i32 to index
        %swap3A_216 = arith.constant 16 : index
        %swap3A_217 = tpu.vector_load %arg14[%swap3A_215, %swap3A_216] {strides = array<i32>} : memref<64x144xf32, #tpu.memory_space<vmem>>, vector<16xf32>,
        tpu.vector_store %arg14[%swap3A_215, %swap3A_216], %mul3A_214 {strides = array<i32>} : memref<64x144xf32, #tpu.memory_space<vmem>>, vector<16xf32>,
        %get3A_218 = arith.index_cast %scan3A_87 : i32 to index
        %get3A_219 = arith.constant 32 : index
        %get3A_220 = tpu.vector_load %arg13[%get3A_218, %get3A_219] {strides = array<i32>} : memref<64x144xf32, #tpu.memory_space<vmem>>, vector<16xf32>,
        %mul3A_221 = arith.mulf %get3A_220, %gather3A_194 : vector<16xf32>
        %swap3A_222 = arith.index_cast %scan3A_87 : i32 to index
        %swap3A_223 = arith.constant 32 : index
        %swap3A_224 = tpu.vector_load %arg14[%swap3A_222, %swap3A_223] {strides = array<i32>} : memref<64x144xf32, #tpu.memory_space<vmem>>, vector<16xf32>,
        tpu.vector_store %arg14[%swap3A_222, %swap3A_223], %mul3A_221 {strides = array<i32>} : memref<64x144xf32, #tpu.memory_space<vmem>>, vector<16xf32>,
        %get3A_225 = arith.index_cast %scan3A_87 : i32 to index
        %get3A_226 = arith.constant 48 : index
        %get3A_227 = tpu.vector_load %arg13[%get3A_225, %get3A_226] {strides = array<i32>} : memref<64x144xf32, #tpu.memory_space<vmem>>, vector<16xf32>,
        %mul3A_228 = arith.mulf %get3A_227, %gather3A_194 : vector<16xf32>
        %swap3A_229 = arith.index_cast %scan3A_87 : i32 to index
        %swap3A_230 = arith.constant 48 : index
        %swap3A_231 = tpu.vector_load %arg14[%swap3A_229, %swap3A_230] {strides = array<i32>} : memref<64x144xf32, #tpu.memory_space<vmem>>, vector<16xf32>,
        tpu.vector_store %arg14[%swap3A_229, %swap3A_230], %mul3A_228 {strides = array<i32>} : memref<64x144xf32, #tpu.memory_space<vmem>>, vector<16xf32>,
        %get3A_232 = arith.index_cast %scan3A_87 : i32 to index
        %get3A_233 = arith.constant 64 : index
        %get3A_234 = tpu.vector_load %arg13[%get3A_232, %get3A_233] {strides = array<i32>} : memref<64x144xf32, #tpu.memory_space<vmem>>, vector<16xf32>,
        %mul3A_235 = arith.mulf %get3A_234, %gather3A_199 : vector<16xf32>
        %swap3A_236 = arith.index_cast %scan3A_87 : i32 to index
        %swap3A_237 = arith.constant 64 : index
        %swap3A_238 = tpu.vector_load %arg14[%swap3A_236, %swap3A_237] {strides = array<i32>} : memref<64x144xf32, #tpu.memory_space<vmem>>, vector<16xf32>,
        tpu.vector_store %arg14[%swap3A_236, %swap3A_237], %mul3A_235 {strides = array<i32>} : memref<64x144xf32, #tpu.memory_space<vmem>>, vector<16xf32>,
        %get3A_239 = arith.index_cast %scan3A_87 : i32 to index
        %get3A_240 = arith.constant 80 : index
        %get3A_241 = tpu.vector_load %arg13[%get3A_239, %get3A_240] {strides = array<i32>} : memref<64x144xf32, #tpu.memory_space<vmem>>, vector<16xf32>,
        %mul3A_242 = arith.mulf %get3A_241, %gather3A_199 : vector<16xf32>
        %swap3A_243 = arith.index_cast %scan3A_87 : i32 to index
        %swap3A_244 = arith.constant 80 : index
        %swap3A_245 = tpu.vector_load %arg14[%swap3A_243, %swap3A_244] {strides = array<i32>} : memref<64x144xf32, #tpu.memory_space<vmem>>, vector<16xf32>,
        tpu.vector_store %arg14[%swap3A_243, %swap3A_244], %mul3A_242 {strides = array<i32>} : memref<64x144xf32, #tpu.memory_space<vmem>>, vector<16xf32>,
        %get3A_246 = arith.index_cast %scan3A_87 : i32 to index
        %get3A_247 = arith.constant 96 : index
        %get3A_248 = tpu.vector_load %arg13[%get3A_246, %get3A_247] {strides = array<i32>} : memref<64x144xf32, #tpu.memory_space<vmem>>, vector<16xf32>,
        %mul3A_249 = arith.mulf %get3A_248, %gather3A_204 : vector<16xf32>
        %swap3A_250 = arith.index_cast %scan3A_87 : i32 to index
        %swap3A_251 = arith.constant 96 : index
        %swap3A_252 = tpu.vector_load %arg14[%swap3A_250, %swap3A_251] {strides = array<i32>} : memref<64x144xf32, #tpu.memory_space<vmem>>, vector<16xf32>,
        tpu.vector_store %arg14[%swap3A_250, %swap3A_251], %mul3A_249 {strides = array<i32>} : memref<64x144xf32, #tpu.memory_space<vmem>>, vector<16xf32>,
        %get3A_253 = arith.index_cast %scan3A_87 : i32 to index
        %get3A_254 = arith.constant 112 : index
        %get3A_255 = tpu.vector_load %arg13[%get3A_253, %get3A_254] {strides = array<i32>} : memref<64x144xf32, #tpu.memory_space<vmem>>, vector<16xf32>,
        %mul3A_256 = arith.mulf %get3A_255, %gather3A_204 : vector<16xf32>
        %swap3A_257 = arith.index_cast %scan3A_87 : i32 to index
        %swap3A_258 = arith.constant 112 : index
        %swap3A_259 = tpu.vector_load %arg14[%swap3A_257, %swap3A_258] {strides = array<i32>} : memref<64x144xf32, #tpu.memory_space<vmem>>, vector<16xf32>,
        tpu.vector_store %arg14[%swap3A_257, %swap3A_258], %mul3A_256 {strides = array<i32>} : memref<64x144xf32, #tpu.memory_space<vmem>>, vector<16xf32>,
        %lt3A_260 = arith.constant 4 : i32
        %lt3A_261 = vector.broadcast %lt3A_260 : i32 to vector<16xi32>
        %lt3A_262 = arith.cmpi slt, %iota3A, %lt3A_261 : vector<16xi32>
        %jit3A_263 = arith.constant 0.000000e+00 : f32
        %broadcast_in_dim3A_264 = vector.broadcast %jit3A_263 : f32 to vector<16xf32>
        %select_n3A_265 = arith.select %lt3A_262, %exp3A, %broadcast_in_dim3A_264 : vector<16xi1>, vector<16xf32>
        %swap3A_266 = arith.index_cast %scan3A_87 : i32 to index
        %swap3A_267 = arith.constant 128 : index
        %swap3A_268 = tpu.vector_load %arg14[%swap3A_266, %swap3A_267] {strides = array<i32>} : memref<64x144xf32, #tpu.memory_space<vmem>>, vector<16xf32>,
        tpu.vector_store %arg14[%swap3A_266, %swap3A_267], %select_n3A_265 {strides = array<i32>} : memref<64x144xf32, #tpu.memory_space<vmem>>, vector<16xf32>,
        %scan3A_269 = arith.constant 0 : i32
        scf.yield %scan3A_269 : i32
      }
      %scan3A_85 = arith.constant 64 : i32
      "tpu.region"() ({
        %run_scoped3A = tpu.sem_alloc : memref<!tpu.dma_semaphore, #tpu.memory_space<semaphore_mem>>
        %dma_start3A_87 = arith.constant 0 : i32
        %dma_start3A_88 = arith.constant 0 : i32
        %dma_start3A_89 = tpu.memref_slice %arg15[%dma_start3A_87, %dma_start3A_88] : memref<10000x144xf32, #tpu.memory_space<vmem_shared>> -> memref<10000x144xf32, #tpu.memory_space<vmem_shared>>
        tpu.enqueue_indirect_dma source(%arg14 : memref<64x144xf32, #tpu.memory_space<vmem>>) target(%dma_start3A_89 : memref<10000x144xf32, #tpu.memory_space<vmem_shared>>) offsets(%arg10 : memref<64xi32, #tpu.memory_space<vmem>>) semaphore(%run_scoped3A : memref<!tpu.dma_semaphore, #tpu.memory_space<semaphore_mem>>) {add = true}
        %dma_wait3A_90 = arith.constant 0 : i32
        %dma_wait3A_91 = arith.constant 0 : i32
        %dma_wait3A_92 = tpu.memref_slice %arg15[%dma_wait3A_90, %dma_wait3A_91] : memref<10000x144xf32, #tpu.memory_space<vmem_shared>> -> memref<10000x144xf32, #tpu.memory_space<vmem_shared>>
        tpu.wait_indirect_dma semaphore(%run_scoped3A : memref<!tpu.dma_semaphore, #tpu.memory_space<semaphore_mem>>) src(%arg14 : memref<64x144xf32, #tpu.memory_space<vmem>>) dst(%dma_wait3A_92 : memref<10000x144xf32, #tpu.memory_space<vmem_shared>>)
        tpu.yield
      }) : () -> ()
      %while3A_86 = arith.constant 0 : i32
      scf.yield %while3A_86 : i32
    }
    %barrier3A_45 = arith.constant 0 : index
    tpu.barrier barrier_id(%barrier3A_45)
    %add3A_46 = arith.addi %add3A_4, %add3A_8 : i32
    %while3A_47 = arith.constant 0 : i32
    %while3A_48 = arith.subi %add3A_46, %add3A_4 : i32
    %while3A_49 = arith.addi %add3A_4, %while3A_48 : i32
    %while3A_50 = arith.constant 1 : i32
    %while3A_51 = arith.divsi %while3A_48, %while3A_50 : i32
    %while3A_52 = arith.muli %while3A_51, %while3A_50 : i32
    %while3A_53 = arith.addi %add3A_4, %while3A_52 : i32
    %while3A_54 = arith.constant 1 : i32
    %while3A_55 = scf.for %while3A_58 = %add3A_4 to %while3A_53 step %while3A_54 iter_args(%while3A_59 = %while3A_47) -> (i32)  : i32 {
      %mul3A_60 = arith.constant 80 : i32
      %mul3A_61 = arith.muli %while3A_58, %mul3A_60 : i32
      "tpu.region"() ({
        %run_scoped3A = tpu.sem_alloc : memref<!tpu.dma_semaphore, #tpu.memory_space<semaphore_mem>>
        %dma_start3A = arith.constant 0 : i32
        %dma_start3A_63 = tpu.memref_slice %arg8[%arg0, %mul3A_61, %dma_start3A] : memref<2x10000x144xf32, #tpu.memory_space<hbm>> -> memref<1x80x144xf32, #tpu.memory_space<hbm>>
        %dma_start3A_64 = tpu.memref_squeeze %dma_start3A_63 : memref<1x80x144xf32, #tpu.memory_space<hbm>> -> memref<80x144xf32, #tpu.memory_space<hbm>>
        %dma_start3A_65 = arith.constant 0 : i32
        %dma_start3A_66 = tpu.memref_slice %arg15[%mul3A_61, %dma_start3A_65] : memref<10000x144xf32, #tpu.memory_space<vmem_shared>> -> memref<80x144xf32, #tpu.memory_space<vmem_shared>>
        tpu.enqueue_dma source(%dma_start3A_66 : memref<80x144xf32, #tpu.memory_space<vmem_shared>>) target(%dma_start3A_64 : memref<80x144xf32, #tpu.memory_space<hbm>>) target_semaphore(%run_scoped3A : memref<!tpu.dma_semaphore, #tpu.memory_space<semaphore_mem>>)
        %dma_wait3A = arith.constant 0 : i32
        %dma_wait3A_67 = tpu.memref_slice %arg8[%arg0, %mul3A_61, %dma_wait3A] : memref<2x10000x144xf32, #tpu.memory_space<hbm>> -> memref<1x80x144xf32, #tpu.memory_space<hbm>>
        %dma_wait3A_68 = tpu.memref_squeeze %dma_wait3A_67 : memref<1x80x144xf32, #tpu.memory_space<hbm>> -> memref<80x144xf32, #tpu.memory_space<hbm>>
        %dma_wait3A_69 = arith.constant 0 : i32
        %dma_wait3A_70 = tpu.memref_slice %arg15[%mul3A_61, %dma_wait3A_69] : memref<10000x144xf32, #tpu.memory_space<vmem_shared>> -> memref<80x144xf32, #tpu.memory_space<vmem_shared>>
        tpu.wait_dma2 semaphore(%run_scoped3A : memref<!tpu.dma_semaphore, #tpu.memory_space<semaphore_mem>>) src(%dma_wait3A_70 : memref<80x144xf32, #tpu.memory_space<vmem_shared>>) dst(%dma_wait3A_68 : memref<80x144xf32, #tpu.memory_space<hbm>>)
        tpu.yield
      }) : () -> ()
      %while3A_62 = arith.constant 0 : i32
      scf.yield %while3A_62 : i32
    }
    %while3A_56 = arith.constant 1 : i32
    %while3A_57 = scf.for %while3A_58 = %while3A_53 to %while3A_49 step %while3A_56 iter_args(%while3A_59 = %while3A_55) -> (i32)  : i32 {
      %mul3A_60 = arith.constant 80 : i32
      %mul3A_61 = arith.muli %while3A_58, %mul3A_60 : i32
      "tpu.region"() ({
        %run_scoped3A = tpu.sem_alloc : memref<!tpu.dma_semaphore, #tpu.memory_space<semaphore_mem>>
        %dma_start3A = arith.constant 0 : i32
        %dma_start3A_63 = tpu.memref_slice %arg8[%arg0, %mul3A_61, %dma_start3A] : memref<2x10000x144xf32, #tpu.memory_space<hbm>> -> memref<1x80x144xf32, #tpu.memory_space<hbm>>
        %dma_start3A_64 = tpu.memref_squeeze %dma_start3A_63 : memref<1x80x144xf32, #tpu.memory_space<hbm>> -> memref<80x144xf32, #tpu.memory_space<hbm>>
        %dma_start3A_65 = arith.constant 0 : i32
        %dma_start3A_66 = tpu.memref_slice %arg15[%mul3A_61, %dma_start3A_65] : memref<10000x144xf32, #tpu.memory_space<vmem_shared>> -> memref<80x144xf32, #tpu.memory_space<vmem_shared>>
        tpu.enqueue_dma source(%dma_start3A_66 : memref<80x144xf32, #tpu.memory_space<vmem_shared>>) target(%dma_start3A_64 : memref<80x144xf32, #tpu.memory_space<hbm>>) target_semaphore(%run_scoped3A : memref<!tpu.dma_semaphore, #tpu.memory_space<semaphore_mem>>)
        %dma_wait3A = arith.constant 0 : i32
        %dma_wait3A_67 = tpu.memref_slice %arg8[%arg0, %mul3A_61, %dma_wait3A] : memref<2x10000x144xf32, #tpu.memory_space<hbm>> -> memref<1x80x144xf32, #tpu.memory_space<hbm>>
        %dma_wait3A_68 = tpu.memref_squeeze %dma_wait3A_67 : memref<1x80x144xf32, #tpu.memory_space<hbm>> -> memref<80x144xf32, #tpu.memory_space<hbm>>
        %dma_wait3A_69 = arith.constant 0 : i32
        %dma_wait3A_70 = tpu.memref_slice %arg15[%mul3A_61, %dma_wait3A_69] : memref<10000x144xf32, #tpu.memory_space<vmem_shared>> -> memref<80x144xf32, #tpu.memory_space<vmem_shared>>
        tpu.wait_dma2 semaphore(%run_scoped3A : memref<!tpu.dma_semaphore, #tpu.memory_space<semaphore_mem>>) src(%dma_wait3A_70 : memref<80x144xf32, #tpu.memory_space<vmem_shared>>) dst(%dma_wait3A_68 : memref<80x144xf32, #tpu.memory_space<hbm>>)
        tpu.yield
      }) : () -> ()
      %while3A_62 = arith.constant 0 : i32
      scf.yield %while3A_62 : i32
    }
    return
  }
}

#map = affine_map<(d0, d1) -> (0, 0)>
#map1 = affine_map<(d0, d1) -> (0)>
#map2 = affine_map<(d0, d1) -> (0, 0, 0)>
module attributes {stable_mosaic.version = 14 : i64} {
  func.func @_edge_body(%arg0: i32, %arg1: i32, %arg2: memref<10000x144xf32, #tpu.memory_space<hbm>>, %arg3: memref<10000x144xf32, #tpu.memory_space<hbm>>, %arg4: memref<10000x144xf32, #tpu.memory_space<hbm>>, %arg5: memref<320000xi32, #tpu.memory_space<hbm>>, %arg6: memref<320000xi32, #tpu.memory_space<hbm>>, %arg7: memref<10000x144xf32, #tpu.memory_space<hbm>>, %arg8: memref<2x10000x144xf32, #tpu.memory_space<hbm>>, %arg9: memref<64xi32, #tpu.memory_space<vmem>>, %arg10: memref<64xi32, #tpu.memory_space<vmem>>, %arg11: memref<64x144xf32, #tpu.memory_space<vmem>>, %arg12: memref<64x144xf32, #tpu.memory_space<vmem>>, %arg13: memref<64x144xf32, #tpu.memory_space<vmem>>, %arg14: memref<64x144xf32, #tpu.memory_space<vmem>>, %arg15: memref<10000x144xf32, #tpu.memory_space<vmem_shared>>, %arg16: memref<!tpu.dma_semaphore, #tpu.memory_space<semaphore_mem>>, %arg17: memref<!tpu.dma_semaphore, #tpu.memory_space<semaphore_mem>>, %arg18: memref<!tpu.dma_semaphore, #tpu.memory_space<semaphore_mem>>) attributes {dimension_semantics = [#tpu.dimension_semantics<core_parallel>, #tpu.dimension_semantics<subcore_parallel>], iteration_bounds = array<i64: 2, 16>, scalar_prefetch = 0 : i64, scratch_operands = 10 : i64, tpu.core_type = #tpu.core_type<sc_vector_subcore>, window_params = [{transform_indices = #map}, {transform_indices = #map}, {transform_indices = #map}, {transform_indices = #map1}, {transform_indices = #map1}, {transform_indices = #map}, {transform_indices = #map2}]} {
    %mul3A = arith.constant 2 : i32
    %mul3A_0 = arith.muli %arg1, %mul3A : i32
    %add3A = arith.addi %mul3A_0, %arg0 : i32
    %mul3A_1 = arith.constant 7 : i32
    %mul3A_2 = arith.muli %arg1, %mul3A_1 : i32
    %min3A = arith.constant 13 : i32
    %min3A_3 = arith.minsi %arg1, %min3A : i32
    %add3A_4 = arith.addi %mul3A_2, %min3A_3 : i32
    %lt3A = arith.constant 13 : i32
    %lt3A_5 = arith.cmpi slt, %arg1, %lt3A : i32
    %jit3A = arith.constant 1 : i32
    %jit3A_6 = arith.constant 0 : i32
    %select_n3A = arith.select %lt3A_5, %jit3A, %jit3A_6 : i32
    %add3A_7 = arith.constant 7 : i32
    %add3A_8 = arith.addi %add3A_7, %select_n3A : i32
    %add3A_9 = arith.addi %add3A_4, %add3A_8 : i32
    %while3A = arith.constant 0 : i32
    %while3A_10 = arith.subi %add3A_9, %add3A_4 : i32
    %while3A_11 = arith.addi %add3A_4, %while3A_10 : i32
    %while3A_12 = arith.constant 1 : i32
    %while3A_13 = arith.divsi %while3A_10, %while3A_12 : i32
    %while3A_14 = arith.muli %while3A_13, %while3A_12 : i32
    %while3A_15 = arith.addi %add3A_4, %while3A_14 : i32
    %while3A_16 = arith.constant 1 : i32
    %while3A_17 = scf.for %while3A_58 = %add3A_4 to %while3A_15 step %while3A_16 iter_args(%while3A_59 = %while3A) -> (i32)  : i32 {
      %mul3A_60 = arith.constant 80 : i32
      %mul3A_61 = arith.muli %while3A_58, %mul3A_60 : i32
      "tpu.region"() ({
        %run_scoped3A = tpu.sem_alloc : memref<!tpu.dma_semaphore, #tpu.memory_space<semaphore_mem>>
        %dma_start3A = arith.constant 0 : i32
        %dma_start3A_63 = tpu.memref_slice %arg15[%mul3A_61, %dma_start3A] : memref<10000x144xf32, #tpu.memory_space<vmem_shared>> -> memref<80x144xf32, #tpu.memory_space<vmem_shared>>
        %dma_start3A_64 = arith.constant 0 : i32
        %dma_start3A_65 = tpu.memref_slice %arg7[%mul3A_61, %dma_start3A_64] : memref<10000x144xf32, #tpu.memory_space<hbm>> -> memref<80x144xf32, #tpu.memory_space<hbm>>
        tpu.enqueue_dma source(%dma_start3A_65 : memref<80x144xf32, #tpu.memory_space<hbm>>) target(%dma_start3A_63 : memref<80x144xf32, #tpu.memory_space<vmem_shared>>) target_semaphore(%run_scoped3A : memref<!tpu.dma_semaphore, #tpu.memory_space<semaphore_mem>>)
        %dma_wait3A = arith.constant 0 : i32
        %dma_wait3A_66 = tpu.memref_slice %arg15[%mul3A_61, %dma_wait3A] : memref<10000x144xf32, #tpu.memory_space<vmem_shared>> -> memref<80x144xf32, #tpu.memory_space<vmem_shared>>
        %dma_wait3A_67 = arith.constant 0 : i32
        %dma_wait3A_68 = tpu.memref_slice %arg7[%mul3A_61, %dma_wait3A_67] : memref<10000x144xf32, #tpu.memory_space<hbm>> -> memref<80x144xf32, #tpu.memory_space<hbm>>
        tpu.wait_dma2 semaphore(%run_scoped3A : memref<!tpu.dma_semaphore, #tpu.memory_space<semaphore_mem>>) src(%dma_wait3A_68 : memref<80x144xf32, #tpu.memory_space<hbm>>) dst(%dma_wait3A_66 : memref<80x144xf32, #tpu.memory_space<vmem_shared>>)
        tpu.yield
      }) : () -> ()
      %while3A_62 = arith.constant 0 : i32
      scf.yield %while3A_62 : i32
    }
    %while3A_18 = arith.constant 1 : i32
    %while3A_19 = scf.for %while3A_58 = %while3A_15 to %while3A_11 step %while3A_18 iter_args(%while3A_59 = %while3A_17) -> (i32)  : i32 {
      %mul3A_60 = arith.constant 80 : i32
      %mul3A_61 = arith.muli %while3A_58, %mul3A_60 : i32
      "tpu.region"() ({
        %run_scoped3A = tpu.sem_alloc : memref<!tpu.dma_semaphore, #tpu.memory_space<semaphore_mem>>
        %dma_start3A = arith.constant 0 : i32
        %dma_start3A_63 = tpu.memref_slice %arg15[%mul3A_61, %dma_start3A] : memref<10000x144xf32, #tpu.memory_space<vmem_shared>> -> memref<80x144xf32, #tpu.memory_space<vmem_shared>>
        %dma_start3A_64 = arith.constant 0 : i32
        %dma_start3A_65 = tpu.memref_slice %arg7[%mul3A_61, %dma_start3A_64] : memref<10000x144xf32, #tpu.memory_space<hbm>> -> memref<80x144xf32, #tpu.memory_space<hbm>>
        tpu.enqueue_dma source(%dma_start3A_65 : memref<80x144xf32, #tpu.memory_space<hbm>>) target(%dma_start3A_63 : memref<80x144xf32, #tpu.memory_space<vmem_shared>>) target_semaphore(%run_scoped3A : memref<!tpu.dma_semaphore, #tpu.memory_space<semaphore_mem>>)
        %dma_wait3A = arith.constant 0 : i32
        %dma_wait3A_66 = tpu.memref_slice %arg15[%mul3A_61, %dma_wait3A] : memref<10000x144xf32, #tpu.memory_space<vmem_shared>> -> memref<80x144xf32, #tpu.memory_space<vmem_shared>>
        %dma_wait3A_67 = arith.constant 0 : i32
        %dma_wait3A_68 = tpu.memref_slice %arg7[%mul3A_61, %dma_wait3A_67] : memref<10000x144xf32, #tpu.memory_space<hbm>> -> memref<80x144xf32, #tpu.memory_space<hbm>>
        tpu.wait_dma2 semaphore(%run_scoped3A : memref<!tpu.dma_semaphore, #tpu.memory_space<semaphore_mem>>) src(%dma_wait3A_68 : memref<80x144xf32, #tpu.memory_space<hbm>>) dst(%dma_wait3A_66 : memref<80x144xf32, #tpu.memory_space<vmem_shared>>)
        tpu.yield
      }) : () -> ()
      %while3A_62 = arith.constant 0 : i32
      scf.yield %while3A_62 : i32
    }
    %iota3A = tpu.iota {dimensions = array<i32: 0>} : vector<16xi32>
    %broadcast_in_dim3A = arith.constant 0.000000e+00 : f32
    %broadcast_in_dim3A_20 = vector.broadcast %broadcast_in_dim3A : f32 to vector<16xf32>
    %barrier3A = arith.constant 0 : index
    tpu.barrier barrier_id(%barrier3A)
    %mul3A_21 = arith.constant 156 : i32
    %mul3A_22 = arith.muli %add3A, %mul3A_21 : i32
    %min3A_23 = arith.constant 8 : i32
    %min3A_24 = arith.minsi %add3A, %min3A_23 : i32
    %add3A_25 = arith.addi %mul3A_22, %min3A_24 : i32
    %lt3A_26 = arith.constant 8 : i32
    %lt3A_27 = arith.cmpi slt, %add3A, %lt3A_26 : i32
    %jit3A_28 = arith.constant 1 : i32
    %jit3A_29 = arith.constant 0 : i32
    %select_n3A_30 = arith.select %lt3A_27, %jit3A_28, %jit3A_29 : i32
    %add3A_31 = arith.constant 156 : i32
    %add3A_32 = arith.addi %add3A_31, %select_n3A_30 : i32
    %add3A_33 = arith.addi %add3A_25, %add3A_32 : i32
    %while3A_34 = arith.constant 0 : i32
    %while3A_35 = arith.subi %add3A_33, %add3A_25 : i32
    %while3A_36 = arith.addi %add3A_25, %while3A_35 : i32
    %while3A_37 = arith.constant 1 : i32
    %while3A_38 = arith.divsi %while3A_35, %while3A_37 : i32
    %while3A_39 = arith.muli %while3A_38, %while3A_37 : i32
    %while3A_40 = arith.addi %add3A_25, %while3A_39 : i32
    %while3A_41 = arith.constant 1 : i32
    %while3A_42 = scf.for %while3A_58 = %add3A_25 to %while3A_40 step %while3A_41 iter_args(%while3A_59 = %while3A_34) -> (i32)  : i32 {
      %mul3A_60 = arith.constant 64 : i32
      %mul3A_61 = arith.muli %while3A_58, %mul3A_60 : i32
      "tpu.region"() ({
        %run_scoped3A = tpu.sem_alloc : memref<!tpu.dma_semaphore, #tpu.memory_space<semaphore_mem>>
        %dma_start3A_87 = tpu.memref_slice %arg5[%mul3A_61] : memref<320000xi32, #tpu.memory_space<hbm>> -> memref<64xi32, #tpu.memory_space<hbm>>
        %dma_start3A_88 = tpu.memref_slice %arg5[%mul3A_61] : memref<320000xi32, #tpu.memory_space<hbm>> -> memref<64xi32, #tpu.memory_space<hbm>>
        tpu.enqueue_dma source(%dma_start3A_88 : memref<64xi32, #tpu.memory_space<hbm>>) target(%arg9 : memref<64xi32, #tpu.memory_space<vmem>>) target_semaphore(%run_scoped3A : memref<!tpu.dma_semaphore, #tpu.memory_space<semaphore_mem>>)
        %dma_wait3A_89 = tpu.memref_slice %arg5[%mul3A_61] : memref<320000xi32, #tpu.memory_space<hbm>> -> memref<64xi32, #tpu.memory_space<hbm>>
        %dma_wait3A_90 = tpu.memref_slice %arg5[%mul3A_61] : memref<320000xi32, #tpu.memory_space<hbm>> -> memref<64xi32, #tpu.memory_space<hbm>>
        tpu.wait_dma2 semaphore(%run_scoped3A : memref<!tpu.dma_semaphore, #tpu.memory_space<semaphore_mem>>) src(%dma_wait3A_90 : memref<64xi32, #tpu.memory_space<hbm>>) dst(%arg9 : memref<64xi32, #tpu.memory_space<vmem>>)
        tpu.yield
      }) : () -> ()
      "tpu.region"() ({
        %run_scoped3A = tpu.sem_alloc : memref<!tpu.dma_semaphore, #tpu.memory_space<semaphore_mem>>
        %dma_start3A_87 = tpu.memref_slice %arg6[%mul3A_61] : memref<320000xi32, #tpu.memory_space<hbm>> -> memref<64xi32, #tpu.memory_space<hbm>>
        %dma_start3A_88 = tpu.memref_slice %arg6[%mul3A_61] : memref<320000xi32, #tpu.memory_space<hbm>> -> memref<64xi32, #tpu.memory_space<hbm>>
        tpu.enqueue_dma source(%dma_start3A_88 : memref<64xi32, #tpu.memory_space<hbm>>) target(%arg10 : memref<64xi32, #tpu.memory_space<vmem>>) target_semaphore(%run_scoped3A : memref<!tpu.dma_semaphore, #tpu.memory_space<semaphore_mem>>)
        %dma_wait3A_89 = tpu.memref_slice %arg6[%mul3A_61] : memref<320000xi32, #tpu.memory_space<hbm>> -> memref<64xi32, #tpu.memory_space<hbm>>
        %dma_wait3A_90 = tpu.memref_slice %arg6[%mul3A_61] : memref<320000xi32, #tpu.memory_space<hbm>> -> memref<64xi32, #tpu.memory_space<hbm>>
        tpu.wait_dma2 semaphore(%run_scoped3A : memref<!tpu.dma_semaphore, #tpu.memory_space<semaphore_mem>>) src(%dma_wait3A_90 : memref<64xi32, #tpu.memory_space<hbm>>) dst(%arg10 : memref<64xi32, #tpu.memory_space<vmem>>)
        tpu.yield
      }) : () -> ()
      %dma_start3A = arith.constant 0 : i32
      %dma_start3A_62 = arith.constant 0 : i32
      %dma_start3A_63 = tpu.memref_slice %arg2[%dma_start3A, %dma_start3A_62] : memref<10000x144xf32, #tpu.memory_space<hbm>> -> memref<10000x144xf32, #tpu.memory_space<hbm>>
      tpu.enqueue_indirect_dma source(%dma_start3A_63 : memref<10000x144xf32, #tpu.memory_space<hbm>>) target(%arg11 : memref<64x144xf32, #tpu.memory_space<vmem>>) offsets(%arg10 : memref<64xi32, #tpu.memory_space<vmem>>) semaphore(%arg16 : memref<!tpu.dma_semaphore, #tpu.memory_space<semaphore_mem>>)
      %dma_start3A_64 = arith.constant 0 : i32
      %dma_start3A_65 = arith.constant 0 : i32
      %dma_start3A_66 = tpu.memref_slice %arg3[%dma_start3A_64, %dma_start3A_65] : memref<10000x144xf32, #tpu.memory_space<hbm>> -> memref<10000x144xf32, #tpu.memory_space<hbm>>
      tpu.enqueue_indirect_dma source(%dma_start3A_66 : memref<10000x144xf32, #tpu.memory_space<hbm>>) target(%arg12 : memref<64x144xf32, #tpu.memory_space<vmem>>) offsets(%arg9 : memref<64xi32, #tpu.memory_space<vmem>>) semaphore(%arg17 : memref<!tpu.dma_semaphore, #tpu.memory_space<semaphore_mem>>)
      %dma_start3A_67 = arith.constant 0 : i32
      %dma_start3A_68 = arith.constant 0 : i32
      %dma_start3A_69 = tpu.memref_slice %arg4[%dma_start3A_67, %dma_start3A_68] : memref<10000x144xf32, #tpu.memory_space<hbm>> -> memref<10000x144xf32, #tpu.memory_space<hbm>>
      tpu.enqueue_indirect_dma source(%dma_start3A_69 : memref<10000x144xf32, #tpu.memory_space<hbm>>) target(%arg13 : memref<64x144xf32, #tpu.memory_space<vmem>>) offsets(%arg9 : memref<64xi32, #tpu.memory_space<vmem>>) semaphore(%arg18 : memref<!tpu.dma_semaphore, #tpu.memory_space<semaphore_mem>>)
      %dma_wait3A = arith.constant 0 : i32
      %dma_wait3A_70 = arith.constant 0 : i32
      %dma_wait3A_71 = tpu.memref_slice %arg2[%dma_wait3A, %dma_wait3A_70] : memref<10000x144xf32, #tpu.memory_space<hbm>> -> memref<10000x144xf32, #tpu.memory_space<hbm>>
      tpu.wait_indirect_dma semaphore(%arg16 : memref<!tpu.dma_semaphore, #tpu.memory_space<semaphore_mem>>) src(%dma_wait3A_71 : memref<10000x144xf32, #tpu.memory_space<hbm>>) dst(%arg11 : memref<64x144xf32, #tpu.memory_space<vmem>>)
      %dma_wait3A_72 = arith.constant 0 : i32
      %dma_wait3A_73 = arith.constant 0 : i32
      %dma_wait3A_74 = tpu.memref_slice %arg3[%dma_wait3A_72, %dma_wait3A_73] : memref<10000x144xf32, #tpu.memory_space<hbm>> -> memref<10000x144xf32, #tpu.memory_space<hbm>>
      tpu.wait_indirect_dma semaphore(%arg17 : memref<!tpu.dma_semaphore, #tpu.memory_space<semaphore_mem>>) src(%dma_wait3A_74 : memref<10000x144xf32, #tpu.memory_space<hbm>>) dst(%arg12 : memref<64x144xf32, #tpu.memory_space<vmem>>)
      %dma_wait3A_75 = arith.constant 0 : i32
      %dma_wait3A_76 = arith.constant 0 : i32
      %dma_wait3A_77 = tpu.memref_slice %arg4[%dma_wait3A_75, %dma_wait3A_76] : memref<10000x144xf32, #tpu.memory_space<hbm>> -> memref<10000x144xf32, #tpu.memory_space<hbm>>
      tpu.wait_indirect_dma semaphore(%arg18 : memref<!tpu.dma_semaphore, #tpu.memory_space<semaphore_mem>>) src(%dma_wait3A_77 : memref<10000x144xf32, #tpu.memory_space<hbm>>) dst(%arg13 : memref<64x144xf32, #tpu.memory_space<vmem>>)
      %broadcast_in_dim3A_78 = arith.constant 15 : i32
      %broadcast_in_dim3A_79 = vector.broadcast %broadcast_in_dim3A_78 : i32 to vector<16xi32>
      %scan3A = arith.constant 0 : i32
      %scan3A_80 = arith.constant 0 : i32
      %scan3A_81 = arith.constant 64 : i32
      %scan3A_82 = arith.addi %scan3A_80, %scan3A_81 : i32
      %scan3A_83 = arith.constant 1 : i32
      %scan3A_84 = scf.for %scan3A_87 = %scan3A_80 to %scan3A_82 step %scan3A_83 iter_args(%scan3A_88 = %scan3A) -> (i32)  : i32 {
        %get3A = arith.index_cast %scan3A_87 : i32 to index
        %get3A_89 = arith.constant 0 : index
        %get3A_90 = tpu.vector_load %arg11[%get3A, %get3A_89] {strides = array<i32>} : memref<64x144xf32, #tpu.memory_space<vmem>>, vector<16xf32>,
        %get3A_91 = arith.index_cast %scan3A_87 : i32 to index
        %get3A_92 = arith.constant 0 : index
        %get3A_93 = tpu.vector_load %arg12[%get3A_91, %get3A_92] {strides = array<i32>} : memref<64x144xf32, #tpu.memory_space<vmem>>, vector<16xf32>,
        %mul3A_94 = arith.mulf %get3A_90, %get3A_93 : vector<16xf32>
        %get3A_95 = arith.index_cast %scan3A_87 : i32 to index
        %get3A_96 = arith.constant 16 : index
        %get3A_97 = tpu.vector_load %arg11[%get3A_95, %get3A_96] {strides = array<i32>} : memref<64x144xf32, #tpu.memory_space<vmem>>, vector<16xf32>,
        %get3A_98 = arith.index_cast %scan3A_87 : i32 to index
        %get3A_99 = arith.constant 16 : index
        %get3A_100 = tpu.vector_load %arg12[%get3A_98, %get3A_99] {strides = array<i32>} : memref<64x144xf32, #tpu.memory_space<vmem>>, vector<16xf32>,
        %mul3A_101 = arith.mulf %get3A_97, %get3A_100 : vector<16xf32>
        %get3A_102 = arith.index_cast %scan3A_87 : i32 to index
        %get3A_103 = arith.constant 32 : index
        %get3A_104 = tpu.vector_load %arg11[%get3A_102, %get3A_103] {strides = array<i32>} : memref<64x144xf32, #tpu.memory_space<vmem>>, vector<16xf32>,
        %get3A_105 = arith.index_cast %scan3A_87 : i32 to index
        %get3A_106 = arith.constant 32 : index
        %get3A_107 = tpu.vector_load %arg12[%get3A_105, %get3A_106] {strides = array<i32>} : memref<64x144xf32, #tpu.memory_space<vmem>>, vector<16xf32>,
        %mul3A_108 = arith.mulf %get3A_104, %get3A_107 : vector<16xf32>
        %get3A_109 = arith.index_cast %scan3A_87 : i32 to index
        %get3A_110 = arith.constant 48 : index
        %get3A_111 = tpu.vector_load %arg11[%get3A_109, %get3A_110] {strides = array<i32>} : memref<64x144xf32, #tpu.memory_space<vmem>>, vector<16xf32>,
        %get3A_112 = arith.index_cast %scan3A_87 : i32 to index
        %get3A_113 = arith.constant 48 : index
        %get3A_114 = tpu.vector_load %arg12[%get3A_112, %get3A_113] {strides = array<i32>} : memref<64x144xf32, #tpu.memory_space<vmem>>, vector<16xf32>,
        %mul3A_115 = arith.mulf %get3A_111, %get3A_114 : vector<16xf32>
        %get3A_116 = arith.index_cast %scan3A_87 : i32 to index
        %get3A_117 = arith.constant 64 : index
        %get3A_118 = tpu.vector_load %arg11[%get3A_116, %get3A_117] {strides = array<i32>} : memref<64x144xf32, #tpu.memory_space<vmem>>, vector<16xf32>,
        %get3A_119 = arith.index_cast %scan3A_87 : i32 to index
        %get3A_120 = arith.constant 64 : index
        %get3A_121 = tpu.vector_load %arg12[%get3A_119, %get3A_120] {strides = array<i32>} : memref<64x144xf32, #tpu.memory_space<vmem>>, vector<16xf32>,
        %mul3A_122 = arith.mulf %get3A_118, %get3A_121 : vector<16xf32>
        %get3A_123 = arith.index_cast %scan3A_87 : i32 to index
        %get3A_124 = arith.constant 80 : index
        %get3A_125 = tpu.vector_load %arg11[%get3A_123, %get3A_124] {strides = array<i32>} : memref<64x144xf32, #tpu.memory_space<vmem>>, vector<16xf32>,
        %get3A_126 = arith.index_cast %scan3A_87 : i32 to index
        %get3A_127 = arith.constant 80 : index
        %get3A_128 = tpu.vector_load %arg12[%get3A_126, %get3A_127] {strides = array<i32>} : memref<64x144xf32, #tpu.memory_space<vmem>>, vector<16xf32>,
        %mul3A_129 = arith.mulf %get3A_125, %get3A_128 : vector<16xf32>
        %get3A_130 = arith.index_cast %scan3A_87 : i32 to index
        %get3A_131 = arith.constant 96 : index
        %get3A_132 = tpu.vector_load %arg11[%get3A_130, %get3A_131] {strides = array<i32>} : memref<64x144xf32, #tpu.memory_space<vmem>>, vector<16xf32>,
        %get3A_133 = arith.index_cast %scan3A_87 : i32 to index
        %get3A_134 = arith.constant 96 : index
        %get3A_135 = tpu.vector_load %arg12[%get3A_133, %get3A_134] {strides = array<i32>} : memref<64x144xf32, #tpu.memory_space<vmem>>, vector<16xf32>,
        %mul3A_136 = arith.mulf %get3A_132, %get3A_135 : vector<16xf32>
        %get3A_137 = arith.index_cast %scan3A_87 : i32 to index
        %get3A_138 = arith.constant 112 : index
        %get3A_139 = tpu.vector_load %arg11[%get3A_137, %get3A_138] {strides = array<i32>} : memref<64x144xf32, #tpu.memory_space<vmem>>, vector<16xf32>,
        %get3A_140 = arith.index_cast %scan3A_87 : i32 to index
        %get3A_141 = arith.constant 112 : index
        %get3A_142 = tpu.vector_load %arg12[%get3A_140, %get3A_141] {strides = array<i32>} : memref<64x144xf32, #tpu.memory_space<vmem>>, vector<16xf32>,
        %mul3A_143 = arith.mulf %get3A_139, %get3A_142 : vector<16xf32>
        %add3A_144 = arith.addf %mul3A_94, %mul3A_101 : vector<16xf32>
        %cumsum3A = arith.constant true
        %cumsum3A_145 = vector.broadcast %cumsum3A : i1 to vector<16xi1>
        %cumsum3A_146 = tpu.scan <sum>, %add3A_144 masked %cumsum3A_145 : vector<16xf32>, vector<16xi1> -> vector<16xf32>
        %broadcast_in_dim3A_147 = vector.shape_cast %broadcast_in_dim3A_79 : vector<16xi32> to vector<16x1xi32>
        %gather3A = vector.shape_cast %broadcast_in_dim3A_147 : vector<16x1xi32> to vector<16xi32>
        %gather3A_148 = tpu.dynamic_gather %cumsum3A_146[%gather3A] in [0] : vector<16xf32>, vector<16xi32> -> vector<16xf32>
        %eq3A = arith.constant 0 : i32
        %eq3A_149 = vector.broadcast %eq3A : i32 to vector<16xi32>
        %eq3A_150 = arith.cmpi eq, %iota3A, %eq3A_149 : vector<16xi32>
        %select_n3A_151 = arith.select %eq3A_150, %gather3A_148, %broadcast_in_dim3A_20 : vector<16xi1>, vector<16xf32>
        %add3A_152 = arith.addf %mul3A_108, %mul3A_115 : vector<16xf32>
        %cumsum3A_153 = arith.constant true
        %cumsum3A_154 = vector.broadcast %cumsum3A_153 : i1 to vector<16xi1>
        %cumsum3A_155 = tpu.scan <sum>, %add3A_152 masked %cumsum3A_154 : vector<16xf32>, vector<16xi1> -> vector<16xf32>
        %broadcast_in_dim3A_156 = vector.shape_cast %broadcast_in_dim3A_79 : vector<16xi32> to vector<16x1xi32>
        %gather3A_157 = vector.shape_cast %broadcast_in_dim3A_156 : vector<16x1xi32> to vector<16xi32>
        %gather3A_158 = tpu.dynamic_gather %cumsum3A_155[%gather3A_157] in [0] : vector<16xf32>, vector<16xi32> -> vector<16xf32>
        %eq3A_159 = arith.constant 1 : i32
        %eq3A_160 = vector.broadcast %eq3A_159 : i32 to vector<16xi32>
        %eq3A_161 = arith.cmpi eq, %iota3A, %eq3A_160 : vector<16xi32>
        %select_n3A_162 = arith.select %eq3A_161, %gather3A_158, %select_n3A_151 : vector<16xi1>, vector<16xf32>
        %add3A_163 = arith.addf %mul3A_122, %mul3A_129 : vector<16xf32>
        %cumsum3A_164 = arith.constant true
        %cumsum3A_165 = vector.broadcast %cumsum3A_164 : i1 to vector<16xi1>
        %cumsum3A_166 = tpu.scan <sum>, %add3A_163 masked %cumsum3A_165 : vector<16xf32>, vector<16xi1> -> vector<16xf32>
        %broadcast_in_dim3A_167 = vector.shape_cast %broadcast_in_dim3A_79 : vector<16xi32> to vector<16x1xi32>
        %gather3A_168 = vector.shape_cast %broadcast_in_dim3A_167 : vector<16x1xi32> to vector<16xi32>
        %gather3A_169 = tpu.dynamic_gather %cumsum3A_166[%gather3A_168] in [0] : vector<16xf32>, vector<16xi32> -> vector<16xf32>
        %eq3A_170 = arith.constant 2 : i32
        %eq3A_171 = vector.broadcast %eq3A_170 : i32 to vector<16xi32>
        %eq3A_172 = arith.cmpi eq, %iota3A, %eq3A_171 : vector<16xi32>
        %select_n3A_173 = arith.select %eq3A_172, %gather3A_169, %select_n3A_162 : vector<16xi1>, vector<16xf32>
        %add3A_174 = arith.addf %mul3A_136, %mul3A_143 : vector<16xf32>
        %cumsum3A_175 = arith.constant true
        %cumsum3A_176 = vector.broadcast %cumsum3A_175 : i1 to vector<16xi1>
        %cumsum3A_177 = tpu.scan <sum>, %add3A_174 masked %cumsum3A_176 : vector<16xf32>, vector<16xi1> -> vector<16xf32>
        %broadcast_in_dim3A_178 = vector.shape_cast %broadcast_in_dim3A_79 : vector<16xi32> to vector<16x1xi32>
        %gather3A_179 = vector.shape_cast %broadcast_in_dim3A_178 : vector<16x1xi32> to vector<16xi32>
        %gather3A_180 = tpu.dynamic_gather %cumsum3A_177[%gather3A_179] in [0] : vector<16xf32>, vector<16xi32> -> vector<16xf32>
        %eq3A_181 = arith.constant 3 : i32
        %eq3A_182 = vector.broadcast %eq3A_181 : i32 to vector<16xi32>
        %eq3A_183 = arith.cmpi eq, %iota3A, %eq3A_182 : vector<16xi32>
        %select_n3A_184 = arith.select %eq3A_183, %gather3A_180, %select_n3A_173 : vector<16xi1>, vector<16xf32>
        %exp3A = math.exp %select_n3A_184 : vector<16xf32>
        %broadcast_in_dim3A_185 = arith.constant 0 : i32
        %broadcast_in_dim3A_186 = vector.broadcast %broadcast_in_dim3A_185 : i32 to vector<16xi32>
        %broadcast_in_dim3A_187 = vector.shape_cast %broadcast_in_dim3A_186 : vector<16xi32> to vector<16x1xi32>
        %gather3A_188 = vector.shape_cast %broadcast_in_dim3A_187 : vector<16x1xi32> to vector<16xi32>
        %gather3A_189 = tpu.dynamic_gather %exp3A[%gather3A_188] in [0] : vector<16xf32>, vector<16xi32> -> vector<16xf32>
        %broadcast_in_dim3A_190 = arith.constant 1 : i32
        %broadcast_in_dim3A_191 = vector.broadcast %broadcast_in_dim3A_190 : i32 to vector<16xi32>
        %broadcast_in_dim3A_192 = vector.shape_cast %broadcast_in_dim3A_191 : vector<16xi32> to vector<16x1xi32>
        %gather3A_193 = vector.shape_cast %broadcast_in_dim3A_192 : vector<16x1xi32> to vector<16xi32>
        %gather3A_194 = tpu.dynamic_gather %exp3A[%gather3A_193] in [0] : vector<16xf32>, vector<16xi32> -> vector<16xf32>
        %broadcast_in_dim3A_195 = arith.constant 2 : i32
        %broadcast_in_dim3A_196 = vector.broadcast %broadcast_in_dim3A_195 : i32 to vector<16xi32>
        %broadcast_in_dim3A_197 = vector.shape_cast %broadcast_in_dim3A_196 : vector<16xi32> to vector<16x1xi32>
        %gather3A_198 = vector.shape_cast %broadcast_in_dim3A_197 : vector<16x1xi32> to vector<16xi32>
        %gather3A_199 = tpu.dynamic_gather %exp3A[%gather3A_198] in [0] : vector<16xf32>, vector<16xi32> -> vector<16xf32>
        %broadcast_in_dim3A_200 = arith.constant 3 : i32
        %broadcast_in_dim3A_201 = vector.broadcast %broadcast_in_dim3A_200 : i32 to vector<16xi32>
        %broadcast_in_dim3A_202 = vector.shape_cast %broadcast_in_dim3A_201 : vector<16xi32> to vector<16x1xi32>
        %gather3A_203 = vector.shape_cast %broadcast_in_dim3A_202 : vector<16x1xi32> to vector<16xi32>
        %gather3A_204 = tpu.dynamic_gather %exp3A[%gather3A_203] in [0] : vector<16xf32>, vector<16xi32> -> vector<16xf32>
        %get3A_205 = arith.index_cast %scan3A_87 : i32 to index
        %get3A_206 = arith.constant 0 : index
        %get3A_207 = tpu.vector_load %arg13[%get3A_205, %get3A_206] {strides = array<i32>} : memref<64x144xf32, #tpu.memory_space<vmem>>, vector<16xf32>,
        %mul3A_208 = arith.mulf %get3A_207, %gather3A_189 : vector<16xf32>
        %swap3A = arith.index_cast %scan3A_87 : i32 to index
        %swap3A_209 = arith.constant 0 : index
        %swap3A_210 = tpu.vector_load %arg14[%swap3A, %swap3A_209] {strides = array<i32>} : memref<64x144xf32, #tpu.memory_space<vmem>>, vector<16xf32>,
        tpu.vector_store %arg14[%swap3A, %swap3A_209], %mul3A_208 {strides = array<i32>} : memref<64x144xf32, #tpu.memory_space<vmem>>, vector<16xf32>,
        %get3A_211 = arith.index_cast %scan3A_87 : i32 to index
        %get3A_212 = arith.constant 16 : index
        %get3A_213 = tpu.vector_load %arg13[%get3A_211, %get3A_212] {strides = array<i32>} : memref<64x144xf32, #tpu.memory_space<vmem>>, vector<16xf32>,
        %mul3A_214 = arith.mulf %get3A_213, %gather3A_189 : vector<16xf32>
        %swap3A_215 = arith.index_cast %scan3A_87 : i32 to index
        %swap3A_216 = arith.constant 16 : index
        %swap3A_217 = tpu.vector_load %arg14[%swap3A_215, %swap3A_216] {strides = array<i32>} : memref<64x144xf32, #tpu.memory_space<vmem>>, vector<16xf32>,
        tpu.vector_store %arg14[%swap3A_215, %swap3A_216], %mul3A_214 {strides = array<i32>} : memref<64x144xf32, #tpu.memory_space<vmem>>, vector<16xf32>,
        %get3A_218 = arith.index_cast %scan3A_87 : i32 to index
        %get3A_219 = arith.constant 32 : index
        %get3A_220 = tpu.vector_load %arg13[%get3A_218, %get3A_219] {strides = array<i32>} : memref<64x144xf32, #tpu.memory_space<vmem>>, vector<16xf32>,
        %mul3A_221 = arith.mulf %get3A_220, %gather3A_194 : vector<16xf32>
        %swap3A_222 = arith.index_cast %scan3A_87 : i32 to index
        %swap3A_223 = arith.constant 32 : index
        %swap3A_224 = tpu.vector_load %arg14[%swap3A_222, %swap3A_223] {strides = array<i32>} : memref<64x144xf32, #tpu.memory_space<vmem>>, vector<16xf32>,
        tpu.vector_store %arg14[%swap3A_222, %swap3A_223], %mul3A_221 {strides = array<i32>} : memref<64x144xf32, #tpu.memory_space<vmem>>, vector<16xf32>,
        %get3A_225 = arith.index_cast %scan3A_87 : i32 to index
        %get3A_226 = arith.constant 48 : index
        %get3A_227 = tpu.vector_load %arg13[%get3A_225, %get3A_226] {strides = array<i32>} : memref<64x144xf32, #tpu.memory_space<vmem>>, vector<16xf32>,
        %mul3A_228 = arith.mulf %get3A_227, %gather3A_194 : vector<16xf32>
        %swap3A_229 = arith.index_cast %scan3A_87 : i32 to index
        %swap3A_230 = arith.constant 48 : index
        %swap3A_231 = tpu.vector_load %arg14[%swap3A_229, %swap3A_230] {strides = array<i32>} : memref<64x144xf32, #tpu.memory_space<vmem>>, vector<16xf32>,
        tpu.vector_store %arg14[%swap3A_229, %swap3A_230], %mul3A_228 {strides = array<i32>} : memref<64x144xf32, #tpu.memory_space<vmem>>, vector<16xf32>,
        %get3A_232 = arith.index_cast %scan3A_87 : i32 to index
        %get3A_233 = arith.constant 64 : index
        %get3A_234 = tpu.vector_load %arg13[%get3A_232, %get3A_233] {strides = array<i32>} : memref<64x144xf32, #tpu.memory_space<vmem>>, vector<16xf32>,
        %mul3A_235 = arith.mulf %get3A_234, %gather3A_199 : vector<16xf32>
        %swap3A_236 = arith.index_cast %scan3A_87 : i32 to index
        %swap3A_237 = arith.constant 64 : index
        %swap3A_238 = tpu.vector_load %arg14[%swap3A_236, %swap3A_237] {strides = array<i32>} : memref<64x144xf32, #tpu.memory_space<vmem>>, vector<16xf32>,
        tpu.vector_store %arg14[%swap3A_236, %swap3A_237], %mul3A_235 {strides = array<i32>} : memref<64x144xf32, #tpu.memory_space<vmem>>, vector<16xf32>,
        %get3A_239 = arith.index_cast %scan3A_87 : i32 to index
        %get3A_240 = arith.constant 80 : index
        %get3A_241 = tpu.vector_load %arg13[%get3A_239, %get3A_240] {strides = array<i32>} : memref<64x144xf32, #tpu.memory_space<vmem>>, vector<16xf32>,
        %mul3A_242 = arith.mulf %get3A_241, %gather3A_199 : vector<16xf32>
        %swap3A_243 = arith.index_cast %scan3A_87 : i32 to index
        %swap3A_244 = arith.constant 80 : index
        %swap3A_245 = tpu.vector_load %arg14[%swap3A_243, %swap3A_244] {strides = array<i32>} : memref<64x144xf32, #tpu.memory_space<vmem>>, vector<16xf32>,
        tpu.vector_store %arg14[%swap3A_243, %swap3A_244], %mul3A_242 {strides = array<i32>} : memref<64x144xf32, #tpu.memory_space<vmem>>, vector<16xf32>,
        %get3A_246 = arith.index_cast %scan3A_87 : i32 to index
        %get3A_247 = arith.constant 96 : index
        %get3A_248 = tpu.vector_load %arg13[%get3A_246, %get3A_247] {strides = array<i32>} : memref<64x144xf32, #tpu.memory_space<vmem>>, vector<16xf32>,
        %mul3A_249 = arith.mulf %get3A_248, %gather3A_204 : vector<16xf32>
        %swap3A_250 = arith.index_cast %scan3A_87 : i32 to index
        %swap3A_251 = arith.constant 96 : index
        %swap3A_252 = tpu.vector_load %arg14[%swap3A_250, %swap3A_251] {strides = array<i32>} : memref<64x144xf32, #tpu.memory_space<vmem>>, vector<16xf32>,
        tpu.vector_store %arg14[%swap3A_250, %swap3A_251], %mul3A_249 {strides = array<i32>} : memref<64x144xf32, #tpu.memory_space<vmem>>, vector<16xf32>,
        %get3A_253 = arith.index_cast %scan3A_87 : i32 to index
        %get3A_254 = arith.constant 112 : index
        %get3A_255 = tpu.vector_load %arg13[%get3A_253, %get3A_254] {strides = array<i32>} : memref<64x144xf32, #tpu.memory_space<vmem>>, vector<16xf32>,
        %mul3A_256 = arith.mulf %get3A_255, %gather3A_204 : vector<16xf32>
        %swap3A_257 = arith.index_cast %scan3A_87 : i32 to index
        %swap3A_258 = arith.constant 112 : index
        %swap3A_259 = tpu.vector_load %arg14[%swap3A_257, %swap3A_258] {strides = array<i32>} : memref<64x144xf32, #tpu.memory_space<vmem>>, vector<16xf32>,
        tpu.vector_store %arg14[%swap3A_257, %swap3A_258], %mul3A_256 {strides = array<i32>} : memref<64x144xf32, #tpu.memory_space<vmem>>, vector<16xf32>,
        %lt3A_260 = arith.constant 4 : i32
        %lt3A_261 = vector.broadcast %lt3A_260 : i32 to vector<16xi32>
        %lt3A_262 = arith.cmpi slt, %iota3A, %lt3A_261 : vector<16xi32>
        %jit3A_263 = arith.constant 0.000000e+00 : f32
        %broadcast_in_dim3A_264 = vector.broadcast %jit3A_263 : f32 to vector<16xf32>
        %select_n3A_265 = arith.select %lt3A_262, %exp3A, %broadcast_in_dim3A_264 : vector<16xi1>, vector<16xf32>
        %swap3A_266 = arith.index_cast %scan3A_87 : i32 to index
        %swap3A_267 = arith.constant 128 : index
        %swap3A_268 = tpu.vector_load %arg14[%swap3A_266, %swap3A_267] {strides = array<i32>} : memref<64x144xf32, #tpu.memory_space<vmem>>, vector<16xf32>,
        tpu.vector_store %arg14[%swap3A_266, %swap3A_267], %select_n3A_265 {strides = array<i32>} : memref<64x144xf32, #tpu.memory_space<vmem>>, vector<16xf32>,
        %scan3A_269 = arith.constant 0 : i32
        scf.yield %scan3A_269 : i32
      }
      %scan3A_85 = arith.constant 64 : i32
      "tpu.region"() ({
        %run_scoped3A = tpu.sem_alloc : memref<!tpu.dma_semaphore, #tpu.memory_space<semaphore_mem>>
        %dma_start3A_87 = arith.constant 0 : i32
        %dma_start3A_88 = arith.constant 0 : i32
        %dma_start3A_89 = tpu.memref_slice %arg15[%dma_start3A_87, %dma_start3A_88] : memref<10000x144xf32, #tpu.memory_space<vmem_shared>> -> memref<10000x144xf32, #tpu.memory_space<vmem_shared>>
        tpu.enqueue_indirect_dma source(%arg14 : memref<64x144xf32, #tpu.memory_space<vmem>>) target(%dma_start3A_89 : memref<10000x144xf32, #tpu.memory_space<vmem_shared>>) offsets(%arg10 : memref<64xi32, #tpu.memory_space<vmem>>) semaphore(%run_scoped3A : memref<!tpu.dma_semaphore, #tpu.memory_space<semaphore_mem>>) {add = true}
        %dma_wait3A_90 = arith.constant 0 : i32
        %dma_wait3A_91 = arith.constant 0 : i32
        %dma_wait3A_92 = tpu.memref_slice %arg15[%dma_wait3A_90, %dma_wait3A_91] : memref<10000x144xf32, #tpu.memory_space<vmem_shared>> -> memref<10000x144xf32, #tpu.memory_space<vmem_shared>>
        tpu.wait_indirect_dma semaphore(%run_scoped3A : memref<!tpu.dma_semaphore, #tpu.memory_space<semaphore_mem>>) src(%arg14 : memref<64x144xf32, #tpu.memory_space<vmem>>) dst(%dma_wait3A_92 : memref<10000x144xf32, #tpu.memory_space<vmem_shared>>)
        tpu.yield
      }) : () -> ()
      %while3A_86 = arith.constant 0 : i32
      scf.yield %while3A_86 : i32
    }
    %while3A_43 = arith.constant 1 : i32
    %while3A_44 = scf.for %while3A_58 = %while3A_40 to %while3A_36 step %while3A_43 iter_args(%while3A_59 = %while3A_42) -> (i32)  : i32 {
      %mul3A_60 = arith.constant 64 : i32
      %mul3A_61 = arith.muli %while3A_58, %mul3A_60 : i32
      "tpu.region"() ({
        %run_scoped3A = tpu.sem_alloc : memref<!tpu.dma_semaphore, #tpu.memory_space<semaphore_mem>>
        %dma_start3A_87 = tpu.memref_slice %arg5[%mul3A_61] : memref<320000xi32, #tpu.memory_space<hbm>> -> memref<64xi32, #tpu.memory_space<hbm>>
        %dma_start3A_88 = tpu.memref_slice %arg5[%mul3A_61] : memref<320000xi32, #tpu.memory_space<hbm>> -> memref<64xi32, #tpu.memory_space<hbm>>
        tpu.enqueue_dma source(%dma_start3A_88 : memref<64xi32, #tpu.memory_space<hbm>>) target(%arg9 : memref<64xi32, #tpu.memory_space<vmem>>) target_semaphore(%run_scoped3A : memref<!tpu.dma_semaphore, #tpu.memory_space<semaphore_mem>>)
        %dma_wait3A_89 = tpu.memref_slice %arg5[%mul3A_61] : memref<320000xi32, #tpu.memory_space<hbm>> -> memref<64xi32, #tpu.memory_space<hbm>>
        %dma_wait3A_90 = tpu.memref_slice %arg5[%mul3A_61] : memref<320000xi32, #tpu.memory_space<hbm>> -> memref<64xi32, #tpu.memory_space<hbm>>
        tpu.wait_dma2 semaphore(%run_scoped3A : memref<!tpu.dma_semaphore, #tpu.memory_space<semaphore_mem>>) src(%dma_wait3A_90 : memref<64xi32, #tpu.memory_space<hbm>>) dst(%arg9 : memref<64xi32, #tpu.memory_space<vmem>>)
        tpu.yield
      }) : () -> ()
      "tpu.region"() ({
        %run_scoped3A = tpu.sem_alloc : memref<!tpu.dma_semaphore, #tpu.memory_space<semaphore_mem>>
        %dma_start3A_87 = tpu.memref_slice %arg6[%mul3A_61] : memref<320000xi32, #tpu.memory_space<hbm>> -> memref<64xi32, #tpu.memory_space<hbm>>
        %dma_start3A_88 = tpu.memref_slice %arg6[%mul3A_61] : memref<320000xi32, #tpu.memory_space<hbm>> -> memref<64xi32, #tpu.memory_space<hbm>>
        tpu.enqueue_dma source(%dma_start3A_88 : memref<64xi32, #tpu.memory_space<hbm>>) target(%arg10 : memref<64xi32, #tpu.memory_space<vmem>>) target_semaphore(%run_scoped3A : memref<!tpu.dma_semaphore, #tpu.memory_space<semaphore_mem>>)
        %dma_wait3A_89 = tpu.memref_slice %arg6[%mul3A_61] : memref<320000xi32, #tpu.memory_space<hbm>> -> memref<64xi32, #tpu.memory_space<hbm>>
        %dma_wait3A_90 = tpu.memref_slice %arg6[%mul3A_61] : memref<320000xi32, #tpu.memory_space<hbm>> -> memref<64xi32, #tpu.memory_space<hbm>>
        tpu.wait_dma2 semaphore(%run_scoped3A : memref<!tpu.dma_semaphore, #tpu.memory_space<semaphore_mem>>) src(%dma_wait3A_90 : memref<64xi32, #tpu.memory_space<hbm>>) dst(%arg10 : memref<64xi32, #tpu.memory_space<vmem>>)
        tpu.yield
      }) : () -> ()
      %dma_start3A = arith.constant 0 : i32
      %dma_start3A_62 = arith.constant 0 : i32
      %dma_start3A_63 = tpu.memref_slice %arg2[%dma_start3A, %dma_start3A_62] : memref<10000x144xf32, #tpu.memory_space<hbm>> -> memref<10000x144xf32, #tpu.memory_space<hbm>>
      tpu.enqueue_indirect_dma source(%dma_start3A_63 : memref<10000x144xf32, #tpu.memory_space<hbm>>) target(%arg11 : memref<64x144xf32, #tpu.memory_space<vmem>>) offsets(%arg10 : memref<64xi32, #tpu.memory_space<vmem>>) semaphore(%arg16 : memref<!tpu.dma_semaphore, #tpu.memory_space<semaphore_mem>>)
      %dma_start3A_64 = arith.constant 0 : i32
      %dma_start3A_65 = arith.constant 0 : i32
      %dma_start3A_66 = tpu.memref_slice %arg3[%dma_start3A_64, %dma_start3A_65] : memref<10000x144xf32, #tpu.memory_space<hbm>> -> memref<10000x144xf32, #tpu.memory_space<hbm>>
      tpu.enqueue_indirect_dma source(%dma_start3A_66 : memref<10000x144xf32, #tpu.memory_space<hbm>>) target(%arg12 : memref<64x144xf32, #tpu.memory_space<vmem>>) offsets(%arg9 : memref<64xi32, #tpu.memory_space<vmem>>) semaphore(%arg17 : memref<!tpu.dma_semaphore, #tpu.memory_space<semaphore_mem>>)
      %dma_start3A_67 = arith.constant 0 : i32
      %dma_start3A_68 = arith.constant 0 : i32
      %dma_start3A_69 = tpu.memref_slice %arg4[%dma_start3A_67, %dma_start3A_68] : memref<10000x144xf32, #tpu.memory_space<hbm>> -> memref<10000x144xf32, #tpu.memory_space<hbm>>
      tpu.enqueue_indirect_dma source(%dma_start3A_69 : memref<10000x144xf32, #tpu.memory_space<hbm>>) target(%arg13 : memref<64x144xf32, #tpu.memory_space<vmem>>) offsets(%arg9 : memref<64xi32, #tpu.memory_space<vmem>>) semaphore(%arg18 : memref<!tpu.dma_semaphore, #tpu.memory_space<semaphore_mem>>)
      %dma_wait3A = arith.constant 0 : i32
      %dma_wait3A_70 = arith.constant 0 : i32
      %dma_wait3A_71 = tpu.memref_slice %arg2[%dma_wait3A, %dma_wait3A_70] : memref<10000x144xf32, #tpu.memory_space<hbm>> -> memref<10000x144xf32, #tpu.memory_space<hbm>>
      tpu.wait_indirect_dma semaphore(%arg16 : memref<!tpu.dma_semaphore, #tpu.memory_space<semaphore_mem>>) src(%dma_wait3A_71 : memref<10000x144xf32, #tpu.memory_space<hbm>>) dst(%arg11 : memref<64x144xf32, #tpu.memory_space<vmem>>)
      %dma_wait3A_72 = arith.constant 0 : i32
      %dma_wait3A_73 = arith.constant 0 : i32
      %dma_wait3A_74 = tpu.memref_slice %arg3[%dma_wait3A_72, %dma_wait3A_73] : memref<10000x144xf32, #tpu.memory_space<hbm>> -> memref<10000x144xf32, #tpu.memory_space<hbm>>
      tpu.wait_indirect_dma semaphore(%arg17 : memref<!tpu.dma_semaphore, #tpu.memory_space<semaphore_mem>>) src(%dma_wait3A_74 : memref<10000x144xf32, #tpu.memory_space<hbm>>) dst(%arg12 : memref<64x144xf32, #tpu.memory_space<vmem>>)
      %dma_wait3A_75 = arith.constant 0 : i32
      %dma_wait3A_76 = arith.constant 0 : i32
      %dma_wait3A_77 = tpu.memref_slice %arg4[%dma_wait3A_75, %dma_wait3A_76] : memref<10000x144xf32, #tpu.memory_space<hbm>> -> memref<10000x144xf32, #tpu.memory_space<hbm>>
      tpu.wait_indirect_dma semaphore(%arg18 : memref<!tpu.dma_semaphore, #tpu.memory_space<semaphore_mem>>) src(%dma_wait3A_77 : memref<10000x144xf32, #tpu.memory_space<hbm>>) dst(%arg13 : memref<64x144xf32, #tpu.memory_space<vmem>>)
      %broadcast_in_dim3A_78 = arith.constant 15 : i32
      %broadcast_in_dim3A_79 = vector.broadcast %broadcast_in_dim3A_78 : i32 to vector<16xi32>
      %scan3A = arith.constant 0 : i32
      %scan3A_80 = arith.constant 0 : i32
      %scan3A_81 = arith.constant 64 : i32
      %scan3A_82 = arith.addi %scan3A_80, %scan3A_81 : i32
      %scan3A_83 = arith.constant 1 : i32
      %scan3A_84 = scf.for %scan3A_87 = %scan3A_80 to %scan3A_82 step %scan3A_83 iter_args(%scan3A_88 = %scan3A) -> (i32)  : i32 {
        %get3A = arith.index_cast %scan3A_87 : i32 to index
        %get3A_89 = arith.constant 0 : index
        %get3A_90 = tpu.vector_load %arg11[%get3A, %get3A_89] {strides = array<i32>} : memref<64x144xf32, #tpu.memory_space<vmem>>, vector<16xf32>,
        %get3A_91 = arith.index_cast %scan3A_87 : i32 to index
        %get3A_92 = arith.constant 0 : index
        %get3A_93 = tpu.vector_load %arg12[%get3A_91, %get3A_92] {strides = array<i32>} : memref<64x144xf32, #tpu.memory_space<vmem>>, vector<16xf32>,
        %mul3A_94 = arith.mulf %get3A_90, %get3A_93 : vector<16xf32>
        %get3A_95 = arith.index_cast %scan3A_87 : i32 to index
        %get3A_96 = arith.constant 16 : index
        %get3A_97 = tpu.vector_load %arg11[%get3A_95, %get3A_96] {strides = array<i32>} : memref<64x144xf32, #tpu.memory_space<vmem>>, vector<16xf32>,
        %get3A_98 = arith.index_cast %scan3A_87 : i32 to index
        %get3A_99 = arith.constant 16 : index
        %get3A_100 = tpu.vector_load %arg12[%get3A_98, %get3A_99] {strides = array<i32>} : memref<64x144xf32, #tpu.memory_space<vmem>>, vector<16xf32>,
        %mul3A_101 = arith.mulf %get3A_97, %get3A_100 : vector<16xf32>
        %get3A_102 = arith.index_cast %scan3A_87 : i32 to index
        %get3A_103 = arith.constant 32 : index
        %get3A_104 = tpu.vector_load %arg11[%get3A_102, %get3A_103] {strides = array<i32>} : memref<64x144xf32, #tpu.memory_space<vmem>>, vector<16xf32>,
        %get3A_105 = arith.index_cast %scan3A_87 : i32 to index
        %get3A_106 = arith.constant 32 : index
        %get3A_107 = tpu.vector_load %arg12[%get3A_105, %get3A_106] {strides = array<i32>} : memref<64x144xf32, #tpu.memory_space<vmem>>, vector<16xf32>,
        %mul3A_108 = arith.mulf %get3A_104, %get3A_107 : vector<16xf32>
        %get3A_109 = arith.index_cast %scan3A_87 : i32 to index
        %get3A_110 = arith.constant 48 : index
        %get3A_111 = tpu.vector_load %arg11[%get3A_109, %get3A_110] {strides = array<i32>} : memref<64x144xf32, #tpu.memory_space<vmem>>, vector<16xf32>,
        %get3A_112 = arith.index_cast %scan3A_87 : i32 to index
        %get3A_113 = arith.constant 48 : index
        %get3A_114 = tpu.vector_load %arg12[%get3A_112, %get3A_113] {strides = array<i32>} : memref<64x144xf32, #tpu.memory_space<vmem>>, vector<16xf32>,
        %mul3A_115 = arith.mulf %get3A_111, %get3A_114 : vector<16xf32>
        %get3A_116 = arith.index_cast %scan3A_87 : i32 to index
        %get3A_117 = arith.constant 64 : index
        %get3A_118 = tpu.vector_load %arg11[%get3A_116, %get3A_117] {strides = array<i32>} : memref<64x144xf32, #tpu.memory_space<vmem>>, vector<16xf32>,
        %get3A_119 = arith.index_cast %scan3A_87 : i32 to index
        %get3A_120 = arith.constant 64 : index
        %get3A_121 = tpu.vector_load %arg12[%get3A_119, %get3A_120] {strides = array<i32>} : memref<64x144xf32, #tpu.memory_space<vmem>>, vector<16xf32>,
        %mul3A_122 = arith.mulf %get3A_118, %get3A_121 : vector<16xf32>
        %get3A_123 = arith.index_cast %scan3A_87 : i32 to index
        %get3A_124 = arith.constant 80 : index
        %get3A_125 = tpu.vector_load %arg11[%get3A_123, %get3A_124] {strides = array<i32>} : memref<64x144xf32, #tpu.memory_space<vmem>>, vector<16xf32>,
        %get3A_126 = arith.index_cast %scan3A_87 : i32 to index
        %get3A_127 = arith.constant 80 : index
        %get3A_128 = tpu.vector_load %arg12[%get3A_126, %get3A_127] {strides = array<i32>} : memref<64x144xf32, #tpu.memory_space<vmem>>, vector<16xf32>,
        %mul3A_129 = arith.mulf %get3A_125, %get3A_128 : vector<16xf32>
        %get3A_130 = arith.index_cast %scan3A_87 : i32 to index
        %get3A_131 = arith.constant 96 : index
        %get3A_132 = tpu.vector_load %arg11[%get3A_130, %get3A_131] {strides = array<i32>} : memref<64x144xf32, #tpu.memory_space<vmem>>, vector<16xf32>,
        %get3A_133 = arith.index_cast %scan3A_87 : i32 to index
        %get3A_134 = arith.constant 96 : index
        %get3A_135 = tpu.vector_load %arg12[%get3A_133, %get3A_134] {strides = array<i32>} : memref<64x144xf32, #tpu.memory_space<vmem>>, vector<16xf32>,
        %mul3A_136 = arith.mulf %get3A_132, %get3A_135 : vector<16xf32>
        %get3A_137 = arith.index_cast %scan3A_87 : i32 to index
        %get3A_138 = arith.constant 112 : index
        %get3A_139 = tpu.vector_load %arg11[%get3A_137, %get3A_138] {strides = array<i32>} : memref<64x144xf32, #tpu.memory_space<vmem>>, vector<16xf32>,
        %get3A_140 = arith.index_cast %scan3A_87 : i32 to index
        %get3A_141 = arith.constant 112 : index
        %get3A_142 = tpu.vector_load %arg12[%get3A_140, %get3A_141] {strides = array<i32>} : memref<64x144xf32, #tpu.memory_space<vmem>>, vector<16xf32>,
        %mul3A_143 = arith.mulf %get3A_139, %get3A_142 : vector<16xf32>
        %add3A_144 = arith.addf %mul3A_94, %mul3A_101 : vector<16xf32>
        %cumsum3A = arith.constant true
        %cumsum3A_145 = vector.broadcast %cumsum3A : i1 to vector<16xi1>
        %cumsum3A_146 = tpu.scan <sum>, %add3A_144 masked %cumsum3A_145 : vector<16xf32>, vector<16xi1> -> vector<16xf32>
        %broadcast_in_dim3A_147 = vector.shape_cast %broadcast_in_dim3A_79 : vector<16xi32> to vector<16x1xi32>
        %gather3A = vector.shape_cast %broadcast_in_dim3A_147 : vector<16x1xi32> to vector<16xi32>
        %gather3A_148 = tpu.dynamic_gather %cumsum3A_146[%gather3A] in [0] : vector<16xf32>, vector<16xi32> -> vector<16xf32>
        %eq3A = arith.constant 0 : i32
        %eq3A_149 = vector.broadcast %eq3A : i32 to vector<16xi32>
        %eq3A_150 = arith.cmpi eq, %iota3A, %eq3A_149 : vector<16xi32>
        %select_n3A_151 = arith.select %eq3A_150, %gather3A_148, %broadcast_in_dim3A_20 : vector<16xi1>, vector<16xf32>
        %add3A_152 = arith.addf %mul3A_108, %mul3A_115 : vector<16xf32>
        %cumsum3A_153 = arith.constant true
        %cumsum3A_154 = vector.broadcast %cumsum3A_153 : i1 to vector<16xi1>
        %cumsum3A_155 = tpu.scan <sum>, %add3A_152 masked %cumsum3A_154 : vector<16xf32>, vector<16xi1> -> vector<16xf32>
        %broadcast_in_dim3A_156 = vector.shape_cast %broadcast_in_dim3A_79 : vector<16xi32> to vector<16x1xi32>
        %gather3A_157 = vector.shape_cast %broadcast_in_dim3A_156 : vector<16x1xi32> to vector<16xi32>
        %gather3A_158 = tpu.dynamic_gather %cumsum3A_155[%gather3A_157] in [0] : vector<16xf32>, vector<16xi32> -> vector<16xf32>
        %eq3A_159 = arith.constant 1 : i32
        %eq3A_160 = vector.broadcast %eq3A_159 : i32 to vector<16xi32>
        %eq3A_161 = arith.cmpi eq, %iota3A, %eq3A_160 : vector<16xi32>
        %select_n3A_162 = arith.select %eq3A_161, %gather3A_158, %select_n3A_151 : vector<16xi1>, vector<16xf32>
        %add3A_163 = arith.addf %mul3A_122, %mul3A_129 : vector<16xf32>
        %cumsum3A_164 = arith.constant true
        %cumsum3A_165 = vector.broadcast %cumsum3A_164 : i1 to vector<16xi1>
        %cumsum3A_166 = tpu.scan <sum>, %add3A_163 masked %cumsum3A_165 : vector<16xf32>, vector<16xi1> -> vector<16xf32>
        %broadcast_in_dim3A_167 = vector.shape_cast %broadcast_in_dim3A_79 : vector<16xi32> to vector<16x1xi32>
        %gather3A_168 = vector.shape_cast %broadcast_in_dim3A_167 : vector<16x1xi32> to vector<16xi32>
        %gather3A_169 = tpu.dynamic_gather %cumsum3A_166[%gather3A_168] in [0] : vector<16xf32>, vector<16xi32> -> vector<16xf32>
        %eq3A_170 = arith.constant 2 : i32
        %eq3A_171 = vector.broadcast %eq3A_170 : i32 to vector<16xi32>
        %eq3A_172 = arith.cmpi eq, %iota3A, %eq3A_171 : vector<16xi32>
        %select_n3A_173 = arith.select %eq3A_172, %gather3A_169, %select_n3A_162 : vector<16xi1>, vector<16xf32>
        %add3A_174 = arith.addf %mul3A_136, %mul3A_143 : vector<16xf32>
        %cumsum3A_175 = arith.constant true
        %cumsum3A_176 = vector.broadcast %cumsum3A_175 : i1 to vector<16xi1>
        %cumsum3A_177 = tpu.scan <sum>, %add3A_174 masked %cumsum3A_176 : vector<16xf32>, vector<16xi1> -> vector<16xf32>
        %broadcast_in_dim3A_178 = vector.shape_cast %broadcast_in_dim3A_79 : vector<16xi32> to vector<16x1xi32>
        %gather3A_179 = vector.shape_cast %broadcast_in_dim3A_178 : vector<16x1xi32> to vector<16xi32>
        %gather3A_180 = tpu.dynamic_gather %cumsum3A_177[%gather3A_179] in [0] : vector<16xf32>, vector<16xi32> -> vector<16xf32>
        %eq3A_181 = arith.constant 3 : i32
        %eq3A_182 = vector.broadcast %eq3A_181 : i32 to vector<16xi32>
        %eq3A_183 = arith.cmpi eq, %iota3A, %eq3A_182 : vector<16xi32>
        %select_n3A_184 = arith.select %eq3A_183, %gather3A_180, %select_n3A_173 : vector<16xi1>, vector<16xf32>
        %exp3A = math.exp %select_n3A_184 : vector<16xf32>
        %broadcast_in_dim3A_185 = arith.constant 0 : i32
        %broadcast_in_dim3A_186 = vector.broadcast %broadcast_in_dim3A_185 : i32 to vector<16xi32>
        %broadcast_in_dim3A_187 = vector.shape_cast %broadcast_in_dim3A_186 : vector<16xi32> to vector<16x1xi32>
        %gather3A_188 = vector.shape_cast %broadcast_in_dim3A_187 : vector<16x1xi32> to vector<16xi32>
        %gather3A_189 = tpu.dynamic_gather %exp3A[%gather3A_188] in [0] : vector<16xf32>, vector<16xi32> -> vector<16xf32>
        %broadcast_in_dim3A_190 = arith.constant 1 : i32
        %broadcast_in_dim3A_191 = vector.broadcast %broadcast_in_dim3A_190 : i32 to vector<16xi32>
        %broadcast_in_dim3A_192 = vector.shape_cast %broadcast_in_dim3A_191 : vector<16xi32> to vector<16x1xi32>
        %gather3A_193 = vector.shape_cast %broadcast_in_dim3A_192 : vector<16x1xi32> to vector<16xi32>
        %gather3A_194 = tpu.dynamic_gather %exp3A[%gather3A_193] in [0] : vector<16xf32>, vector<16xi32> -> vector<16xf32>
        %broadcast_in_dim3A_195 = arith.constant 2 : i32
        %broadcast_in_dim3A_196 = vector.broadcast %broadcast_in_dim3A_195 : i32 to vector<16xi32>
        %broadcast_in_dim3A_197 = vector.shape_cast %broadcast_in_dim3A_196 : vector<16xi32> to vector<16x1xi32>
        %gather3A_198 = vector.shape_cast %broadcast_in_dim3A_197 : vector<16x1xi32> to vector<16xi32>
        %gather3A_199 = tpu.dynamic_gather %exp3A[%gather3A_198] in [0] : vector<16xf32>, vector<16xi32> -> vector<16xf32>
        %broadcast_in_dim3A_200 = arith.constant 3 : i32
        %broadcast_in_dim3A_201 = vector.broadcast %broadcast_in_dim3A_200 : i32 to vector<16xi32>
        %broadcast_in_dim3A_202 = vector.shape_cast %broadcast_in_dim3A_201 : vector<16xi32> to vector<16x1xi32>
        %gather3A_203 = vector.shape_cast %broadcast_in_dim3A_202 : vector<16x1xi32> to vector<16xi32>
        %gather3A_204 = tpu.dynamic_gather %exp3A[%gather3A_203] in [0] : vector<16xf32>, vector<16xi32> -> vector<16xf32>
        %get3A_205 = arith.index_cast %scan3A_87 : i32 to index
        %get3A_206 = arith.constant 0 : index
        %get3A_207 = tpu.vector_load %arg13[%get3A_205, %get3A_206] {strides = array<i32>} : memref<64x144xf32, #tpu.memory_space<vmem>>, vector<16xf32>,
        %mul3A_208 = arith.mulf %get3A_207, %gather3A_189 : vector<16xf32>
        %swap3A = arith.index_cast %scan3A_87 : i32 to index
        %swap3A_209 = arith.constant 0 : index
        %swap3A_210 = tpu.vector_load %arg14[%swap3A, %swap3A_209] {strides = array<i32>} : memref<64x144xf32, #tpu.memory_space<vmem>>, vector<16xf32>,
        tpu.vector_store %arg14[%swap3A, %swap3A_209], %mul3A_208 {strides = array<i32>} : memref<64x144xf32, #tpu.memory_space<vmem>>, vector<16xf32>,
        %get3A_211 = arith.index_cast %scan3A_87 : i32 to index
        %get3A_212 = arith.constant 16 : index
        %get3A_213 = tpu.vector_load %arg13[%get3A_211, %get3A_212] {strides = array<i32>} : memref<64x144xf32, #tpu.memory_space<vmem>>, vector<16xf32>,
        %mul3A_214 = arith.mulf %get3A_213, %gather3A_189 : vector<16xf32>
        %swap3A_215 = arith.index_cast %scan3A_87 : i32 to index
        %swap3A_216 = arith.constant 16 : index
        %swap3A_217 = tpu.vector_load %arg14[%swap3A_215, %swap3A_216] {strides = array<i32>} : memref<64x144xf32, #tpu.memory_space<vmem>>, vector<16xf32>,
        tpu.vector_store %arg14[%swap3A_215, %swap3A_216], %mul3A_214 {strides = array<i32>} : memref<64x144xf32, #tpu.memory_space<vmem>>, vector<16xf32>,
        %get3A_218 = arith.index_cast %scan3A_87 : i32 to index
        %get3A_219 = arith.constant 32 : index
        %get3A_220 = tpu.vector_load %arg13[%get3A_218, %get3A_219] {strides = array<i32>} : memref<64x144xf32, #tpu.memory_space<vmem>>, vector<16xf32>,
        %mul3A_221 = arith.mulf %get3A_220, %gather3A_194 : vector<16xf32>
        %swap3A_222 = arith.index_cast %scan3A_87 : i32 to index
        %swap3A_223 = arith.constant 32 : index
        %swap3A_224 = tpu.vector_load %arg14[%swap3A_222, %swap3A_223] {strides = array<i32>} : memref<64x144xf32, #tpu.memory_space<vmem>>, vector<16xf32>,
        tpu.vector_store %arg14[%swap3A_222, %swap3A_223], %mul3A_221 {strides = array<i32>} : memref<64x144xf32, #tpu.memory_space<vmem>>, vector<16xf32>,
        %get3A_225 = arith.index_cast %scan3A_87 : i32 to index
        %get3A_226 = arith.constant 48 : index
        %get3A_227 = tpu.vector_load %arg13[%get3A_225, %get3A_226] {strides = array<i32>} : memref<64x144xf32, #tpu.memory_space<vmem>>, vector<16xf32>,
        %mul3A_228 = arith.mulf %get3A_227, %gather3A_194 : vector<16xf32>
        %swap3A_229 = arith.index_cast %scan3A_87 : i32 to index
        %swap3A_230 = arith.constant 48 : index
        %swap3A_231 = tpu.vector_load %arg14[%swap3A_229, %swap3A_230] {strides = array<i32>} : memref<64x144xf32, #tpu.memory_space<vmem>>, vector<16xf32>,
        tpu.vector_store %arg14[%swap3A_229, %swap3A_230], %mul3A_228 {strides = array<i32>} : memref<64x144xf32, #tpu.memory_space<vmem>>, vector<16xf32>,
        %get3A_232 = arith.index_cast %scan3A_87 : i32 to index
        %get3A_233 = arith.constant 64 : index
        %get3A_234 = tpu.vector_load %arg13[%get3A_232, %get3A_233] {strides = array<i32>} : memref<64x144xf32, #tpu.memory_space<vmem>>, vector<16xf32>,
        %mul3A_235 = arith.mulf %get3A_234, %gather3A_199 : vector<16xf32>
        %swap3A_236 = arith.index_cast %scan3A_87 : i32 to index
        %swap3A_237 = arith.constant 64 : index
        %swap3A_238 = tpu.vector_load %arg14[%swap3A_236, %swap3A_237] {strides = array<i32>} : memref<64x144xf32, #tpu.memory_space<vmem>>, vector<16xf32>,
        tpu.vector_store %arg14[%swap3A_236, %swap3A_237], %mul3A_235 {strides = array<i32>} : memref<64x144xf32, #tpu.memory_space<vmem>>, vector<16xf32>,
        %get3A_239 = arith.index_cast %scan3A_87 : i32 to index
        %get3A_240 = arith.constant 80 : index
        %get3A_241 = tpu.vector_load %arg13[%get3A_239, %get3A_240] {strides = array<i32>} : memref<64x144xf32, #tpu.memory_space<vmem>>, vector<16xf32>,
        %mul3A_242 = arith.mulf %get3A_241, %gather3A_199 : vector<16xf32>
        %swap3A_243 = arith.index_cast %scan3A_87 : i32 to index
        %swap3A_244 = arith.constant 80 : index
        %swap3A_245 = tpu.vector_load %arg14[%swap3A_243, %swap3A_244] {strides = array<i32>} : memref<64x144xf32, #tpu.memory_space<vmem>>, vector<16xf32>,
        tpu.vector_store %arg14[%swap3A_243, %swap3A_244], %mul3A_242 {strides = array<i32>} : memref<64x144xf32, #tpu.memory_space<vmem>>, vector<16xf32>,
        %get3A_246 = arith.index_cast %scan3A_87 : i32 to index
        %get3A_247 = arith.constant 96 : index
        %get3A_248 = tpu.vector_load %arg13[%get3A_246, %get3A_247] {strides = array<i32>} : memref<64x144xf32, #tpu.memory_space<vmem>>, vector<16xf32>,
        %mul3A_249 = arith.mulf %get3A_248, %gather3A_204 : vector<16xf32>
        %swap3A_250 = arith.index_cast %scan3A_87 : i32 to index
        %swap3A_251 = arith.constant 96 : index
        %swap3A_252 = tpu.vector_load %arg14[%swap3A_250, %swap3A_251] {strides = array<i32>} : memref<64x144xf32, #tpu.memory_space<vmem>>, vector<16xf32>,
        tpu.vector_store %arg14[%swap3A_250, %swap3A_251], %mul3A_249 {strides = array<i32>} : memref<64x144xf32, #tpu.memory_space<vmem>>, vector<16xf32>,
        %get3A_253 = arith.index_cast %scan3A_87 : i32 to index
        %get3A_254 = arith.constant 112 : index
        %get3A_255 = tpu.vector_load %arg13[%get3A_253, %get3A_254] {strides = array<i32>} : memref<64x144xf32, #tpu.memory_space<vmem>>, vector<16xf32>,
        %mul3A_256 = arith.mulf %get3A_255, %gather3A_204 : vector<16xf32>
        %swap3A_257 = arith.index_cast %scan3A_87 : i32 to index
        %swap3A_258 = arith.constant 112 : index
        %swap3A_259 = tpu.vector_load %arg14[%swap3A_257, %swap3A_258] {strides = array<i32>} : memref<64x144xf32, #tpu.memory_space<vmem>>, vector<16xf32>,
        tpu.vector_store %arg14[%swap3A_257, %swap3A_258], %mul3A_256 {strides = array<i32>} : memref<64x144xf32, #tpu.memory_space<vmem>>, vector<16xf32>,
        %lt3A_260 = arith.constant 4 : i32
        %lt3A_261 = vector.broadcast %lt3A_260 : i32 to vector<16xi32>
        %lt3A_262 = arith.cmpi slt, %iota3A, %lt3A_261 : vector<16xi32>
        %jit3A_263 = arith.constant 0.000000e+00 : f32
        %broadcast_in_dim3A_264 = vector.broadcast %jit3A_263 : f32 to vector<16xf32>
        %select_n3A_265 = arith.select %lt3A_262, %exp3A, %broadcast_in_dim3A_264 : vector<16xi1>, vector<16xf32>
        %swap3A_266 = arith.index_cast %scan3A_87 : i32 to index
        %swap3A_267 = arith.constant 128 : index
        %swap3A_268 = tpu.vector_load %arg14[%swap3A_266, %swap3A_267] {strides = array<i32>} : memref<64x144xf32, #tpu.memory_space<vmem>>, vector<16xf32>,
        tpu.vector_store %arg14[%swap3A_266, %swap3A_267], %select_n3A_265 {strides = array<i32>} : memref<64x144xf32, #tpu.memory_space<vmem>>, vector<16xf32>,
        %scan3A_269 = arith.constant 0 : i32
        scf.yield %scan3A_269 : i32
      }
      %scan3A_85 = arith.constant 64 : i32
      "tpu.region"() ({
        %run_scoped3A = tpu.sem_alloc : memref<!tpu.dma_semaphore, #tpu.memory_space<semaphore_mem>>
        %dma_start3A_87 = arith.constant 0 : i32
        %dma_start3A_88 = arith.constant 0 : i32
        %dma_start3A_89 = tpu.memref_slice %arg15[%dma_start3A_87, %dma_start3A_88] : memref<10000x144xf32, #tpu.memory_space<vmem_shared>> -> memref<10000x144xf32, #tpu.memory_space<vmem_shared>>
        tpu.enqueue_indirect_dma source(%arg14 : memref<64x144xf32, #tpu.memory_space<vmem>>) target(%dma_start3A_89 : memref<10000x144xf32, #tpu.memory_space<vmem_shared>>) offsets(%arg10 : memref<64xi32, #tpu.memory_space<vmem>>) semaphore(%run_scoped3A : memref<!tpu.dma_semaphore, #tpu.memory_space<semaphore_mem>>) {add = true}
        %dma_wait3A_90 = arith.constant 0 : i32
        %dma_wait3A_91 = arith.constant 0 : i32
        %dma_wait3A_92 = tpu.memref_slice %arg15[%dma_wait3A_90, %dma_wait3A_91] : memref<10000x144xf32, #tpu.memory_space<vmem_shared>> -> memref<10000x144xf32, #tpu.memory_space<vmem_shared>>
        tpu.wait_indirect_dma semaphore(%run_scoped3A : memref<!tpu.dma_semaphore, #tpu.memory_space<semaphore_mem>>) src(%arg14 : memref<64x144xf32, #tpu.memory_space<vmem>>) dst(%dma_wait3A_92 : memref<10000x144xf32, #tpu.memory_space<vmem_shared>>)
        tpu.yield
      }) : () -> ()
      %while3A_86 = arith.constant 0 : i32
      scf.yield %while3A_86 : i32
    }
    %barrier3A_45 = arith.constant 0 : index
    tpu.barrier barrier_id(%barrier3A_45)
    %add3A_46 = arith.addi %add3A_4, %add3A_8 : i32
    %while3A_47 = arith.constant 0 : i32
    %while3A_48 = arith.subi %add3A_46, %add3A_4 : i32
    %while3A_49 = arith.addi %add3A_4, %while3A_48 : i32
    %while3A_50 = arith.constant 1 : i32
    %while3A_51 = arith.divsi %while3A_48, %while3A_50 : i32
    %while3A_52 = arith.muli %while3A_51, %while3A_50 : i32
    %while3A_53 = arith.addi %add3A_4, %while3A_52 : i32
    %while3A_54 = arith.constant 1 : i32
    %while3A_55 = scf.for %while3A_58 = %add3A_4 to %while3A_53 step %while3A_54 iter_args(%while3A_59 = %while3A_47) -> (i32)  : i32 {
      %mul3A_60 = arith.constant 80 : i32
      %mul3A_61 = arith.muli %while3A_58, %mul3A_60 : i32
      "tpu.region"() ({
        %run_scoped3A = tpu.sem_alloc : memref<!tpu.dma_semaphore, #tpu.memory_space<semaphore_mem>>
        %dma_start3A = arith.constant 0 : i32
        %dma_start3A_63 = tpu.memref_slice %arg8[%arg0, %mul3A_61, %dma_start3A] : memref<2x10000x144xf32, #tpu.memory_space<hbm>> -> memref<1x80x144xf32, #tpu.memory_space<hbm>>
        %dma_start3A_64 = tpu.memref_squeeze %dma_start3A_63 : memref<1x80x144xf32, #tpu.memory_space<hbm>> -> memref<80x144xf32, #tpu.memory_space<hbm>>
        %dma_start3A_65 = arith.constant 0 : i32
        %dma_start3A_66 = tpu.memref_slice %arg15[%mul3A_61, %dma_start3A_65] : memref<10000x144xf32, #tpu.memory_space<vmem_shared>> -> memref<80x144xf32, #tpu.memory_space<vmem_shared>>
        tpu.enqueue_dma source(%dma_start3A_66 : memref<80x144xf32, #tpu.memory_space<vmem_shared>>) target(%dma_start3A_64 : memref<80x144xf32, #tpu.memory_space<hbm>>) target_semaphore(%run_scoped3A : memref<!tpu.dma_semaphore, #tpu.memory_space<semaphore_mem>>)
        %dma_wait3A = arith.constant 0 : i32
        %dma_wait3A_67 = tpu.memref_slice %arg8[%arg0, %mul3A_61, %dma_wait3A] : memref<2x10000x144xf32, #tpu.memory_space<hbm>> -> memref<1x80x144xf32, #tpu.memory_space<hbm>>
        %dma_wait3A_68 = tpu.memref_squeeze %dma_wait3A_67 : memref<1x80x144xf32, #tpu.memory_space<hbm>> -> memref<80x144xf32, #tpu.memory_space<hbm>>
        %dma_wait3A_69 = arith.constant 0 : i32
        %dma_wait3A_70 = tpu.memref_slice %arg15[%mul3A_61, %dma_wait3A_69] : memref<10000x144xf32, #tpu.memory_space<vmem_shared>> -> memref<80x144xf32, #tpu.memory_space<vmem_shared>>
        tpu.wait_dma2 semaphore(%run_scoped3A : memref<!tpu.dma_semaphore, #tpu.memory_space<semaphore_mem>>) src(%dma_wait3A_70 : memref<80x144xf32, #tpu.memory_space<vmem_shared>>) dst(%dma_wait3A_68 : memref<80x144xf32, #tpu.memory_space<hbm>>)
        tpu.yield
      }) : () -> ()
      %while3A_62 = arith.constant 0 : i32
      scf.yield %while3A_62 : i32
    }
    %while3A_56 = arith.constant 1 : i32
    %while3A_57 = scf.for %while3A_58 = %while3A_53 to %while3A_49 step %while3A_56 iter_args(%while3A_59 = %while3A_55) -> (i32)  : i32 {
      %mul3A_60 = arith.constant 80 : i32
      %mul3A_61 = arith.muli %while3A_58, %mul3A_60 : i32
      "tpu.region"() ({
        %run_scoped3A = tpu.sem_alloc : memref<!tpu.dma_semaphore, #tpu.memory_space<semaphore_mem>>
        %dma_start3A = arith.constant 0 : i32
        %dma_start3A_63 = tpu.memref_slice %arg8[%arg0, %mul3A_61, %dma_start3A] : memref<2x10000x144xf32, #tpu.memory_space<hbm>> -> memref<1x80x144xf32, #tpu.memory_space<hbm>>
        %dma_start3A_64 = tpu.memref_squeeze %dma_start3A_63 : memref<1x80x144xf32, #tpu.memory_space<hbm>> -> memref<80x144xf32, #tpu.memory_space<hbm>>
        %dma_start3A_65 = arith.constant 0 : i32
        %dma_start3A_66 = tpu.memref_slice %arg15[%mul3A_61, %dma_start3A_65] : memref<10000x144xf32, #tpu.memory_space<vmem_shared>> -> memref<80x144xf32, #tpu.memory_space<vmem_shared>>
        tpu.enqueue_dma source(%dma_start3A_66 : memref<80x144xf32, #tpu.memory_space<vmem_shared>>) target(%dma_start3A_64 : memref<80x144xf32, #tpu.memory_space<hbm>>) target_semaphore(%run_scoped3A : memref<!tpu.dma_semaphore, #tpu.memory_space<semaphore_mem>>)
        %dma_wait3A = arith.constant 0 : i32
        %dma_wait3A_67 = tpu.memref_slice %arg8[%arg0, %mul3A_61, %dma_wait3A] : memref<2x10000x144xf32, #tpu.memory_space<hbm>> -> memref<1x80x144xf32, #tpu.memory_space<hbm>>
        %dma_wait3A_68 = tpu.memref_squeeze %dma_wait3A_67 : memref<1x80x144xf32, #tpu.memory_space<hbm>> -> memref<80x144xf32, #tpu.memory_space<hbm>>
        %dma_wait3A_69 = arith.constant 0 : i32
        %dma_wait3A_70 = tpu.memref_slice %arg15[%mul3A_61, %dma_wait3A_69] : memref<10000x144xf32, #tpu.memory_space<vmem_shared>> -> memref<80x144xf32, #tpu.memory_space<vmem_shared>>
        tpu.wait_dma2 semaphore(%run_scoped3A : memref<!tpu.dma_semaphore, #tpu.memory_space<semaphore_mem>>) src(%dma_wait3A_70 : memref<80x144xf32, #tpu.memory_space<vmem_shared>>) dst(%dma_wait3A_68 : memref<80x144xf32, #tpu.memory_space<hbm>>)
        tpu.yield
      }) : () -> ()
      %while3A_62 = arith.constant 0 : i32
      scf.yield %while3A_62 : i32
    }
    return
  }
}

module attributes {stable_mosaic.version = 14 : i64} {
  func.func @_qkvs_body(%arg0: i32, %arg1: memref<1000x128xf32, #tpu.memory_space<vmem>>, %arg2: memref<128x512xf32, #tpu.memory_space<vmem>>, %arg3: memref<1x512xf32, #tpu.memory_space<vmem>>, %arg4: memref<1000x144xf32, #tpu.memory_space<vmem>>, %arg5: memref<1000x144xf32, #tpu.memory_space<vmem>>, %arg6: memref<1000x144xf32, #tpu.memory_space<vmem>>, %arg7: memref<1000x128xf32, #tpu.memory_space<vmem>>) attributes {dimension_semantics = [#tpu.dimension_semantics<arbitrary>], iteration_bounds = array<i64: 10>, scalar_prefetch = 0 : i64, scratch_operands = 0 : i64, tpu.core_type = #tpu.core_type<tc>, window_params = [{transform_indices = @transform_0, window_bounds = array<i64: 1000, 128>}, {pipeline_mode = #tpu.pipeline_mode<synchronous>, transform_indices = @transform_1, window_bounds = array<i64: 128, 512>}, {pipeline_mode = #tpu.pipeline_mode<synchronous>, transform_indices = @transform_2, window_bounds = array<i64: 1, 512>}, {transform_indices = @transform_3, window_bounds = array<i64: 1000, 144>}, {transform_indices = @transform_4, window_bounds = array<i64: 1000, 144>}, {transform_indices = @transform_5, window_bounds = array<i64: 1000, 144>}, {transform_indices = @transform_6, window_bounds = array<i64: 1000, 128>}]} {
    %get3A = arith.constant 0 : index
    %get3A_0 = arith.constant 0 : index
    %get3A_1 = vector.load %arg1[%get3A, %get3A_0] : memref<1000x128xf32, #tpu.memory_space<vmem>>, vector<1000x128xf32>
    %get3A_2 = arith.constant 0 : index
    %get3A_3 = arith.constant 0 : index
    %get3A_4 = vector.load %arg2[%get3A_2, %get3A_3] : memref<128x512xf32, #tpu.memory_space<vmem>>, vector<128x512xf32>
    %dot_general3A = arith.constant dense<0.000000e+00> : vector<1000x512xf32>
    %dot_general3A_5 = tpu.matmul %get3A_1, %get3A_4, %dot_general3A {dimension_numbers = #tpu.dot_dimension_numbers<[1], [0], [0], [1], [0, 0, 1, 1], [], []>, precision = #tpu.contract_precision<fp32>, transpose_lhs_hint = false} : vector<1000x128xf32>, vector<128x512xf32>, vector<1000x512xf32> -> vector<1000x512xf32>
    %get3A_6 = arith.constant 0 : index
    %get3A_7 = arith.constant 0 : index
    %get3A_8 = vector.load %arg3[%get3A_6, %get3A_7] : memref<1x512xf32, #tpu.memory_space<vmem>>, vector<1x512xf32>
    %add3A = vector.broadcast %get3A_8 : vector<1x512xf32> to vector<1000x512xf32>
    %add3A_9 = arith.addf %dot_general3A_5, %add3A : vector<1000x512xf32>
    %broadcast_in_dim3A = arith.constant 0.000000e+00 : f32
    %broadcast_in_dim3A_10 = vector.broadcast %broadcast_in_dim3A : f32 to vector<1000x16xf32>
    %slice3A = vector.extract_strided_slice %add3A_9 {offsets = [0, 0], sizes = [1000, 128], strides = [1, 1]} : vector<1000x512xf32> to vector<1000x128xf32>
    %mul3A = arith.constant 0.176776692 : f32
    %mul3A_11 = vector.broadcast %mul3A : f32 to vector<1000x128xf32>
    %mul3A_12 = arith.mulf %slice3A, %mul3A_11 : vector<1000x128xf32>
    %concatenate3A = tpu.concatenate %mul3A_12, %broadcast_in_dim3A_10 in 1 : vector<1000x128xf32>, vector<1000x16xf32> -> vector<1000x144xf32>
    %swap3A = arith.constant 0 : index
    %swap3A_13 = arith.constant 0 : index
    %swap3A_14 = vector.load %arg4[%swap3A, %swap3A_13] : memref<1000x144xf32, #tpu.memory_space<vmem>>, vector<1000x144xf32>
    tpu.vector_store %arg4[%swap3A, %swap3A_13], %concatenate3A {strides = array<i32>} : memref<1000x144xf32, #tpu.memory_space<vmem>>, vector<1000x144xf32>,
    %slice3A_15 = vector.extract_strided_slice %add3A_9 {offsets = [0, 128], sizes = [1000, 128], strides = [1, 1]} : vector<1000x512xf32> to vector<1000x128xf32>
    %concatenate3A_16 = tpu.concatenate %slice3A_15, %broadcast_in_dim3A_10 in 1 : vector<1000x128xf32>, vector<1000x16xf32> -> vector<1000x144xf32>
    %swap3A_17 = arith.constant 0 : index
    %swap3A_18 = arith.constant 0 : index
    %swap3A_19 = vector.load %arg5[%swap3A_17, %swap3A_18] : memref<1000x144xf32, #tpu.memory_space<vmem>>, vector<1000x144xf32>
    tpu.vector_store %arg5[%swap3A_17, %swap3A_18], %concatenate3A_16 {strides = array<i32>} : memref<1000x144xf32, #tpu.memory_space<vmem>>, vector<1000x144xf32>,
    %slice3A_20 = vector.extract_strided_slice %add3A_9 {offsets = [0, 256], sizes = [1000, 128], strides = [1, 1]} : vector<1000x512xf32> to vector<1000x128xf32>
    %concatenate3A_21 = tpu.concatenate %slice3A_20, %broadcast_in_dim3A_10 in 1 : vector<1000x128xf32>, vector<1000x16xf32> -> vector<1000x144xf32>
    %swap3A_22 = arith.constant 0 : index
    %swap3A_23 = arith.constant 0 : index
    %swap3A_24 = vector.load %arg6[%swap3A_22, %swap3A_23] : memref<1000x144xf32, #tpu.memory_space<vmem>>, vector<1000x144xf32>
    tpu.vector_store %arg6[%swap3A_22, %swap3A_23], %concatenate3A_21 {strides = array<i32>} : memref<1000x144xf32, #tpu.memory_space<vmem>>, vector<1000x144xf32>,
    %slice3A_25 = vector.extract_strided_slice %add3A_9 {offsets = [0, 384], sizes = [1000, 128], strides = [1, 1]} : vector<1000x512xf32> to vector<1000x128xf32>
    %swap3A_26 = arith.constant 0 : index
    %swap3A_27 = arith.constant 0 : index
    %swap3A_28 = vector.load %arg7[%swap3A_26, %swap3A_27] : memref<1000x128xf32, #tpu.memory_space<vmem>>, vector<1000x128xf32>
    tpu.vector_store %arg7[%swap3A_26, %swap3A_27], %slice3A_25 {strides = array<i32>} : memref<1000x128xf32, #tpu.memory_space<vmem>>, vector<1000x128xf32>,
    return
  }
  func.func @transform_0(%arg0: i32) -> (i32, i32) {
    %c0_i32 = arith.constant 0 : i32
    %c0_i32_0 = arith.constant 0 : i32
    return %arg0, %c0_i32 : i32, i32
  }
  func.func @transform_1(%arg0: i32) -> (i32, i32) {
    %c0_i32 = arith.constant 0 : i32
    %c0_i32_0 = arith.constant 0 : i32
    %c0_i32_1 = arith.constant 0 : i32
    return %c0_i32, %c0_i32_0 : i32, i32
  }
  func.func @transform_2(%arg0: i32) -> (i32, i32) {
    %c0_i32 = arith.constant 0 : i32
    %c0_i32_0 = arith.constant 0 : i32
    %c0_i32_1 = arith.constant 0 : i32
    return %c0_i32, %c0_i32_0 : i32, i32
  }
  func.func @transform_3(%arg0: i32) -> (i32, i32) {
    %c0_i32 = arith.constant 0 : i32
    %c0_i32_0 = arith.constant 0 : i32
    return %arg0, %c0_i32 : i32, i32
  }
  func.func @transform_4(%arg0: i32) -> (i32, i32) {
    %c0_i32 = arith.constant 0 : i32
    %c0_i32_0 = arith.constant 0 : i32
    return %arg0, %c0_i32 : i32, i32
  }
  func.func @transform_5(%arg0: i32) -> (i32, i32) {
    %c0_i32 = arith.constant 0 : i32
    %c0_i32_0 = arith.constant 0 : i32
    return %arg0, %c0_i32 : i32, i32
  }
  func.func @transform_6(%arg0: i32) -> (i32, i32) {
    %c0_i32 = arith.constant 0 : i32
    %c0_i32_0 = arith.constant 0 : i32
    return %arg0, %c0_i32 : i32, i32
  }
}

module attributes {stable_mosaic.version = 14 : i64} {
  func.func @_combine_body(%arg0: i32, %arg1: memref<2x1000x144xf32, #tpu.memory_space<vmem>>, %arg2: memref<1000x128xf32, #tpu.memory_space<vmem>>, %arg3: memref<128x512xf32, #tpu.memory_space<vmem>>, %arg4: memref<1x512xf32, #tpu.memory_space<vmem>>, %arg5: memref<1000x144xf32, #tpu.memory_space<vmem>>, %arg6: memref<1000x144xf32, #tpu.memory_space<vmem>>, %arg7: memref<1000x144xf32, #tpu.memory_space<vmem>>, %arg8: memref<1000x128xf32, #tpu.memory_space<vmem>>) attributes {dimension_semantics = [#tpu.dimension_semantics<arbitrary>], iteration_bounds = array<i64: 10>, scalar_prefetch = 0 : i64, scratch_operands = 0 : i64, tpu.core_type = #tpu.core_type<tc>, window_params = [{transform_indices = @transform_0, window_bounds = array<i64: 2, 1000, 144>}, {transform_indices = @transform_1, window_bounds = array<i64: 1000, 128>}, {pipeline_mode = #tpu.pipeline_mode<synchronous>, transform_indices = @transform_2, window_bounds = array<i64: 128, 512>}, {pipeline_mode = #tpu.pipeline_mode<synchronous>, transform_indices = @transform_3, window_bounds = array<i64: 1, 512>}, {transform_indices = @transform_4, window_bounds = array<i64: 1000, 144>}, {transform_indices = @transform_5, window_bounds = array<i64: 1000, 144>}, {transform_indices = @transform_6, window_bounds = array<i64: 1000, 144>}, {transform_indices = @transform_7, window_bounds = array<i64: 1000, 128>}]} {
    %get3A = arith.constant 0 : index
    %get3A_0 = arith.constant 0 : index
    %get3A_1 = arith.constant 0 : index
    %get3A_2 = vector.load %arg1[%get3A, %get3A_0, %get3A_1] : memref<2x1000x144xf32, #tpu.memory_space<vmem>>, vector<1x1000x144xf32>
    %get3A_3 = vector.shape_cast %get3A_2 : vector<1x1000x144xf32> to vector<1000x144xf32>
    %get3A_4 = arith.constant 1 : index
    %get3A_5 = arith.constant 0 : index
    %get3A_6 = arith.constant 0 : index
    %get3A_7 = vector.load %arg1[%get3A_4, %get3A_5, %get3A_6] : memref<2x1000x144xf32, #tpu.memory_space<vmem>>, vector<1x1000x144xf32>
    %get3A_8 = vector.shape_cast %get3A_7 : vector<1x1000x144xf32> to vector<1000x144xf32>
    %add3A = arith.addf %get3A_3, %get3A_8 : vector<1000x144xf32>
    %slice3A = vector.extract_strided_slice %add3A {offsets = [0, 0], sizes = [1000, 128], strides = [1, 1]} : vector<1000x144xf32> to vector<1000x128xf32>
    %slice3A_9 = vector.extract_strided_slice %add3A {offsets = [0, 128], sizes = [1000, 1], strides = [1, 1]} : vector<1000x144xf32> to vector<1000x1xf32>
    %broadcast_in_dim3A = vector.shape_cast %slice3A_9 : vector<1000x1xf32> to vector<1000x1xf32>
    %broadcast_in_dim3A_10 = vector.broadcast %broadcast_in_dim3A : vector<1000x1xf32> to vector<1000x32xf32>
    %slice3A_11 = vector.extract_strided_slice %add3A {offsets = [0, 129], sizes = [1000, 1], strides = [1, 1]} : vector<1000x144xf32> to vector<1000x1xf32>
    %broadcast_in_dim3A_12 = vector.shape_cast %slice3A_11 : vector<1000x1xf32> to vector<1000x1xf32>
    %broadcast_in_dim3A_13 = vector.broadcast %broadcast_in_dim3A_12 : vector<1000x1xf32> to vector<1000x32xf32>
    %slice3A_14 = vector.extract_strided_slice %add3A {offsets = [0, 130], sizes = [1000, 1], strides = [1, 1]} : vector<1000x144xf32> to vector<1000x1xf32>
    %broadcast_in_dim3A_15 = vector.shape_cast %slice3A_14 : vector<1000x1xf32> to vector<1000x1xf32>
    %broadcast_in_dim3A_16 = vector.broadcast %broadcast_in_dim3A_15 : vector<1000x1xf32> to vector<1000x32xf32>
    %slice3A_17 = vector.extract_strided_slice %add3A {offsets = [0, 131], sizes = [1000, 1], strides = [1, 1]} : vector<1000x144xf32> to vector<1000x1xf32>
    %broadcast_in_dim3A_18 = vector.shape_cast %slice3A_17 : vector<1000x1xf32> to vector<1000x1xf32>
    %broadcast_in_dim3A_19 = vector.broadcast %broadcast_in_dim3A_18 : vector<1000x1xf32> to vector<1000x32xf32>
    %concatenate3A = tpu.concatenate %broadcast_in_dim3A_10, %broadcast_in_dim3A_13, %broadcast_in_dim3A_16, %broadcast_in_dim3A_19 in 1 : vector<1000x32xf32>, vector<1000x32xf32>, vector<1000x32xf32>, vector<1000x32xf32> -> vector<1000x128xf32>
    %add3A_20 = arith.constant 1.000000e-16 : f32
    %add3A_21 = vector.broadcast %add3A_20 : f32 to vector<1000x128xf32>
    %add3A_22 = arith.addf %concatenate3A, %add3A_21 : vector<1000x128xf32>
    %div3A = arith.divf %slice3A, %add3A_22 : vector<1000x128xf32>
    %get3A_23 = arith.constant 0 : index
    %get3A_24 = arith.constant 0 : index
    %get3A_25 = vector.load %arg2[%get3A_23, %get3A_24] : memref<1000x128xf32, #tpu.memory_space<vmem>>, vector<1000x128xf32>
    %add3A_26 = arith.addf %div3A, %get3A_25 : vector<1000x128xf32>
    %max3A = arith.constant 0.000000e+00 : f32
    %max3A_27 = vector.broadcast %max3A : f32 to vector<1000x128xf32>
    %max3A_28 = arith.maximumf %add3A_26, %max3A_27 : vector<1000x128xf32>
    %get3A_29 = arith.constant 0 : index
    %get3A_30 = arith.constant 0 : index
    %get3A_31 = vector.load %arg3[%get3A_29, %get3A_30] : memref<128x512xf32, #tpu.memory_space<vmem>>, vector<128x512xf32>
    %dot_general3A = arith.constant dense<0.000000e+00> : vector<1000x512xf32>
    %dot_general3A_32 = tpu.matmul %max3A_28, %get3A_31, %dot_general3A {dimension_numbers = #tpu.dot_dimension_numbers<[1], [0], [0], [1], [0, 0, 1, 1], [], []>, precision = #tpu.contract_precision<fp32>, transpose_lhs_hint = false} : vector<1000x128xf32>, vector<128x512xf32>, vector<1000x512xf32> -> vector<1000x512xf32>
    %get3A_33 = arith.constant 0 : index
    %get3A_34 = arith.constant 0 : index
    %get3A_35 = vector.load %arg4[%get3A_33, %get3A_34] : memref<1x512xf32, #tpu.memory_space<vmem>>, vector<1x512xf32>
    %add3A_36 = vector.broadcast %get3A_35 : vector<1x512xf32> to vector<1000x512xf32>
    %add3A_37 = arith.addf %dot_general3A_32, %add3A_36 : vector<1000x512xf32>
    %broadcast_in_dim3A_38 = arith.constant 0.000000e+00 : f32
    %broadcast_in_dim3A_39 = vector.broadcast %broadcast_in_dim3A_38 : f32 to vector<1000x16xf32>
    %slice3A_40 = vector.extract_strided_slice %add3A_37 {offsets = [0, 0], sizes = [1000, 128], strides = [1, 1]} : vector<1000x512xf32> to vector<1000x128xf32>
    %mul3A = arith.constant 0.176776692 : f32
    %mul3A_41 = vector.broadcast %mul3A : f32 to vector<1000x128xf32>
    %mul3A_42 = arith.mulf %slice3A_40, %mul3A_41 : vector<1000x128xf32>
    %concatenate3A_43 = tpu.concatenate %mul3A_42, %broadcast_in_dim3A_39 in 1 : vector<1000x128xf32>, vector<1000x16xf32> -> vector<1000x144xf32>
    %swap3A = arith.constant 0 : index
    %swap3A_44 = arith.constant 0 : index
    %swap3A_45 = vector.load %arg5[%swap3A, %swap3A_44] : memref<1000x144xf32, #tpu.memory_space<vmem>>, vector<1000x144xf32>
    tpu.vector_store %arg5[%swap3A, %swap3A_44], %concatenate3A_43 {strides = array<i32>} : memref<1000x144xf32, #tpu.memory_space<vmem>>, vector<1000x144xf32>,
    %slice3A_46 = vector.extract_strided_slice %add3A_37 {offsets = [0, 128], sizes = [1000, 128], strides = [1, 1]} : vector<1000x512xf32> to vector<1000x128xf32>
    %concatenate3A_47 = tpu.concatenate %slice3A_46, %broadcast_in_dim3A_39 in 1 : vector<1000x128xf32>, vector<1000x16xf32> -> vector<1000x144xf32>
    %swap3A_48 = arith.constant 0 : index
    %swap3A_49 = arith.constant 0 : index
    %swap3A_50 = vector.load %arg6[%swap3A_48, %swap3A_49] : memref<1000x144xf32, #tpu.memory_space<vmem>>, vector<1000x144xf32>
    tpu.vector_store %arg6[%swap3A_48, %swap3A_49], %concatenate3A_47 {strides = array<i32>} : memref<1000x144xf32, #tpu.memory_space<vmem>>, vector<1000x144xf32>,
    %slice3A_51 = vector.extract_strided_slice %add3A_37 {offsets = [0, 256], sizes = [1000, 128], strides = [1, 1]} : vector<1000x512xf32> to vector<1000x128xf32>
    %concatenate3A_52 = tpu.concatenate %slice3A_51, %broadcast_in_dim3A_39 in 1 : vector<1000x128xf32>, vector<1000x16xf32> -> vector<1000x144xf32>
    %swap3A_53 = arith.constant 0 : index
    %swap3A_54 = arith.constant 0 : index
    %swap3A_55 = vector.load %arg7[%swap3A_53, %swap3A_54] : memref<1000x144xf32, #tpu.memory_space<vmem>>, vector<1000x144xf32>
    tpu.vector_store %arg7[%swap3A_53, %swap3A_54], %concatenate3A_52 {strides = array<i32>} : memref<1000x144xf32, #tpu.memory_space<vmem>>, vector<1000x144xf32>,
    %slice3A_56 = vector.extract_strided_slice %add3A_37 {offsets = [0, 384], sizes = [1000, 128], strides = [1, 1]} : vector<1000x512xf32> to vector<1000x128xf32>
    %swap3A_57 = arith.constant 0 : index
    %swap3A_58 = arith.constant 0 : index
    %swap3A_59 = vector.load %arg8[%swap3A_57, %swap3A_58] : memref<1000x128xf32, #tpu.memory_space<vmem>>, vector<1000x128xf32>
    tpu.vector_store %arg8[%swap3A_57, %swap3A_58], %slice3A_56 {strides = array<i32>} : memref<1000x128xf32, #tpu.memory_space<vmem>>, vector<1000x128xf32>,
    return
  }
  func.func @transform_0(%arg0: i32) -> (i32, i32, i32) {
    %c0_i32 = arith.constant 0 : i32
    %c0_i32_0 = arith.constant 0 : i32
    %c0_i32_1 = arith.constant 0 : i32
    return %c0_i32, %arg0, %c0_i32_0 : i32, i32, i32
  }
  func.func @transform_1(%arg0: i32) -> (i32, i32) {
    %c0_i32 = arith.constant 0 : i32
    %c0_i32_0 = arith.constant 0 : i32
    return %arg0, %c0_i32 : i32, i32
  }
  func.func @transform_2(%arg0: i32) -> (i32, i32) {
    %c0_i32 = arith.constant 0 : i32
    %c0_i32_0 = arith.constant 0 : i32
    %c0_i32_1 = arith.constant 0 : i32
    return %c0_i32, %c0_i32_0 : i32, i32
  }
  func.func @transform_3(%arg0: i32) -> (i32, i32) {
    %c0_i32 = arith.constant 0 : i32
    %c0_i32_0 = arith.constant 0 : i32
    %c0_i32_1 = arith.constant 0 : i32
    return %c0_i32, %c0_i32_0 : i32, i32
  }
  func.func @transform_4(%arg0: i32) -> (i32, i32) {
    %c0_i32 = arith.constant 0 : i32
    %c0_i32_0 = arith.constant 0 : i32
    return %arg0, %c0_i32 : i32, i32
  }
  func.func @transform_5(%arg0: i32) -> (i32, i32) {
    %c0_i32 = arith.constant 0 : i32
    %c0_i32_0 = arith.constant 0 : i32
    return %arg0, %c0_i32 : i32, i32
  }
  func.func @transform_6(%arg0: i32) -> (i32, i32) {
    %c0_i32 = arith.constant 0 : i32
    %c0_i32_0 = arith.constant 0 : i32
    return %arg0, %c0_i32 : i32, i32
  }
  func.func @transform_7(%arg0: i32) -> (i32, i32) {
    %c0_i32 = arith.constant 0 : i32
    %c0_i32_0 = arith.constant 0 : i32
    return %arg0, %c0_i32 : i32, i32
  }
}

module attributes {stable_mosaic.version = 14 : i64} {
  func.func @_pool_body(%arg0: i32, %arg1: memref<2x1000x144xf32, #tpu.memory_space<vmem>>, %arg2: memref<1000x128xf32, #tpu.memory_space<vmem>>, %arg3: memref<1x1x1000xi32, #tpu.memory_space<vmem>>, %arg4: memref<128x1xf32, #tpu.memory_space<vmem>>, %arg5: memref<1x1xf32, #tpu.memory_space<vmem>>, %arg6: memref<64x1xf32, #tpu.memory_space<vmem>>, %arg7: memref<64x128xf32, #tpu.memory_space<vmem>>, %arg8: memref<64x1xf32, #tpu.memory_space<vmem>>) attributes {dimension_semantics = [#tpu.dimension_semantics<arbitrary>], iteration_bounds = array<i64: 10>, scalar_prefetch = 0 : i64, scratch_operands = 2 : i64, tpu.core_type = #tpu.core_type<tc>, window_params = [{transform_indices = @transform_0, window_bounds = array<i64: 2, 1000, 144>}, {transform_indices = @transform_1, window_bounds = array<i64: 1000, 128>}, {transform_indices = @transform_2, window_bounds = array<i64: 1, 1, 1000>}, {pipeline_mode = #tpu.pipeline_mode<synchronous>, transform_indices = @transform_3, window_bounds = array<i64: 128, 1>}, {pipeline_mode = #tpu.pipeline_mode<synchronous>, transform_indices = @transform_4, window_bounds = array<i64: 1, 1>}, {pipeline_mode = #tpu.pipeline_mode<synchronous>, transform_indices = @transform_5, window_bounds = array<i64: 64, 1>}]} {
    %eq3A = arith.constant 0 : i32
    %eq3A_0 = arith.cmpi eq, %arg0, %eq3A : i32
    %convert_element_type3A = arith.extui %eq3A_0 : i1 to i32
    %cond3A = arith.constant 0 : i32
    %cond3A_1 = arith.cmpi ne, %convert_element_type3A, %cond3A : i32
    scf.if %cond3A_1 {
      %broadcast_in_dim3A_61 = arith.constant 0.000000e+00 : f32
      %broadcast_in_dim3A_62 = vector.broadcast %broadcast_in_dim3A_61 : f32 to vector<64x128xf32>
      %swap3A_63 = arith.constant 0 : index
      %swap3A_64 = arith.constant 0 : index
      %swap3A_65 = vector.load %arg7[%swap3A_63, %swap3A_64] : memref<64x128xf32, #tpu.memory_space<vmem>>, vector<64x128xf32>
      tpu.vector_store %arg7[%swap3A_63, %swap3A_64], %broadcast_in_dim3A_62 {strides = array<i32>} : memref<64x128xf32, #tpu.memory_space<vmem>>, vector<64x128xf32>,
      %broadcast_in_dim3A_66 = arith.constant 0.000000e+00 : f32
      %broadcast_in_dim3A_67 = vector.broadcast %broadcast_in_dim3A_66 : f32 to vector<64x1xf32>
      %swap3A_68 = arith.constant 0 : index
      %swap3A_69 = arith.constant 0 : index
      %swap3A_70 = vector.load %arg8[%swap3A_68, %swap3A_69] : memref<64x1xf32, #tpu.memory_space<vmem>>, vector<64x1xf32>
      tpu.vector_store %arg8[%swap3A_68, %swap3A_69], %broadcast_in_dim3A_67 {strides = array<i32>} : memref<64x1xf32, #tpu.memory_space<vmem>>, vector<64x1xf32>,
    } else {
    }
    %get3A = arith.constant 0 : index
    %get3A_2 = arith.constant 0 : index
    %get3A_3 = arith.constant 0 : index
    %get3A_4 = vector.load %arg1[%get3A, %get3A_2, %get3A_3] : memref<2x1000x144xf32, #tpu.memory_space<vmem>>, vector<1x1000x144xf32>
    %get3A_5 = vector.shape_cast %get3A_4 : vector<1x1000x144xf32> to vector<1000x144xf32>
    %get3A_6 = arith.constant 1 : index
    %get3A_7 = arith.constant 0 : index
    %get3A_8 = arith.constant 0 : index
    %get3A_9 = vector.load %arg1[%get3A_6, %get3A_7, %get3A_8] : memref<2x1000x144xf32, #tpu.memory_space<vmem>>, vector<1x1000x144xf32>
    %get3A_10 = vector.shape_cast %get3A_9 : vector<1x1000x144xf32> to vector<1000x144xf32>
    %add3A = arith.addf %get3A_5, %get3A_10 : vector<1000x144xf32>
    %slice3A = vector.extract_strided_slice %add3A {offsets = [0, 0], sizes = [1000, 128], strides = [1, 1]} : vector<1000x144xf32> to vector<1000x128xf32>
    %slice3A_11 = vector.extract_strided_slice %add3A {offsets = [0, 128], sizes = [1000, 1], strides = [1, 1]} : vector<1000x144xf32> to vector<1000x1xf32>
    %broadcast_in_dim3A = vector.shape_cast %slice3A_11 : vector<1000x1xf32> to vector<1000x1xf32>
    %broadcast_in_dim3A_12 = vector.broadcast %broadcast_in_dim3A : vector<1000x1xf32> to vector<1000x32xf32>
    %slice3A_13 = vector.extract_strided_slice %add3A {offsets = [0, 129], sizes = [1000, 1], strides = [1, 1]} : vector<1000x144xf32> to vector<1000x1xf32>
    %broadcast_in_dim3A_14 = vector.shape_cast %slice3A_13 : vector<1000x1xf32> to vector<1000x1xf32>
    %broadcast_in_dim3A_15 = vector.broadcast %broadcast_in_dim3A_14 : vector<1000x1xf32> to vector<1000x32xf32>
    %slice3A_16 = vector.extract_strided_slice %add3A {offsets = [0, 130], sizes = [1000, 1], strides = [1, 1]} : vector<1000x144xf32> to vector<1000x1xf32>
    %broadcast_in_dim3A_17 = vector.shape_cast %slice3A_16 : vector<1000x1xf32> to vector<1000x1xf32>
    %broadcast_in_dim3A_18 = vector.broadcast %broadcast_in_dim3A_17 : vector<1000x1xf32> to vector<1000x32xf32>
    %slice3A_19 = vector.extract_strided_slice %add3A {offsets = [0, 131], sizes = [1000, 1], strides = [1, 1]} : vector<1000x144xf32> to vector<1000x1xf32>
    %broadcast_in_dim3A_20 = vector.shape_cast %slice3A_19 : vector<1000x1xf32> to vector<1000x1xf32>
    %broadcast_in_dim3A_21 = vector.broadcast %broadcast_in_dim3A_20 : vector<1000x1xf32> to vector<1000x32xf32>
    %concatenate3A = tpu.concatenate %broadcast_in_dim3A_12, %broadcast_in_dim3A_15, %broadcast_in_dim3A_18, %broadcast_in_dim3A_21 in 1 : vector<1000x32xf32>, vector<1000x32xf32>, vector<1000x32xf32>, vector<1000x32xf32> -> vector<1000x128xf32>
    %add3A_22 = arith.constant 1.000000e-16 : f32
    %add3A_23 = vector.broadcast %add3A_22 : f32 to vector<1000x128xf32>
    %add3A_24 = arith.addf %concatenate3A, %add3A_23 : vector<1000x128xf32>
    %div3A = arith.divf %slice3A, %add3A_24 : vector<1000x128xf32>
    %get3A_25 = arith.constant 0 : index
    %get3A_26 = arith.constant 0 : index
    %get3A_27 = vector.load %arg2[%get3A_25, %get3A_26] : memref<1000x128xf32, #tpu.memory_space<vmem>>, vector<1000x128xf32>
    %add3A_28 = arith.addf %div3A, %get3A_27 : vector<1000x128xf32>
    %max3A = arith.constant 0.000000e+00 : f32
    %max3A_29 = vector.broadcast %max3A : f32 to vector<1000x128xf32>
    %max3A_30 = arith.maximumf %add3A_28, %max3A_29 : vector<1000x128xf32>
    %get3A_31 = arith.constant 0 : index
    %get3A_32 = arith.constant 0 : index
    %get3A_33 = arith.constant 0 : index
    %get3A_34 = vector.load %arg3[%get3A_31, %get3A_32, %get3A_33] : memref<1x1x1000xi32, #tpu.memory_space<vmem>>, vector<1x1x1000xi32>
    %get3A_35 = vector.shape_cast %get3A_34 : vector<1x1x1000xi32> to vector<1x1000xi32>
    %iota3A = tpu.iota {dimensions = array<i32: 0>} : vector<64x1000xi32>
    %eq3A_36 = vector.broadcast %get3A_35 : vector<1x1000xi32> to vector<64x1000xi32>
    %eq3A_37 = arith.cmpi eq, %eq3A_36, %iota3A : vector<64x1000xi32>
    %convert_element_type3A_38 = arith.extui %eq3A_37 : vector<64x1000xi1> to vector<64x1000xi32>
    %convert_element_type3A_39 = arith.sitofp %convert_element_type3A_38 : vector<64x1000xi32> to vector<64x1000xf32>
    %get3A_40 = arith.constant 0 : index
    %get3A_41 = arith.constant 0 : index
    %get3A_42 = vector.load %arg7[%get3A_40, %get3A_41] : memref<64x128xf32, #tpu.memory_space<vmem>>, vector<64x128xf32>
    %dot_general3A = arith.constant dense<0.000000e+00> : vector<64x128xf32>
    %dot_general3A_43 = tpu.matmul %convert_element_type3A_39, %max3A_30, %dot_general3A {dimension_numbers = #tpu.dot_dimension_numbers<[1], [0], [0], [1], [0, 0, 1, 1], [], []>, precision = #tpu.contract_precision<fp32>, transpose_lhs_hint = false} : vector<64x1000xf32>, vector<1000x128xf32>, vector<64x128xf32> -> vector<64x128xf32>
    %add3A_44 = arith.addf %get3A_42, %dot_general3A_43 : vector<64x128xf32>
    %swap3A = arith.constant 0 : index
    %swap3A_45 = arith.constant 0 : index
    %swap3A_46 = vector.load %arg7[%swap3A, %swap3A_45] : memref<64x128xf32, #tpu.memory_space<vmem>>, vector<64x128xf32>
    tpu.vector_store %arg7[%swap3A, %swap3A_45], %add3A_44 {strides = array<i32>} : memref<64x128xf32, #tpu.memory_space<vmem>>, vector<64x128xf32>,
    %get3A_47 = arith.constant 0 : index
    %get3A_48 = arith.constant 0 : index
    %get3A_49 = vector.load %arg8[%get3A_47, %get3A_48] : memref<64x1xf32, #tpu.memory_space<vmem>>, vector<64x1xf32>
    %reduce_sum3A = arith.constant dense<0.000000e+00> : vector<64xf32>
    %reduce_sum3A_50 = vector.multi_reduction <add>, %convert_element_type3A_39, %reduce_sum3A [1] : vector<64x1000xf32> to vector<64xf32>
    %broadcast_in_dim3A_51 = vector.shape_cast %reduce_sum3A_50 : vector<64xf32> to vector<64x1xf32>
    %add3A_52 = arith.addf %get3A_49, %broadcast_in_dim3A_51 : vector<64x1xf32>
    %swap3A_53 = arith.constant 0 : index
    %swap3A_54 = arith.constant 0 : index
    %swap3A_55 = vector.load %arg8[%swap3A_53, %swap3A_54] : memref<64x1xf32, #tpu.memory_space<vmem>>, vector<64x1xf32>
    tpu.vector_store %arg8[%swap3A_53, %swap3A_54], %add3A_52 {strides = array<i32>} : memref<64x1xf32, #tpu.memory_space<vmem>>, vector<64x1xf32>,
    %eq3A_56 = arith.constant 9 : i32
    %eq3A_57 = arith.cmpi eq, %arg0, %eq3A_56 : i32
    %convert_element_type3A_58 = arith.extui %eq3A_57 : i1 to i32
    %cond3A_59 = arith.constant 0 : i32
    %cond3A_60 = arith.cmpi ne, %convert_element_type3A_58, %cond3A_59 : i32
    scf.if %cond3A_60 {
      %get3A_61 = arith.constant 0 : index
      %get3A_62 = arith.constant 0 : index
      %get3A_63 = vector.load %arg7[%get3A_61, %get3A_62] : memref<64x128xf32, #tpu.memory_space<vmem>>, vector<64x128xf32>
      %get3A_64 = arith.constant 0 : index
      %get3A_65 = arith.constant 0 : index
      %get3A_66 = vector.load %arg8[%get3A_64, %get3A_65] : memref<64x1xf32, #tpu.memory_space<vmem>>, vector<64x1xf32>
      %max3A_67 = arith.constant 1.000000e+00 : f32
      %max3A_68 = vector.broadcast %max3A_67 : f32 to vector<64x1xf32>
      %max3A_69 = arith.maximumf %get3A_66, %max3A_68 : vector<64x1xf32>
      %div3A_70 = vector.broadcast %max3A_69 : vector<64x1xf32> to vector<64x128xf32>
      %div3A_71 = arith.divf %get3A_63, %div3A_70 : vector<64x128xf32>
      %get3A_72 = arith.constant 0 : index
      %get3A_73 = arith.constant 0 : index
      %get3A_74 = vector.load %arg4[%get3A_72, %get3A_73] : memref<128x1xf32, #tpu.memory_space<vmem>>, vector<128x1xf32>
      %dot_general3A_75 = arith.constant dense<0.000000e+00> : vector<64x1xf32>
      %dot_general3A_76 = tpu.matmul %div3A_71, %get3A_74, %dot_general3A_75 {dimension_numbers = #tpu.dot_dimension_numbers<[1], [0], [0], [1], [0, 0, 1, 1], [], []>, precision = #tpu.contract_precision<fp32>, transpose_lhs_hint = false} : vector<64x128xf32>, vector<128x1xf32>, vector<64x1xf32> -> vector<64x1xf32>
      %get3A_77 = arith.constant 0 : index
      %get3A_78 = arith.constant 0 : index
      %get3A_79 = vector.load %arg5[%get3A_77, %get3A_78] : memref<1x1xf32, #tpu.memory_space<vmem>>, vector<1x1xf32>
      %get3A_80 = vector.extract %get3A_79[0, 0] : f32 from vector<1x1xf32>
      %add3A_81 = vector.broadcast %get3A_80 : f32 to vector<64x1xf32>
      %add3A_82 = arith.addf %dot_general3A_76, %add3A_81 : vector<64x1xf32>
      %swap3A_83 = arith.constant 0 : index
      %swap3A_84 = arith.constant 0 : index
      %swap3A_85 = vector.load %arg6[%swap3A_83, %swap3A_84] : memref<64x1xf32, #tpu.memory_space<vmem>>, vector<64x1xf32>
      tpu.vector_store %arg6[%swap3A_83, %swap3A_84], %add3A_82 {strides = array<i32>} : memref<64x1xf32, #tpu.memory_space<vmem>>, vector<64x1xf32>,
    } else {
    }
    return
  }
  func.func @transform_0(%arg0: i32) -> (i32, i32, i32) {
    %c0_i32 = arith.constant 0 : i32
    %c0_i32_0 = arith.constant 0 : i32
    %c0_i32_1 = arith.constant 0 : i32
    return %c0_i32, %arg0, %c0_i32_0 : i32, i32, i32
  }
  func.func @transform_1(%arg0: i32) -> (i32, i32) {
    %c0_i32 = arith.constant 0 : i32
    %c0_i32_0 = arith.constant 0 : i32
    return %arg0, %c0_i32 : i32, i32
  }
  func.func @transform_2(%arg0: i32) -> (i32, i32, i32) {
    %c0_i32 = arith.constant 0 : i32
    %c0_i32_0 = arith.constant 0 : i32
    %c0_i32_1 = arith.constant 0 : i32
    return %arg0, %c0_i32, %c0_i32_0 : i32, i32, i32
  }
  func.func @transform_3(%arg0: i32) -> (i32, i32) {
    %c0_i32 = arith.constant 0 : i32
    %c0_i32_0 = arith.constant 0 : i32
    %c0_i32_1 = arith.constant 0 : i32
    return %c0_i32, %c0_i32_0 : i32, i32
  }
  func.func @transform_4(%arg0: i32) -> (i32, i32) {
    %c0_i32 = arith.constant 0 : i32
    %c0_i32_0 = arith.constant 0 : i32
    %c0_i32_1 = arith.constant 0 : i32
    return %c0_i32, %c0_i32_0 : i32, i32
  }
  func.func @transform_5(%arg0: i32) -> (i32, i32) {
    %c0_i32 = arith.constant 0 : i32
    %c0_i32_0 = arith.constant 0 : i32
    %c0_i32_1 = arith.constant 0 : i32
    return %c0_i32, %c0_i32_0 : i32, i32
  }
}

</mosaic_0001>

<sc_bundles>
// kernel: kernel.10.cloned.1.call-start
scs
__scs_entry_jumppad:
0x0: {  	(pc) =	sbr.rel $0x88, $3  }
0x1: {  	(tag) =	ssettag $0x0;
	lr =	simm.s32 $0x1  }
0x2: {  	[smem:$0x3F8C] =	sst lr;
	_ =	strace $0xD0000000  }
0x3: {  	_ = 	snop  }
0x4: {  	_ = 	snop  }
0x5: {  	_ = 	snop  }
0x6: {  	_ = 	snop  }
0x7: {  	_ = 	snop  }
__scs_overlays_trampoline_lowered:
0x8: {  	[smem:$0x3F9B] =	sst s0  }
0x9: {  	[smem:$0x3F9C] =	sst s1  }
0xa: {  	[smem:$0x3F9D] =	sst s2  }
0xb: {  	[smem:$0x3F9E] =	sst s3  }
0xc: {  	[smem:$0x3F9F] =	sst s4  }
0xd: {  	[smem:$0x3FA0] =	sst s5  }
0xe: {  	[smem:$0x3FA1] =	sst s6  }
0xf: {  	[smem:$0x3FA2] =	sst s7  }
0x10: {  	[smem:$0x3FA3] =	sst s8  }
0x11: {  	[smem:$0x3FA4] =	sst s9;
	s0 =	simm.s32 @!p0 $0x0  }
0x12: {  	s1 =	sld [smem:$0x3F8A];
	s0 =	simm.s32 @p0 $0x1  }
0x13: {  	[smem:$0x3FA5] =	sst s0;
	s0 =	simm.s32 @!p1 $0x0  }
0x14: {  	s2 =	sld [smem:$0x3F89];
	s0 =	simm.s32 @p1 $0x1  }
0x15: {  	[smem:$0x3FA6] =	sst s0;
	s0 =	simm.s32 @!p2 $0x0  }
0x16: {  	s3 =	sld [smem:$0x3FDB];
	s0 =	simm.s32 @p2 $0x1  }
0x17: {  	s4 =	simm.s32 $0x1BF5;
	[smem:$0x3FA8] =	sst s0  }
0x18: {  	s0 =	sld [smem:$0x3F8B];
	_ =	swait.ge [sflag:s4], $0x0  }
0x19: {  	s7 =	sld [smem:$0x3F8C]  }
0x1a: {  	s8 =	sadd.s32 $0xFFFFE003, lr  }
0x1b: {  	s9 =	sadd.s32 $0xFFFFFEF7, lr;
	s5 =	simm.s32 $0xFFFFFFFF;
	p2 =	slt.u32 s8, $0xFFFFF086  }
0x1c: {  	p1 =	slt.u32 s9, $0xF7A;
	s5 =	simm.s32 @!p2 $0x0  }
0x1d: {  	s5 =	simm.s32 @p1 $0x1;
	p0 =	seq.s32 s7, s2  }
0x1e: {  	s7 =	smul.u32 @!p0 $0xF7A, s2;
	p2 =	seq.s32 @!p0 s5, $0x0  }
0x1f: {  	s9 =	smul.u32 $0xF7A, s1;
	s8 =	simm.s32 @!p0 $0x1BF5;
	p2 =	por !p2, p0  }
0x20: {  	[sflag:s8] =	ssyncset.s32 @!p0 $0xFFFFF086;
	s6 =	sadd.s32 @!p0 s3, s7;
	s7 =	simm.s32 @!p0 $0x108  }
0x21: {  	s3 =	sadd.s32 s3, s9;
	s6 =	sadd.s32 @!p0 $0x88, s6;
	s7 =	simm.s32 @p2 $0x1082  }
0x22: {  	[simem:s7], [sflag:s8] =	dma.local @!p0 [hbm:s6], $0xF7A  }
0x23: {  	s9 =	sor.u32 $0xD0000000, s2;
	s6 =	simm.s32 $0x108;
	_ =	swait.ge @!p0 [sflag:s8], $0x0  }
0x24: {  	s3 =	sadd.s32 $0x88, s3;
	s6 =	simm.s32 @!p1 $0x1082;
	[sflag:s4] =	ssyncset.s32 $0xFFFFF086  }
0x25: {  	[simem:s6], [sflag:s4] =	dma.local [hbm:s3], $0xF7A  }
0x26: {  	[smem:$0x3F8C] =	sst s1;
	(tag) =	ssettag s2;
	_ =	strace s9  }
0x27: {  	s1 =	sld [smem:$0x3F9C]  }
0x28: {  	s2 =	sld [smem:$0x3F9D]  }
0x29: {  	s4 =	sld [smem:$0x3F9F]  }
0x2a: {  	p0 =	seq.s32 s5, $0x0;
	s5 =	sld [smem:$0x3FA0]  }
0x2b: {  	s6 =	sld [smem:$0x3FA1]  }
0x2c: {  	s7 =	sld [smem:$0x3FA2]  }
0x2d: {  	s3 =	simm.s32 $0x108;
	s8 =	sld [smem:$0x3FA3]  }
0x2e: {  	s3 =	simm.s32 @!p0 $0x1082;
	s9 =	sld [smem:$0x3FA4]  }
0x2f: {  	lr =	sadd.s32 s0, s3;
	s0 =	sld [smem:$0x3F9B]  }
0x30: {  	s3 =	sld [smem:$0x3F9E]  }
0x31: {  	[smem:$0x3FA7] =	sst s10  }
0x32: {  	s10 =	sld [smem:$0x3FA5];
	_ =	sdelay $0x3  }
0x33: {  	p0 =	seq.s32 s10, $0x1;
	s10 =	sld [smem:$0x3FA7];
	_ =	sdelay $0x3  }
0x34: {  	[smem:$0x3FA7] =	sst s10  }
0x35: {  	s10 =	sld [smem:$0x3FA6];
	_ =	sdelay $0x3  }
0x36: {  	p1 =	seq.s32 s10, $0x1;
	s10 =	sld [smem:$0x3FA7];
	_ =	sdelay $0x3  }
0x37: {  	[smem:$0x3FA7] =	sst s10  }
0x38: {  	s10 =	sld [smem:$0x3FA8]  }
0x39: {  	_ = 	snop;
	(pc) =	sbr.ind lr, $3  }
0x3a: {  	_ = 	snop  }
0x3b: {  	_ = 	snop  }
0x3c: {  	p2 =	seq.s32 s10, $0x1;
	s10 =	sld [smem:$0x3FA7]  }
0x3d: {  	_ =	shalt  }
0x3e: {  	_ =	shalt  }
0x3f: {  	_ =	shalt  }
0x40: {  	_ =	shalt  }
0x41: {  	_ =	shalt  }
0x42: {  	_ =	shalt  }
0x43: {  	_ =	shalt  }
0x44: {  	_ =	shalt  }
0x45: {  	_ =	shalt  }
0x46: {  	_ =	shalt  }
0x47: {  	_ =	shalt  }
0x48: {  	_ =	shalt  }
0x49: {  	_ =	shalt  }
0x4a: {  	_ =	shalt  }
0x4b: {  	_ =	shalt  }
0x4c: {  	_ =	shalt  }
0x4d: {  	_ =	shalt  }
0x4e: {  	_ =	shalt  }
0x4f: {  	_ =	shalt  }
0x50: {  	_ =	shalt  }
0x51: {  	_ =	shalt  }
0x52: {  	_ =	shalt  }
0x53: {  	_ =	shalt  }
0x54: {  	_ =	shalt  }
0x55: {  	_ =	shalt  }
0x56: {  	_ =	shalt  }
0x57: {  	_ =	shalt  }
0x58: {  	_ =	shalt  }
0x59: {  	_ =	shalt  }
0x5a: {  	_ =	shalt  }
0x5b: {  	_ =	shalt  }
0x5c: {  	_ =	shalt  }
0x5d: {  	_ =	shalt  }
0x5e: {  	_ =	shalt  }
0x5f: {  	_ =	shalt  }
0x60: {  	_ =	shalt  }
0x61: {  	_ =	shalt  }
0x62: {  	_ =	shalt  }
0x63: {  	_ =	shalt  }
0x64: {  	_ =	shalt  }
0x65: {  	_ =	shalt  }
0x66: {  	_ =	shalt  }
0x67: {  	_ =	shalt  }
0x68: {  	_ =	shalt  }
0x69: {  	_ =	shalt  }
0x6a: {  	_ =	shalt  }
0x6b: {  	_ =	shalt  }
0x6c: {  	_ =	shalt  }
0x6d: {  	_ =	shalt  }
0x6e: {  	_ =	shalt  }
0x6f: {  	_ =	shalt  }
0x70: {  	_ =	shalt  }
0x71: {  	_ =	shalt  }
0x72: {  	_ =	shalt  }
0x73: {  	_ =	shalt  }
0x74: {  	_ =	shalt  }
0x75: {  	_ =	shalt  }
0x76: {  	_ =	shalt  }
0x77: {  	_ =	shalt  }
0x78: {  	_ =	shalt  }
0x79: {  	_ =	shalt  }
0x7a: {  	_ =	shalt  }
0x7b: {  	_ =	shalt  }
0x7c: {  	_ =	shalt  }
0x7d: {  	_ =	shalt  }
0x7e: {  	_ =	shalt  }
0x7f: {  	_ =	shalt  }
0x80: {  	_ =	shalt  }
0x81: {  	_ =	shalt  }
0x82: {  	_ =	shalt  }
0x83: {  	_ =	shalt  }
0x84: {  	_ =	shalt  }
0x85: {  	_ =	shalt  }
0x86: {  	_ =	shalt  }
0x87: {  	_ =	shalt  }
.Lfunc_end0:
.L_simem_size_0:
called_computation.1_lowered:
.L_overlay_start_0:
0x88: {  	s2 =	sld [smem:$0x3FD9]  }
0x89: {  	s3 =	sld [smem:$0x3FFE];
	_ =	sdelay $0x1  }
0x8a: {  	s1 =	srdreg.scid  }
0x8b: {  	s0 =	sand.u32 $0x1, s1  }
0x8c: {  	s16 =	sshll.u32 s0, $0xA;
	s2 =	sadd.s32 s3, s2  }
0x8d: {  	s2 =	sadd.s32 s2, s16  }
0x8e: {  	[smem:$0x3FB3] =	sst s2  }
0x8f: {  	_ = 	snop  }
0x90: {  	(tm) =	ssettm $0x1  }
0x91: {  	s17 =	sld [smem:$0x3FFB];
	_ =	sdelay $0x3  }
0x92: {  	_ =	strace s17  }
0x93: {  	s2 =	sld [smem:$0x3FFC];
	_ =	sdelay $0x3  }
0x94: {  	_ =	strace s2  }
0x95: {  	s2 =	sld [smem:$0x3FFD];
	_ =	sdelay $0x3  }
0x96: {  	_ =	strace s2  }
0x97: {  	_ =	strace $0x8FFFFFFF  }
0x98: {  	s18 =	sld [smem:$0x3FDB];
	_ =	sdelay $0x1  }
0x99: {  	s19 =	simm.s32 $_scs_section_size  }
0x9a: {  	s4 =	simm.s32 $_size__tile_overlayer_lowered;
	s5 =	simm.s32 $_tile_overlayer_lowered  }
0x9b: {  	s22 =	simm.s32 $0x1BFF;
	s21 =	sshll.u32 s5, $0x1;
	s2 =	sadd.s32 s19, s18  }
0x9c: {  	s6 =	simm.s32 $0x0;
	s20 =	sshll.u32 s4, $0x1;
	s4 =	sadd.s32 s21, s2  }
0x9d: {  	[timem:s6], [sflag:s22] =	dma.local [hbm:s4], s20  }
0x9e: {  	_ =	swait.ge [sflag:s22], s20  }
0x9f: {  	s3 =	ssub.s32 $0x0, s20;
	[sflag:s22] =	ssyncset.done $0x0  }
0xa0: {  	[sflag:s22] =	ssyncadd.s32 s3;
	_ =	sdelay $0x1  }
0xa1: {  	s23 =	simm.s32 $0x1B8B  }
0xa2: {  	_ =	swait.ge [sflag:s23], $0x1  }
0xa3: {  	[sflag:s23] =	ssyncset.done $0x0  }
0xa4: {  	s25 =	simm.s32 $0x1B8E;
	s24 =	sld [smem:$0x3FFE];
	[sflag:s23] =	ssyncadd.s32 $0xFFFFFFFF  }
0xa5: {  	s26 =	simm.s32 $execute0_lowered;
	[smem:$0x3FD2] =	sst s25  }
0xa6: {  	s4 =	sshll.u32 s26, $0x1;
	_ =	strace $0x80000049;
	[dreg:$0x1] =	wrdreg $0xFFFFFFFF  }
0xa7: {  	s28 =	simm.s32 $_size_execute0_lowered;
	s2 =	sadd.s32 s2, s4;
	[dreg:$0x0] =	wrdreg $0x0  }
0xa8: {  	s4 =	sshll.u32 s28, $0x1;
	[dreg:$0x2] =	wrdreg s2  }
0xa9: {  	[dreg:$0x3] =	wrdreg s4  }
0xaa: {  	[dreg:$0x4] =	wrdreg $0xC0  }
0xab: {  	_ =	task [dreg:s6], $0x5FFFF  }
0xac: {  	[dreg:$0x1] =	wrdreg $0xFFFFFFFF  }
0xad: {  	[dreg:$0x0] =	wrdreg $0x60  }
0xae: {  	[dreg:$0x2] =	wrdreg s24  }
0xaf: {  	[dreg:$0x3] =	wrdreg $0x90800  }
0xb0: {  	[dreg:$0x4] =	wrdreg $0x9  }
0xb1: {  	_ =	task.clear_ibuf [dreg:s6], $0x5FFFF;
	_ =	strace $0x90000049  }
0xb2: {  	s29 =	simm.s32 $0x9;
	_ =	strace $0x8000004B  }
0xb3: {  	_ =	swait.ge [sflag:s29], $0x1  }
0xb4: {  	[sflag:s29] =	ssyncadd.s32 $0xFFFFFFFF  }
0xb5: {  	_ =	strace $0x9000004B  }
0xb6: {  	_ =	sfence  }
0xb7: {  	s30 =	sld [smem:$0x0];
	_ =	sdelay $0x2  }
0xb8: {  	s31 =	sshll.u32 s1, $0xD;
	s1 =	sshrl.u32 s1, $0x2  }
0xb9: {  	s3 =	sand.u32 $0x4000, s31;
	s1 =	sadd.s32 s1, s30  }
0xba: {  	s0 =	sor.u32 s3, s0;
	s1 =	sshll.u32 s1, $0x11  }
0xbb: {  	s0 =	sor.u32 s1, s0  }
0xbc: {  	s0 =	sadd.s32 $0x8F2B, s0  }
0xbd: {  	[sflag:s0] =	ssyncadd.remote.s32 $0x1  }
0xbe: {  	_ =	sfence.sel $0xFFFF  }
0xbf: {  	[dreg:$0x0] =	wrdreg $0xFFFFFFFF;
	(pc) =	sbr.abs _section_cstart, $3  }
0xc0: {  	[dreg:$0x1] =	wrdreg $0xFFFFFFFF  }
0xc1: {  	_ =	task.clear_ibuf [dreg:s6], $0x2FFFF;
	_ =	strace $0x9FFFFFFF  }
0xc2: {  	(tm) =	ssettm $0x7FFFFFFF  }
0xc3: {  	_ =	shalt  }
tec
execute0_lowered:
.L_overlay_start_1:
0x0: {  	(tag) =	ssettag $0x1  }
0x1: {  	s0 =	rddreg [dreg:$0x0]  }
0x2: {  	s2 =	rddreg [dreg:$0x1];
	s3 =	simm.s32 $0x0  }
0x3: {  	s18 =	stileid.u32;
	s5 =	srdreg.scid;
	s17 =	simm.s32 $0x9D  }
0x4: {  	s19 =	simm.s32 $0x40;
	s20 =	simm.s32 $0x80;
	s21 =	simm.s32 $0x2480  }
0x5: {  	s22 =	simm.s32 $0x4880;
	s23 =	simm.s32 $0x1;
	s24 =	simm.s32 $0x2  }
0x6: {  	[smem:$0x7FF] =	sst s3;
	s1 =	smin.u32 s18, $0xD;
	s6 =	smul.u32 $0x13B00, s18  }
0x7: {  	s4 =	sadd.s32 $0x1A00, s0;
	s9 =	sand.u32 $0x1, s5;
	s5 =	sadd.s32 $0x99600, s0  }
0x8: {  	s8 =	sadd.s32 $0x59A00, s0;
	s26 =	smul.u32 $0x7, s18;
	s13 =	sshll.u32 s18, $0x1  }
0x9: {  	p0 =	slt.u32 s18, $0xD;
	s16 =	smul.u32 $0x4EC00, s18;
	s31 =	sshll.u32 s18, $0x6  }
0xa: {  	s7 =	smul.u32 $0x2D00, s1;
	_ =	strace $0x8000004A;
	s25 =	ssub.s32 $0x2, s9  }
0xb: {  	s11 =	smul.u32 $0x15F900, s9;
	s29 =	sor.u32 s9, s13;
	s28 =	sshrl.u32 s25, $0x1  }
0xc: {  	s9 =	sadd.s32 s1, s26;
	s30 =	smul.u32 $0x9C, s29;
	s13 =	smin.u32 s29, $0x8  }
0xd: {  	s1 =	smul.u32 $0xB400, s1;
	s26 =	simm.s32 $0x6C80;
	s10 =	sadd.s32 s7, s6  }
0xe: {  	s6 =	sadd.s32 $0xE7800, s0;
	s7 =	sadd.s32 $0x63800, s0;
	s15 =	ssub.s32 s25, s28  }
0xf: {  	s25 =	simm.s32 $0x3;
	s12 =	sshrl.u32 s10, $0x3;
	s10 =	sadd.s32 s11, s10  }
0x10: {  	s11 =	simm.s32 $0x8;
	s1 =	sadd.s32 s1, s16;
	s14 =	sadd.s32 s12, s0  }
0x11: {  	s10 =	sshrl.u32 s10, $0x3;
	s11 =	simm.s32 @!p0 $0x7;
	p0 =	slt.u32 s18, $0x4  }
0x12: {  	v0 =	vimm.s32 $0xF;
	s1 =	sshrl.u32 s1, $0x2;
	s18 =	simm.s32 $0x4;
	s0 =	sadd.s32 s10, s0  }
0x13: {  	vm0 =	vmmov $0x1;
	vm1 =	vcmask $0x310;
	vm2 =	vcmask $0x710;
	s10 =	sadd.s32 s11, s9;
	s11 =	sadd.s32 s13, s30;
	s17 =	simm.s32 @!p0 $0x9C  }
0x14: {  	vm3 =	vcmask $0xB10;
	v1 =	vimm.s32 $0x0;
	v2 =	vimm.s32 $0x1;
	s13 =	smax.u32 s15, $0x1;
	s14 =	sadd.s32 $0x6D600, s14;
	s15 =	sadd.s32 s1, s2  }
0x15: {  	v3 =	vimm.s32 $0x2;
	v4 =	vimm.s32 $0x3;
	vm4 =	vmmov $0xf;
	s12 =	sadd.s32 s17, s11;
	s16 =	sadd.s32 $0x113800, s0;
	s17 =	sor.u32 $0x1C04, s31  }
.LBB2_1:
0x16: {  	s0 =	sadd.s32 $0x1, s9  }
0x17: {  	p0 =	slt.u32 s0, s10  }
.Ltmp0:
0x18: {  	_ = 	snop;
	(pc) =	sbr.rel @!p0 .LBB2_3-.Ltmp0, $4  }
0x19: {  	s28 =	sshrl.u32 s15, $0x3  }
0x1a: {  	[spmem:s28], [sflag:s17] =	dma.local [hbm:s14], $0x5A0  }
0x1b: {  	_ =	swait.ge [sflag:s18], $0x5A0  }
0x1c: {  	s1 =	sadd.s32 $0x2D00, s15;
	s29 =	smov.u32 s14;
	[sflag:s18] =	ssyncset.done $0x0  }
.LBB2_2:
0x1d: {  	s0 =	sadd.s32 $0x1, s0  }
0x1e: {  	[sflag:s18] =	ssyncadd.s32 $0xFFFFFA60;
	s29 =	sadd.s32 $0x5A0, s29;
	p0 =	slt.u32 s0, s10  }
.Ltmp1:
0x1f: {  	(pc) =	sbr.rel @p0 .LBB2_2-.Ltmp1, $4  }
0x20: {  	s30 =	sshrl.u32 s1, $0x3  }
0x21: {  	[spmem:s30], [sflag:s17] =	dma.local [hbm:s29], $0x5A0  }
0x22: {  	_ =	swait.ge [sflag:s18], $0x5A0  }
0x23: {  	s1 =	sadd.s32 $0x2D00, s1;
	[sflag:s18] =	ssyncset.done $0x0  }
.LBB2_3:
0x24: {  	[sflag:s18] =	ssyncadd.s32 $0xFFFFFA60  }
0x25: {  	s29 =	smov.u32 s11;
	[bflag:$0x0] =	sbarrier.arrive $0xFFFF  }
.LBB2_4:
0x26: {  	s0 =	sshll.u32 s29, $0x3  }
0x27: {  	s0 =	sand.u32 $0x1FFFFFF8, s0  }
0x28: {  	s30 =	simm.s32 $0x0;
	s1 =	sadd.s32 s7, s0  }
0x29: {  	[tilespmem:s30], [sflag:$0x4] =	stream.linear.gather [hbm4b:s1+s30], $0x40, $0x38;
	[tilespmem:$0x1F010] =	vst v63  }
0x2a: {  	_ =	swait.ge [sflag:s18], $0x40  }
0x2b: {  	[sflag:s18] =	ssyncset.done $0x0  }
0x2c: {  	s0 =	sadd.s32 s8, s0;
	[sflag:s18] =	ssyncadd.s32 $0xFFFFFFC0  }
0x2d: {  	[tilespmem:s19], [sflag:$0x4] =	stream.linear.gather [hbm4b:s0+s30], $0x40, $0x38;
	[tilespmem:$0x1F010] =	vst v63  }
0x2e: {  	_ =	swait.ge [sflag:s18], $0x40  }
0x2f: {  	[sflag:s18] =	ssyncset.done $0x0  }
0x30: {  	[sflag:s18] =	ssyncadd.s32 $0xFFFFFFC0  }
0x31: {  	[tilespmem:s20], [sflag:$0x1] =	stream.indirect.gather [hbm4b:s4+s19], $0x90, s19, s19, $0xb8;
	[tilespmem:$0x1F010] =	vst v63  }
0x32: {  	_ = 	snop  }
0x33: {  	[tilespmem:s21], [sflag:$0x2] =	stream.indirect.gather [hbm4b:s5+s19], $0x90, s30, s19, $0xb8;
	[tilespmem:$0x1F010] =	vst v63  }
0x34: {  	_ = 	snop  }
0x35: {  	[tilespmem:s22], [sflag:$0x3] =	stream.indirect.gather [hbm4b:s6+s19], $0x90, s30, s19, $0xb8;
	[tilespmem:$0x1F010] =	vst v63  }
0x36: {  	_ =	swait.ge [sflag:s23], $0x2400  }
0x37: {  	[sflag:s23] =	ssyncset.done $0x0  }
0x38: {  	[sflag:s23] =	ssyncadd.s32 $0xFFFFDC00  }
0x39: {  	_ =	swait.ge [sflag:s24], $0x2400  }
0x3a: {  	[sflag:s24] =	ssyncset.done $0x0  }
0x3b: {  	[sflag:s24] =	ssyncadd.s32 $0xFFFFDC00  }
0x3c: {  	_ =	swait.ge [sflag:s25], $0x2400  }
0x3d: {  	[sflag:s25] =	ssyncset.done $0x0  }
0x3e: {  	s31 =	simm.s32 $0x0;
	[sflag:s25] =	ssyncadd.s32 $0xFFFFDC00  }
0x3f: {  	v5 =	vld [tilespmem:s31+$0xE0]  }
0x40: {  	v6 =	vld [tilespmem:s31+$0xC0]  }
0x41: {  	v7 =	vld [tilespmem:s31+$0x24C0]  }
0x42: {  	v8 =	vld [tilespmem:s31+$0xD0]  }
0x43: {  	v9 =	vld [tilespmem:s31+$0x24D0]  }
0x44: {  	v10 =	vld [tilespmem:s31+$0xA0]  }
0x45: {  	v11 =	vld [tilespmem:s31+$0x24A0]  }
0x46: {  	v12 =	vld [tilespmem:s31+$0xB0]  }
0x47: {  	v13 =	vld [tilespmem:s31+$0x24B0]  }
0x48: {  	v14 =	vld [tilespmem:s31+$0x80]  }
0x49: {  	v15 =	vld [tilespmem:s31+$0x2480]  }
0x4a: {  	v16 =	vld [tilespmem:s31+$0x90]  }
0x4b: {  	v17 =	vld [tilespmem:s31+$0x2490]  }
0x4c: {  	v18 =	vld [tilespmem:s31+$0x24E0]  }
0x4d: {  	v19 =	vld [tilespmem:s31+$0xF0]  }
0x4e: {  	v6 =	vmul.f32 v7, v6;
	v7 =	vmul.f32 v9, v8;
	v8 =	vld [tilespmem:s31+$0x24F0]  }
0x4f: {  	v9 =	vmul.f32 v11, v10;
	v10 =	vmul.f32 v13, v12  }
0x50: {  	v20 =	vld [tilespmem:s31+$0x4880];
	v11 =	vmul.f32 v17, v16;
	v6 =	vadd.f32 v7, v6;
	v7 =	vmul.f32 v15, v14  }
0x51: {  	v21 =	vld [tilespmem:s31+$0x48A0];
	v9 =	vadd.f32 v10, v9  }
0x52: {  	v22 =	vld [tilespmem:s31+$0x48B0];
	(xrf2) =	vadd.scan.msk.f32 $0xffff, v6;
	v6 =	vadd.f32 v11, v7  }
0x53: {  	s30 =	simm.s32 $0x90;
	v23 =	vld [tilespmem:s31+$0x48E0];
	v5 =	vmul.f32 v18, v5;
	(xrf2) =	vadd.scan.msk.f32 $0xffff, v9;
	v7 =	vmul.f32 v8, v19  }
0x54: {  	v24 =	vld [tilespmem:s30+$0x24A0];
	(xrf2) =	vadd.scan.msk.f32 $0xffff, v6  }
0x55: {  	v25 =	vld [tilespmem:s30+$0xB0];
	v5 =	vadd.f32 v7, v5  }
0x56: {  	v26 =	vld [tilespmem:s30+$0x24B0]  }
0x57: {  	v27 =	vld [tilespmem:s30+$0x80];
	(xrf2) =	vadd.scan.msk.f32 $0xffff, v5  }
0x58: {  	v28 =	vld [tilespmem:s30+$0x2480]  }
0x59: {  	v29 =	vld [tilespmem:s30+$0x90]  }
0x5a: {  	v30 =	vld [tilespmem:s30+$0x2490]  }
0x5b: {  	v31 =	vld [tilespmem:s30+$0x24E0]  }
0x5c: {  	v32 =	vld [tilespmem:s30+$0xF0];
	v5, _, _ =	vpop (xrf2)  }
0x5d: {  	s0 =	simm.s32 $0x120;
	v33 =	vld [tilespmem:s30+$0x24F0];
	v6, _, _ =	vpop (xrf2)  }
0x5e: {  	v59 =	vld [tilespmem:s0+$0xD0];
	v7, _, _ =	vpop (xrf2)  }
0x5f: {  	v16 =	vld [tilespmem:s31+$0x4890];
	v7 =	vperm.xlane v7, v0  }
0x60: {  	v12 =	vld [tilespmem:s30+$0x24C0];
	v6 =	vperm.xlane v6, v0  }
0x61: {  	v10 =	vld [tilespmem:s30+$0xC0];
	v5 =	vperm.xlane v5, v0;
	v7 =	vnsel vm0, $0x0, v7;
	v8, _, _ =	vpop (xrf2)  }
0x62: {  	v14 =	vld [tilespmem:s30+$0xD0];
	v6 =	vsel vm1, v7, v6;
	v7 =	vperm.xlane v8, v0  }
0x63: {  	v15 =	vld [tilespmem:s30+$0x24D0];
	v5 =	vsel vm2, v6, v5  }
0x64: {  	v17 =	vld [tilespmem:s30+$0xA0];
	v5 =	vsel vm3, v5, v7  }
0x65: {  	v18 =	vld [tilespmem:s31+$0x48C0];
	v5 =	vmul.f32 $1.442695020e+00, v5  }
0x66: {  	v13 =	vld [tilespmem:s30+$0xE0]  }
0x67: {  	v11 =	vld [tilespmem:s30+$0x4880];
	(erf) = vpow2.f32 v5  }
0x68: {  	v19 =	vld [tilespmem:s31+$0x48D0];
	v12 =	vmul.f32 v12, v10;
	v14 =	vmul.f32 v15, v14  }
0x69: {  	v9 =	vld [tilespmem:s30+$0x4890];
	v15 =	vmul.f32 v24, v17;
	v17 =	vmul.f32 v26, v25  }
0x6a: {  	v10 =	vld [tilespmem:s30+$0x48E0];
	v25 =	vmul.f32 v28, v27;
	v26 =	vmul.f32 v30, v29;
	v14 =	vadd.f32 v14, v12  }
0x6b: {  	v24 =	vld [tilespmem:s31+$0x48F0];
	v15 =	vadd.f32 v17, v15  }
0x6c: {  	v27 =	vld [tilespmem:s0+$0xC0];
	(xrf2) =	vadd.scan.msk.f32 $0xffff, v14;
	v14 =	vadd.f32 v26, v25  }
0x6d: {  	v13 =	vmul.f32 v31, v13;
	v12 =	vld [tilespmem:s0+$0xE0];
	(xrf2) =	vadd.scan.msk.f32 $0xffff, v15;
	v15 =	vmul.f32 v33, v32  }
0x6e: {  	v26 =	vld [tilespmem:s0+$0x24C0];
	(xrf2) =	vadd.scan.msk.f32 $0xffff, v14  }
0x6f: {  	v14 =	vadd.f32 v15, v13;
	v8 =	vld [tilespmem:s30+$0x48A0]  }
0x70: {  	v6 =	vld [tilespmem:s30+$0x48C0];
	v25 =	vpop (erf)  }
0x71: {  	(xrf2) =	vadd.scan.msk.f32 $0xffff, v14;
	v7 =	vld [tilespmem:s30+$0x48B0];
	v17 =	vnsel vm4, $0x0, v25;
	v60 =	vperm.xlane v25, v4  }
0x72: {  	v5 =	vld [tilespmem:s30+$0x48D0];
	[tilespmem:s31+$0x6D00] =	vst v17;
	v17 =	vperm.xlane v25, v1  }
0x73: {  	v61 =	vld [tilespmem:s0+$0x24D0];
	v15 =	vmul.f32 v24, v60  }
0x74: {  	v13 =	vld [tilespmem:s0+$0xA0];
	v20 =	vmul.f32 v20, v17  }
0x75: {  	v14 =	vld [tilespmem:s0+$0x24A0];
	v24 =	vperm.xlane v25, v2;
	[tilespmem:s31+$0x6CF0] =	vst v15  }
0x76: {  	v62, _, _ =	vpop (xrf2);
	v16 =	vmul.f32 v16, v17;
	v15 =	vld [tilespmem:s0+$0xB0];
	[tilespmem:s31+$0x6C80] =	vst v20;
	v20 =	vperm.xlane v25, v3  }
0x77: {  	v21 =	vmul.f32 v21, v24;
	v22 =	vmul.f32 v22, v24;
	v25, _, _ =	vpop (xrf2)  }
0x78: {  	v17 =	vld [tilespmem:s0+$0x24B0];
	[tilespmem:s31+$0x6C90] =	vst v16;
	v25 =	vperm.xlane v25, v0;
	v63 =	vmul.f32 v18, v20;
	v18, _, _ =	vpop (xrf2)  }
0x79: {  	v16 =	vld [tilespmem:s0+$0x80];
	[tilespmem:s31+$0x6CA0] =	vst v21;
	v20 =	vmul.f32 v19, v20;
	v21 =	vperm.xlane v18, v0  }
0x7a: {  	v19 =	vmul.f32 v23, v60;
	v24 =	vmul.f32 v61, v59  }
0x7b: {  	v23 =	vperm.xlane v62, v0;
	v18 =	vld [tilespmem:s0+$0x2480];
	[tilespmem:s31+$0x6CB0] =	vst v22;
	v22 =	vmul.f32 v26, v27;
	v27, _, _ =	vpop (xrf2);
	v26 =	vnsel vm0, $0x0, v21  }
0x7c: {  	s1 =	simm.s32 $0x6C0;
	v21 =	vld [tilespmem:s0+$0x90];
	[tilespmem:s31+$0x6CC0] =	vst v63;
	v26 =	vsel vm1, v26, v25;
	v25 =	vperm.xlane v27, v0  }
.LBB2_5:
0x7d: {  	p0 =	sne.s32 s1, $0x8DC0;
	v27 =	vld [tilespmem:s0+$0x2490];
	v22 =	vadd.f32 v24, v22;
	v23 =	vsel vm2, v26, v23;
	[tilespmem:s31+$0x6CD0] =	vst v20  }
0x7e: {  	v13 =	vmul.f32 v14, v13;
	v14 =	vld [tilespmem:s0+$0x24E0];
	v20 =	vsel vm3, v23, v25;
	[tilespmem:s31+$0x6CE0] =	vst v19;
	s31 =	smov.u32 s30;
	s30 =	smov.u32 s0  }
0x7f: {  	v15 =	vmul.f32 v17, v15;
	v17 =	vld [tilespmem:s30+$0xF0];
	(xrf2) =	vadd.scan.msk.f32 $0xffff, v22;
	v19 =	vmul.f32 $1.442695020e+00, v20  }
0x80: {  	v20 =	vld [tilespmem:s30+$0x24F0]  }
0x81: {  	v13 =	vadd.f32 v15, v13;
	v15 =	vld [tilespmem:s30+$0x4880];
	(erf) = vpow2.f32 v19  }
0x82: {  	v16 =	vmul.f32 v18, v16;
	v18 =	vmul.f32 v27, v21;
	v19 =	vld [tilespmem:s30+$0x4890]  }
0x83: {  	v21 =	vld [tilespmem:s30+$0x48A0];
	(xrf2) =	vadd.scan.msk.f32 $0xffff, v13  }
0x84: {  	v13 =	vadd.f32 v18, v16;
	v16 =	vld [tilespmem:s30+$0x48B0]  }
0x85: {  	v12 =	vmul.f32 v14, v12;
	v14 =	vmul.f32 v20, v17;
	v17 =	vld [tilespmem:s30+$0x48C0]  }
0x86: {  	v18 =	vld [tilespmem:s30+$0x48D0];
	(xrf2) =	vadd.scan.msk.f32 $0xffff, v13  }
0x87: {  	v20 =	vadd.f32 v14, v12;
	v22 =	vld [tilespmem:s30+$0x48E0]  }
0x88: {  	s0 =	sshra.s32 s1, $0x2;
	v14 =	vld [tilespmem:s31+$0x48F0]  }
0x89: {  	v12 =	vld [tilespmem:s0+$0xE0];
	v23, _, _ =	vpop (xrf2);
	(xrf2) =	vadd.scan.msk.f32 $0xffff, v20  }
0x8a: {  	v24 =	vld [tilespmem:s0+$0xC0];
	v13 =	vpop (erf)  }
0x8b: {  	v25 =	vld [tilespmem:s0+$0x24C0];
	v20 =	vperm.xlane v13, v1;
	v26 =	vperm.xlane v13, v4;
	v27 =	vnsel vm4, $0x0, v13  }
0x8c: {  	v29 =	vperm.xlane v13, v2;
	v30 =	vperm.xlane v13, v3;
	v28 =	vld [tilespmem:s0+$0xD0];
	[tilespmem:s31+$0x6D00] =	vst v27  }
0x8d: {  	v27 =	vld [tilespmem:s0+$0x24D0];
	v31, _, _ =	vpop (xrf2);
	v32 =	vmul.f32 v11, v20;
	v33 =	vmul.f32 v14, v26;
	v11 =	vmov v15  }
0x8e: {  	v34 =	vmul.f32 v9, v20;
	v35 =	vmul.f32 v8, v29;
	v9 =	vmovc v19;
	v8 =	vmov v21;
	v13 =	vld [tilespmem:s0+$0xA0]  }
0x8f: {  	v21 =	vmul.f32 v7, v29;
	v29 =	vmul.f32 v6, v30;
	v7 =	vmovc v16;
	v6 =	vmov v17;
	v14 =	vld [tilespmem:s0+$0x24A0];
	[tilespmem:s31+$0x6CF0] =	vst v33  }
.Ltmp2:
0x90: {  	v20 =	vmul.f32 v5, v30;
	v19 =	vmul.f32 v10, v26;
	v5 =	vmov v18;
	v15 =	vld [tilespmem:s0+$0xB0];
	v16, _, _ =	vpop (xrf2);
	[tilespmem:s31+$0x6C80] =	vst v32;
	(pc) =	sbr.rel @p0 .LBB2_5-.Ltmp2, $4  }
0x91: {  	v10 =	vmov v22;
	v17 =	vld [tilespmem:s0+$0x24B0];
	v26 =	vperm.xlane v16, v0;
	[tilespmem:s31+$0x6C90] =	vst v34  }
0x92: {  	v22 =	vmul.f32 v25, v24;
	v25 =	vperm.xlane v31, v0;
	v16 =	vld [tilespmem:s0+$0x80];
	[tilespmem:s31+$0x6CA0] =	vst v35  }
0x93: {  	v23 =	vperm.xlane v23, v0;
	v24 =	vmul.f32 v27, v28;
	v18 =	vld [tilespmem:s0+$0x2480];
	v26 =	vnsel vm0, $0x0, v26;
	v27, _, _ =	vpop (xrf2);
	[tilespmem:s31+$0x6CB0] =	vst v21  }
0x94: {  	s1 =	sadd.s32 $0x240, s1;
	v21 =	vld [tilespmem:s0+$0x90];
	v26 =	vsel vm1, v26, v25;
	v25 =	vperm.xlane v27, v0;
	[tilespmem:s31+$0x6CC0] =	vst v29  }
0x95: {  	v27 =	vld [tilespmem:s0+$0x2490];
	[tilespmem:s31+$0x6CD0] =	vst v20  }
0x96: {  	v20 =	vld [tilespmem:s0+$0x24E0];
	[tilespmem:s31+$0x6CE0] =	vst v19  }
0x97: {  	v19 =	vld [tilespmem:s0+$0xF0]  }
0x98: {  	v28 =	vld [tilespmem:s0+$0x24F0]  }
0x99: {  	v13 =	vmul.f32 v14, v13;
	v32 =	vmul.f32 v17, v15  }
0x9a: {  	v33 =	vadd.f32 v24, v22;
	v16 =	vmul.f32 v18, v16;
	v34 =	vmul.f32 v27, v21  }
0x9b: {  	v13 =	vadd.f32 v32, v13  }
0x9c: {  	(xrf2) =	vadd.scan.msk.f32 $0xffff, v33;
	v35 =	vadd.f32 v34, v16  }
0x9d: {  	v36 =	vsel vm2, v26, v23;
	(xrf2) =	vadd.scan.msk.f32 $0xffff, v13;
	v12 =	vmul.f32 v20, v12;
	v37 =	vmul.f32 v28, v19  }
0x9e: {  	v15 =	vsel vm3, v36, v25;
	(xrf2) =	vadd.scan.msk.f32 $0xffff, v35  }
0x9f: {  	v38 =	vmul.f32 $1.442695020e+00, v15;
	v12 =	vadd.f32 v37, v12;
	_ =	sdelay $0x1  }
0xa0: {  	(erf) = vpow2.f32 v38;
	(xrf2) =	vadd.scan.msk.f32 $0xffff, v12;
	_ =	sdelay $0x4  }
0xa1: {  	v39, _, _ =	vpop (xrf2)  }
0xa2: {  	v41, _, _ =	vpop (xrf2)  }
0xa3: {  	v40 =	vld [tilespmem:s0+$0x4880];
	v43, _, _ =	vpop (xrf2)  }
0xa4: {  	v44 =	vld [tilespmem:s30+$0x48F0];
	v16 =	vperm.xlane v43, v0  }
0xa5: {  	v42 =	vld [tilespmem:s0+$0x4890];
	v46 =	vpop (erf);
	v14 =	vperm.xlane v41, v0  }
0xa6: {  	v45 =	vld [tilespmem:s0+$0x48A0];
	v12 =	vperm.xlane v39, v0;
	v48, _, _ =	vpop (xrf2);
	v16 =	vnsel vm0, $0x0, v16  }
0xa7: {  	v47 =	vld [tilespmem:s0+$0x48B0];
	v50 =	vperm.xlane v46, v4;
	v51 =	vperm.xlane v48, v0;
	v14 =	vsel vm1, v16, v14  }
0xa8: {  	v49 =	vld [tilespmem:s0+$0x48C0];
	v53 =	vperm.xlane v46, v1;
	v54 =	vnsel vm4, $0x0, v46;
	v12 =	vsel vm2, v14, v12  }
0xa9: {  	v52 =	vld [tilespmem:s0+$0x48D0];
	v56 =	vperm.xlane v46, v2;
	v17 =	vmul.f32 v44, v50;
	v12 =	vsel vm3, v12, v51  }
0xaa: {  	v55 =	vld [tilespmem:s0+$0x48E0];
	[tilespmem:s30+$0x6D00] =	vst v54;
	v11 =	vmul.f32 v11, v53;
	v12 =	vmul.f32 $1.442695020e+00, v12  }
0xab: {  	v57 =	vperm.xlane v46, v3;
	v9 =	vmul.f32 v9, v53;
	[tilespmem:s30+$0x6CF0] =	vst v17  }
0xac: {  	v8 =	vmul.f32 v8, v56;
	[tilespmem:s30+$0x6C80] =	vst v11;
	(erf) = vpow2.f32 v12  }
0xad: {  	v7 =	vmul.f32 v7, v56;
	[tilespmem:s30+$0x6C90] =	vst v9  }
0xae: {  	v6 =	vmul.f32 v6, v57;
	[tilespmem:s30+$0x6CA0] =	vst v8  }
0xaf: {  	v5 =	vmul.f32 v5, v57;
	[tilespmem:s30+$0x6CB0] =	vst v7  }
0xb0: {  	v7 =	vmul.f32 v10, v50;
	[tilespmem:s30+$0x6CC0] =	vst v6  }
0xb1: {  	[tilespmem:s30+$0x6CD0] =	vst v5  }
0xb2: {  	[tilespmem:s30+$0x6CE0] =	vst v7  }
0xb3: {  	v5 =	vld [tilespmem:s0+$0x48F0];
	_ =	sdelay $0x1  }
0xb4: {  	v6 =	vpop (erf)  }
0xb5: {  	v7 =	vperm.xlane v6, v4  }
0xb6: {  	v58 =	vperm.xlane v6, v1  }
0xb7: {  	v59 =	vnsel vm4, $0x0, v6;
	v5 =	vmul.f32 v5, v7  }
0xb8: {  	v60 =	vperm.xlane v6, v2;
	[tilespmem:s0+$0x6D00] =	vst v59;
	v61 =	vmul.f32 v40, v58  }
0xb9: {  	v8 =	vmul.f32 v42, v58;
	[tilespmem:s0+$0x6CF0] =	vst v5  }
0xba: {  	v62 =	vmul.f32 v47, v60;
	v5 =	vperm.xlane v6, v3;
	[tilespmem:s0+$0x6C80] =	vst v61  }
0xbb: {  	v6 =	vmul.f32 v45, v60;
	[tilespmem:s0+$0x6C90] =	vst v8  }
0xbc: {  	[tilespmem:s0+$0x6CB0] =	vst v62;
	v63 =	vmul.f32 v49, v5  }
0xbd: {  	[tilespmem:s0+$0x6CA0] =	vst v6;
	v5 =	vmul.f32 v52, v5  }
0xbe: {  	s29 =	sadd.s32 $0x1, s29;
	v6 =	vmul.f32 v55, v7;
	[tilespmem:s0+$0x6CC0] =	vst v63  }
0xbf: {  	p0 =	slt.u32 s29, s12;
	[tilespmem:s0+$0x6CD0] =	vst v5  }
.Ltmp3:
0xc0: {  	[tilespmem:s0+$0x6CE0] =	vst v6;
	(pc) =	sbr.rel @p0 .LBB2_4-.Ltmp3, $4  }
0xc1: {  	[spmem:s2] =	stream.indirect.scatter.add.f32 [tilespmem:s26], [sflag:$0x4], $0x90, s19, s19, $0xb8;
	[tilespmem:$0x1F010] =	vst v63  }
0xc2: {  	_ =	swait.ge [sflag:s18], $0x2400  }
0xc3: {  	[sflag:s18] =	ssyncset.done $0x0  }
0xc4: {  	[sflag:s18] =	ssyncadd.s32 $0xFFFFDC00  }
0xc5: {  	s0 =	sadd.s32 $0x1, s9  }
0xc6: {  	p0 =	slt.u32 s0, s10  }
.Ltmp4:
0xc7: {  	_ = 	snop;
	(pc) =	sbr.rel @!p0 .LBB2_9-.Ltmp4, $4  }
0xc8: {  	[bflag:$0x0] =	sbarrier.arrive $0xFFFF  }
0xc9: {  	[hbm:s16], [sflag:s17] =	dma.local [spmem:s28], $0x5A0  }
0xca: {  	_ =	swait.ge [sflag:s18], $0x5A0  }
0xcb: {  	s1 =	sadd.s32 $0x5A0, s16;
	s28 =	smov.u32 s15;
	[sflag:s18] =	ssyncset.done $0x0  }
.LBB2_8:
0xcc: {  	s0 =	sadd.s32 $0x1, s0  }
0xcd: {  	[sflag:s18] =	ssyncadd.s32 $0xFFFFFA60;
	s28 =	sadd.s32 $0x2D00, s28;
	p0 =	slt.u32 s0, s10  }
.Ltmp5:
0xce: {  	(pc) =	sbr.rel @p0 .LBB2_8-.Ltmp5, $4  }
0xcf: {  	s29 =	sshrl.u32 s28, $0x3  }
0xd0: {  	[hbm:s1], [sflag:s17] =	dma.local [spmem:s29], $0x5A0  }
0xd1: {  	_ =	swait.ge [sflag:s18], $0x5A0  }
0xd2: {  	s1 =	sadd.s32 $0x5A0, s1;
	[sflag:s18] =	ssyncset.done $0x0  }
.LBB2_9:
0xd3: {  	s3 =	sadd.s32 $0x1, s3  }
0xd4: {  	p0 =	sne.s32 s3, s13  }
.Ltmp6:
0xd5: {  	_ = 	snop;
	(pc) =	sbr.rel @p0 .LBB2_1-.Ltmp6, $2  }
0xd6: {  	_ =	sdelay $0x2  }
0xd7: {  	[sflag:s18] =	ssyncadd.s32 $0xFFFFFA60  }
0xd8: {  	_ =	sfence.sel $0x180000  }
0xd9: {  	[bflag:$0x0] =	sbarrier.arrive $0xFFFF  }
0xda: {  	_ =	strace $0x9000004A  }
0xdb: {  	s0 =	stileid.u32;
	[bflag:$0x2] =	sbarrier.arrive $0xFFFF  }
0xdc: {  	p0 =	sne.s32 s0, $0x0;
	s0 =	rddreg [dreg:$0x2]  }
0xdd: {  	s0 =	sadd.s32 @!p0 $0x100000, s0  }
0xde: {  	[sflag:s0] =	ssyncadd.tile.s32 @!p0 $0x1;
	_ =	shalt  }
.Lfunc_end2:
_tile_overlayer_lowered:
.L_overlay_start_2:
0xdf: {  	(tag) =	ssettag $0x2  }
0xe0: {  	s0 =	rddreg [dreg:$0x0];
	s2 =	stileid.u32  }
0xe1: {  	s1 =	rddreg [dreg:$0x1];
	p0 =	sne.s32 s2, $0x0  }
0xe2: {  	s3 =	rddreg [dreg:$0x2];
	[bflag:$0x3] =	sbarrier.arrive $0xFFFF;
	s2 =	simm.s32 @!p0 $0x1C04  }
0xe3: {  	[timem:s3], [sflag:s2] =	dma.local @!p0 [hbm:s0], s1  }
0xe4: {  	s0 =	simm.s32 @!p0 $0x4  }
0xe5: {  	_ =	swait.ge @!p0 [sflag:s0], s1  }
0xe6: {  	s1 =	ssub.s32 @!p0 $0x0, s1;
	[sflag:s0] =	ssyncset.done @!p0 $0x0  }
0xe7: {  	[sflag:s0] =	ssyncadd.s32 @!p0 s1  }
0xe8: {  	[bflag:$0x3] =	sbarrier.arrive $0xFFFF  }
0xe9: {  	_ =	shalt  }

// kernel: kernel.7.cloned.1.call-start
scs
__scs_entry_jumppad:
0x0: {  	(pc) =	sbr.rel $0x88, $3  }
0x1: {  	(tag) =	ssettag $0x0;
	lr =	simm.s32 $0x1  }
0x2: {  	[smem:$0x3F8C] =	sst lr;
	_ =	strace $0xD0000000  }
0x3: {  	_ = 	snop  }
0x4: {  	_ = 	snop  }
0x5: {  	_ = 	snop  }
0x6: {  	_ = 	snop  }
0x7: {  	_ = 	snop  }
__scs_overlays_trampoline_lowered:
0x8: {  	[smem:$0x3F9B] =	sst s0  }
0x9: {  	[smem:$0x3F9C] =	sst s1  }
0xa: {  	[smem:$0x3F9D] =	sst s2  }
0xb: {  	[smem:$0x3F9E] =	sst s3  }
0xc: {  	[smem:$0x3F9F] =	sst s4  }
0xd: {  	[smem:$0x3FA0] =	sst s5  }
0xe: {  	[smem:$0x3FA1] =	sst s6  }
0xf: {  	[smem:$0x3FA2] =	sst s7  }
0x10: {  	[smem:$0x3FA3] =	sst s8  }
0x11: {  	[smem:$0x3FA4] =	sst s9;
	s0 =	simm.s32 @!p0 $0x0  }
0x12: {  	s1 =	sld [smem:$0x3F8A];
	s0 =	simm.s32 @p0 $0x1  }
0x13: {  	[smem:$0x3FA5] =	sst s0;
	s0 =	simm.s32 @!p1 $0x0  }
0x14: {  	s2 =	sld [smem:$0x3F89];
	s0 =	simm.s32 @p1 $0x1  }
0x15: {  	[smem:$0x3FA6] =	sst s0;
	s0 =	simm.s32 @!p2 $0x0  }
0x16: {  	s3 =	sld [smem:$0x3FDB];
	s0 =	simm.s32 @p2 $0x1  }
0x17: {  	s4 =	simm.s32 $0x1BF5;
	[smem:$0x3FA8] =	sst s0  }
0x18: {  	s0 =	sld [smem:$0x3F8B];
	_ =	swait.ge [sflag:s4], $0x0  }
0x19: {  	s7 =	sld [smem:$0x3F8C]  }
0x1a: {  	s8 =	sadd.s32 $0xFFFFE003, lr  }
0x1b: {  	s9 =	sadd.s32 $0xFFFFFEF7, lr;
	s5 =	simm.s32 $0xFFFFFFFF;
	p2 =	slt.u32 s8, $0xFFFFF086  }
0x1c: {  	p1 =	slt.u32 s9, $0xF7A;
	s5 =	simm.s32 @!p2 $0x0  }
0x1d: {  	s5 =	simm.s32 @p1 $0x1;
	p0 =	seq.s32 s7, s2  }
0x1e: {  	s7 =	smul.u32 @!p0 $0xF7A, s2;
	p2 =	seq.s32 @!p0 s5, $0x0  }
0x1f: {  	s9 =	smul.u32 $0xF7A, s1;
	s8 =	simm.s32 @!p0 $0x1BF5;
	p2 =	por !p2, p0  }
0x20: {  	[sflag:s8] =	ssyncset.s32 @!p0 $0xFFFFF086;
	s6 =	sadd.s32 @!p0 s3, s7;
	s7 =	simm.s32 @!p0 $0x108  }
0x21: {  	s3 =	sadd.s32 s3, s9;
	s6 =	sadd.s32 @!p0 $0x88, s6;
	s7 =	simm.s32 @p2 $0x1082  }
0x22: {  	[simem:s7], [sflag:s8] =	dma.local @!p0 [hbm:s6], $0xF7A  }
0x23: {  	s9 =	sor.u32 $0xD0000000, s2;
	s6 =	simm.s32 $0x108;
	_ =	swait.ge @!p0 [sflag:s8], $0x0  }
0x24: {  	s3 =	sadd.s32 $0x88, s3;
	s6 =	simm.s32 @!p1 $0x1082;
	[sflag:s4] =	ssyncset.s32 $0xFFFFF086  }
0x25: {  	[simem:s6], [sflag:s4] =	dma.local [hbm:s3], $0xF7A  }
0x26: {  	[smem:$0x3F8C] =	sst s1;
	(tag) =	ssettag s2;
	_ =	strace s9  }
0x27: {  	s1 =	sld [smem:$0x3F9C]  }
0x28: {  	s2 =	sld [smem:$0x3F9D]  }
0x29: {  	s4 =	sld [smem:$0x3F9F]  }
0x2a: {  	p0 =	seq.s32 s5, $0x0;
	s5 =	sld [smem:$0x3FA0]  }
0x2b: {  	s6 =	sld [smem:$0x3FA1]  }
0x2c: {  	s7 =	sld [smem:$0x3FA2]  }
0x2d: {  	s3 =	simm.s32 $0x108;
	s8 =	sld [smem:$0x3FA3]  }
0x2e: {  	s3 =	simm.s32 @!p0 $0x1082;
	s9 =	sld [smem:$0x3FA4]  }
0x2f: {  	lr =	sadd.s32 s0, s3;
	s0 =	sld [smem:$0x3F9B]  }
0x30: {  	s3 =	sld [smem:$0x3F9E]  }
0x31: {  	[smem:$0x3FA7] =	sst s10  }
0x32: {  	s10 =	sld [smem:$0x3FA5];
	_ =	sdelay $0x3  }
0x33: {  	p0 =	seq.s32 s10, $0x1;
	s10 =	sld [smem:$0x3FA7];
	_ =	sdelay $0x3  }
0x34: {  	[smem:$0x3FA7] =	sst s10  }
0x35: {  	s10 =	sld [smem:$0x3FA6];
	_ =	sdelay $0x3  }
0x36: {  	p1 =	seq.s32 s10, $0x1;
	s10 =	sld [smem:$0x3FA7];
	_ =	sdelay $0x3  }
0x37: {  	[smem:$0x3FA7] =	sst s10  }
0x38: {  	s10 =	sld [smem:$0x3FA8]  }
0x39: {  	_ = 	snop;
	(pc) =	sbr.ind lr, $3  }
0x3a: {  	_ = 	snop  }
0x3b: {  	_ = 	snop  }
0x3c: {  	p2 =	seq.s32 s10, $0x1;
	s10 =	sld [smem:$0x3FA7]  }
0x3d: {  	_ =	shalt  }
0x3e: {  	_ =	shalt  }
0x3f: {  	_ =	shalt  }
0x40: {  	_ =	shalt  }
0x41: {  	_ =	shalt  }
0x42: {  	_ =	shalt  }
0x43: {  	_ =	shalt  }
0x44: {  	_ =	shalt  }
0x45: {  	_ =	shalt  }
0x46: {  	_ =	shalt  }
0x47: {  	_ =	shalt  }
0x48: {  	_ =	shalt  }
0x49: {  	_ =	shalt  }
0x4a: {  	_ =	shalt  }
0x4b: {  	_ =	shalt  }
0x4c: {  	_ =	shalt  }
0x4d: {  	_ =	shalt  }
0x4e: {  	_ =	shalt  }
0x4f: {  	_ =	shalt  }
0x50: {  	_ =	shalt  }
0x51: {  	_ =	shalt  }
0x52: {  	_ =	shalt  }
0x53: {  	_ =	shalt  }
0x54: {  	_ =	shalt  }
0x55: {  	_ =	shalt  }
0x56: {  	_ =	shalt  }
0x57: {  	_ =	shalt  }
0x58: {  	_ =	shalt  }
0x59: {  	_ =	shalt  }
0x5a: {  	_ =	shalt  }
0x5b: {  	_ =	shalt  }
0x5c: {  	_ =	shalt  }
0x5d: {  	_ =	shalt  }
0x5e: {  	_ =	shalt  }
0x5f: {  	_ =	shalt  }
0x60: {  	_ =	shalt  }
0x61: {  	_ =	shalt  }
0x62: {  	_ =	shalt  }
0x63: {  	_ =	shalt  }
0x64: {  	_ =	shalt  }
0x65: {  	_ =	shalt  }
0x66: {  	_ =	shalt  }
0x67: {  	_ =	shalt  }
0x68: {  	_ =	shalt  }
0x69: {  	_ =	shalt  }
0x6a: {  	_ =	shalt  }
0x6b: {  	_ =	shalt  }
0x6c: {  	_ =	shalt  }
0x6d: {  	_ =	shalt  }
0x6e: {  	_ =	shalt  }
0x6f: {  	_ =	shalt  }
0x70: {  	_ =	shalt  }
0x71: {  	_ =	shalt  }
0x72: {  	_ =	shalt  }
0x73: {  	_ =	shalt  }
0x74: {  	_ =	shalt  }
0x75: {  	_ =	shalt  }
0x76: {  	_ =	shalt  }
0x77: {  	_ =	shalt  }
0x78: {  	_ =	shalt  }
0x79: {  	_ =	shalt  }
0x7a: {  	_ =	shalt  }
0x7b: {  	_ =	shalt  }
0x7c: {  	_ =	shalt  }
0x7d: {  	_ =	shalt  }
0x7e: {  	_ =	shalt  }
0x7f: {  	_ =	shalt  }
0x80: {  	_ =	shalt  }
0x81: {  	_ =	shalt  }
0x82: {  	_ =	shalt  }
0x83: {  	_ =	shalt  }
0x84: {  	_ =	shalt  }
0x85: {  	_ =	shalt  }
0x86: {  	_ =	shalt  }
0x87: {  	_ =	shalt  }
.Lfunc_end0:
.L_simem_size_0:
called_computation_lowered:
.L_overlay_start_0:
0x88: {  	s2 =	sld [smem:$0x3FD9]  }
0x89: {  	s3 =	sld [smem:$0x3FFE];
	_ =	sdelay $0x1  }
0x8a: {  	s1 =	srdreg.scid  }
0x8b: {  	s0 =	sand.u32 $0x1, s1  }
0x8c: {  	s16 =	sshll.u32 s0, $0xA;
	s2 =	sadd.s32 s3, s2  }
0x8d: {  	s2 =	sadd.s32 s2, s16  }
0x8e: {  	[smem:$0x3FB3] =	sst s2  }
0x8f: {  	_ = 	snop  }
0x90: {  	(tm) =	ssettm $0x1  }
0x91: {  	s17 =	sld [smem:$0x3FFB];
	_ =	sdelay $0x3  }
0x92: {  	_ =	strace s17  }
0x93: {  	s2 =	sld [smem:$0x3FFC];
	_ =	sdelay $0x3  }
0x94: {  	_ =	strace s2  }
0x95: {  	s2 =	sld [smem:$0x3FFD];
	_ =	sdelay $0x3  }
0x96: {  	_ =	strace s2  }
0x97: {  	_ =	strace $0x8FFFFFFF  }
0x98: {  	s18 =	sld [smem:$0x3FDB];
	_ =	sdelay $0x1  }
0x99: {  	s19 =	simm.s32 $_scs_section_size  }
0x9a: {  	s4 =	simm.s32 $_size__tile_overlayer_lowered;
	s5 =	simm.s32 $_tile_overlayer_lowered  }
0x9b: {  	s22 =	simm.s32 $0x1BFF;
	s21 =	sshll.u32 s5, $0x1;
	s2 =	sadd.s32 s19, s18  }
0x9c: {  	s6 =	simm.s32 $0x0;
	s20 =	sshll.u32 s4, $0x1;
	s4 =	sadd.s32 s21, s2  }
0x9d: {  	[timem:s6], [sflag:s22] =	dma.local [hbm:s4], s20  }
0x9e: {  	_ =	swait.ge [sflag:s22], s20  }
0x9f: {  	s3 =	ssub.s32 $0x0, s20;
	[sflag:s22] =	ssyncset.done $0x0  }
0xa0: {  	[sflag:s22] =	ssyncadd.s32 s3;
	_ =	sdelay $0x1  }
0xa1: {  	s23 =	simm.s32 $0x1B8B  }
0xa2: {  	_ =	swait.ge [sflag:s23], $0x1  }
0xa3: {  	[sflag:s23] =	ssyncset.done $0x0  }
0xa4: {  	s25 =	simm.s32 $0x1B8E;
	s24 =	sld [smem:$0x3FFE];
	[sflag:s23] =	ssyncadd.s32 $0xFFFFFFFF  }
0xa5: {  	s26 =	simm.s32 $execute0_lowered;
	[smem:$0x3FD2] =	sst s25  }
0xa6: {  	s4 =	sshll.u32 s26, $0x1;
	_ =	strace $0x80000046;
	[dreg:$0x1] =	wrdreg $0xFFFFFFFF  }
0xa7: {  	s28 =	simm.s32 $_size_execute0_lowered;
	s2 =	sadd.s32 s2, s4;
	[dreg:$0x0] =	wrdreg $0x0  }
0xa8: {  	s4 =	sshll.u32 s28, $0x1;
	[dreg:$0x2] =	wrdreg s2  }
0xa9: {  	[dreg:$0x3] =	wrdreg s4  }
0xaa: {  	[dreg:$0x4] =	wrdreg $0xC0  }
0xab: {  	_ =	task [dreg:s6], $0x5FFFF  }
0xac: {  	[dreg:$0x1] =	wrdreg $0xFFFFFFFF  }
0xad: {  	[dreg:$0x0] =	wrdreg $0x60  }
0xae: {  	[dreg:$0x2] =	wrdreg s24  }
0xaf: {  	[dreg:$0x3] =	wrdreg $0x90800  }
0xb0: {  	[dreg:$0x4] =	wrdreg $0x9  }
0xb1: {  	_ =	task.clear_ibuf [dreg:s6], $0x5FFFF;
	_ =	strace $0x90000046  }
0xb2: {  	s29 =	simm.s32 $0x9;
	_ =	strace $0x80000048  }
0xb3: {  	_ =	swait.ge [sflag:s29], $0x1  }
0xb4: {  	[sflag:s29] =	ssyncadd.s32 $0xFFFFFFFF  }
0xb5: {  	_ =	strace $0x90000048  }
0xb6: {  	_ =	sfence  }
0xb7: {  	s30 =	sld [smem:$0x0];
	_ =	sdelay $0x2  }
0xb8: {  	s31 =	sshll.u32 s1, $0xD;
	s1 =	sshrl.u32 s1, $0x2  }
0xb9: {  	s3 =	sand.u32 $0x4000, s31;
	s1 =	sadd.s32 s1, s30  }
0xba: {  	s0 =	sor.u32 s3, s0;
	s1 =	sshll.u32 s1, $0x11  }
0xbb: {  	s0 =	sor.u32 s1, s0  }
0xbc: {  	s0 =	sadd.s32 $0x8F2B, s0  }
0xbd: {  	[sflag:s0] =	ssyncadd.remote.s32 $0x1  }
0xbe: {  	_ =	sfence.sel $0xFFFF  }
0xbf: {  	[dreg:$0x0] =	wrdreg $0xFFFFFFFF;
	(pc) =	sbr.abs _section_cstart, $3  }
0xc0: {  	[dreg:$0x1] =	wrdreg $0xFFFFFFFF  }
0xc1: {  	_ =	task.clear_ibuf [dreg:s6], $0x2FFFF;
	_ =	strace $0x9FFFFFFF  }
0xc2: {  	(tm) =	ssettm $0x7FFFFFFF  }
0xc3: {  	_ =	shalt  }
tec
execute0_lowered:
.L_overlay_start_1:
0x0: {  	(tag) =	ssettag $0x1  }
0x1: {  	s0 =	rddreg [dreg:$0x0]  }
0x2: {  	s2 =	rddreg [dreg:$0x1];
	s3 =	simm.s32 $0x0  }
0x3: {  	s18 =	stileid.u32;
	s5 =	srdreg.scid;
	s17 =	simm.s32 $0x9D  }
0x4: {  	s19 =	simm.s32 $0x40;
	s20 =	simm.s32 $0x80;
	s21 =	simm.s32 $0x2480  }
0x5: {  	s22 =	simm.s32 $0x4880;
	s23 =	simm.s32 $0x1;
	s24 =	simm.s32 $0x2  }
0x6: {  	[smem:$0x7FF] =	sst s3;
	s1 =	smin.u32 s18, $0xD;
	s6 =	smul.u32 $0x13B00, s18  }
0x7: {  	s4 =	sadd.s32 $0x2DA00, s0;
	s9 =	sand.u32 $0x1, s5;
	s5 =	sadd.s32 $0x1A00, s0  }
0x8: {  	s8 =	sadd.s32 $0x59A00, s0;
	s26 =	smul.u32 $0x7, s18;
	s13 =	sshll.u32 s18, $0x1  }
0x9: {  	p0 =	slt.u32 s18, $0xD;
	s16 =	smul.u32 $0x4EC00, s18;
	s31 =	sshll.u32 s18, $0x6  }
0xa: {  	s7 =	smul.u32 $0x2D00, s1;
	_ =	strace $0x80000047;
	s25 =	ssub.s32 $0x2, s9  }
0xb: {  	s11 =	smul.u32 $0x15F900, s9;
	s29 =	sor.u32 s9, s13;
	s28 =	sshrl.u32 s25, $0x1  }
0xc: {  	s9 =	sadd.s32 s1, s26;
	s30 =	smul.u32 $0x9C, s29;
	s13 =	smin.u32 s29, $0x8  }
0xd: {  	s1 =	smul.u32 $0xB400, s1;
	s26 =	simm.s32 $0x6C80;
	s10 =	sadd.s32 s7, s6  }
0xe: {  	s6 =	sadd.s32 $0x9DE00, s0;
	s7 =	sadd.s32 $0x63800, s0;
	s15 =	ssub.s32 s25, s28  }
0xf: {  	s25 =	simm.s32 $0x3;
	s12 =	sshrl.u32 s10, $0x3;
	s10 =	sadd.s32 s11, s10  }
0x10: {  	s11 =	simm.s32 $0x8;
	s1 =	sadd.s32 s1, s16;
	s14 =	sadd.s32 s12, s0  }
0x11: {  	s10 =	sshrl.u32 s10, $0x3;
	s11 =	simm.s32 @!p0 $0x7;
	p0 =	slt.u32 s18, $0x4  }
0x12: {  	v0 =	vimm.s32 $0xF;
	s1 =	sshrl.u32 s1, $0x2;
	s18 =	simm.s32 $0x4;
	s0 =	sadd.s32 s10, s0  }
0x13: {  	vm0 =	vmmov $0x1;
	vm1 =	vcmask $0x310;
	vm2 =	vcmask $0x710;
	s10 =	sadd.s32 s11, s9;
	s11 =	sadd.s32 s13, s30;
	s17 =	simm.s32 @!p0 $0x9C  }
0x14: {  	vm3 =	vcmask $0xB10;
	v1 =	vimm.s32 $0x0;
	v2 =	vimm.s32 $0x1;
	s13 =	smax.u32 s15, $0x1;
	s14 =	sadd.s32 $0x6D600, s14;
	s15 =	sadd.s32 s1, s2  }
0x15: {  	v3 =	vimm.s32 $0x2;
	v4 =	vimm.s32 $0x3;
	vm4 =	vmmov $0xf;
	s12 =	sadd.s32 s17, s11;
	s16 =	sadd.s32 $0xC9E00, s0;
	s17 =	sor.u32 $0x1C04, s31  }
.LBB2_1:
0x16: {  	s0 =	sadd.s32 $0x1, s9  }
0x17: {  	p0 =	slt.u32 s0, s10  }
.Ltmp0:
0x18: {  	_ = 	snop;
	(pc) =	sbr.rel @!p0 .LBB2_3-.Ltmp0, $4  }
0x19: {  	s28 =	sshrl.u32 s15, $0x3  }
0x1a: {  	[spmem:s28], [sflag:s17] =	dma.local [hbm:s14], $0x5A0  }
0x1b: {  	_ =	swait.ge [sflag:s18], $0x5A0  }
0x1c: {  	s1 =	sadd.s32 $0x2D00, s15;
	s29 =	smov.u32 s14;
	[sflag:s18] =	ssyncset.done $0x0  }
.LBB2_2:
0x1d: {  	s0 =	sadd.s32 $0x1, s0  }
0x1e: {  	[sflag:s18] =	ssyncadd.s32 $0xFFFFFA60;
	s29 =	sadd.s32 $0x5A0, s29;
	p0 =	slt.u32 s0, s10  }
.Ltmp1:
0x1f: {  	(pc) =	sbr.rel @p0 .LBB2_2-.Ltmp1, $4  }
0x20: {  	s30 =	sshrl.u32 s1, $0x3  }
0x21: {  	[spmem:s30], [sflag:s17] =	dma.local [hbm:s29], $0x5A0  }
0x22: {  	_ =	swait.ge [sflag:s18], $0x5A0  }
0x23: {  	s1 =	sadd.s32 $0x2D00, s1;
	[sflag:s18] =	ssyncset.done $0x0  }
.LBB2_3:
0x24: {  	[sflag:s18] =	ssyncadd.s32 $0xFFFFFA60  }
0x25: {  	s29 =	smov.u32 s11;
	[bflag:$0x0] =	sbarrier.arrive $0xFFFF  }
.LBB2_4:
0x26: {  	s0 =	sshll.u32 s29, $0x3  }
0x27: {  	s0 =	sand.u32 $0x1FFFFFF8, s0  }
0x28: {  	s30 =	simm.s32 $0x0;
	s1 =	sadd.s32 s7, s0  }
0x29: {  	[tilespmem:s30], [sflag:$0x4] =	stream.linear.gather [hbm4b:s1+s30], $0x40, $0x38;
	[tilespmem:$0x1F010] =	vst v63  }
0x2a: {  	_ =	swait.ge [sflag:s18], $0x40  }
0x2b: {  	[sflag:s18] =	ssyncset.done $0x0  }
0x2c: {  	s0 =	sadd.s32 s8, s0;
	[sflag:s18] =	ssyncadd.s32 $0xFFFFFFC0  }
0x2d: {  	[tilespmem:s19], [sflag:$0x4] =	stream.linear.gather [hbm4b:s0+s30], $0x40, $0x38;
	[tilespmem:$0x1F010] =	vst v63  }
0x2e: {  	_ =	swait.ge [sflag:s18], $0x40  }
0x2f: {  	[sflag:s18] =	ssyncset.done $0x0  }
0x30: {  	[sflag:s18] =	ssyncadd.s32 $0xFFFFFFC0  }
0x31: {  	[tilespmem:s20], [sflag:$0x1] =	stream.indirect.gather [hbm4b:s4+s19], $0x90, s19, s19, $0xb8;
	[tilespmem:$0x1F010] =	vst v63  }
0x32: {  	_ = 	snop  }
0x33: {  	[tilespmem:s21], [sflag:$0x2] =	stream.indirect.gather [hbm4b:s5+s19], $0x90, s30, s19, $0xb8;
	[tilespmem:$0x1F010] =	vst v63  }
0x34: {  	_ = 	snop  }
0x35: {  	[tilespmem:s22], [sflag:$0x3] =	stream.indirect.gather [hbm4b:s6+s19], $0x90, s30, s19, $0xb8;
	[tilespmem:$0x1F010] =	vst v63  }
0x36: {  	_ =	swait.ge [sflag:s23], $0x2400  }
0x37: {  	[sflag:s23] =	ssyncset.done $0x0  }
0x38: {  	[sflag:s23] =	ssyncadd.s32 $0xFFFFDC00  }
0x39: {  	_ =	swait.ge [sflag:s24], $0x2400  }
0x3a: {  	[sflag:s24] =	ssyncset.done $0x0  }
0x3b: {  	[sflag:s24] =	ssyncadd.s32 $0xFFFFDC00  }
0x3c: {  	_ =	swait.ge [sflag:s25], $0x2400  }
0x3d: {  	[sflag:s25] =	ssyncset.done $0x0  }
0x3e: {  	s31 =	simm.s32 $0x0;
	[sflag:s25] =	ssyncadd.s32 $0xFFFFDC00  }
0x3f: {  	v5 =	vld [tilespmem:s31+$0xE0]  }
0x40: {  	v6 =	vld [tilespmem:s31+$0xC0]  }
0x41: {  	v7 =	vld [tilespmem:s31+$0x24C0]  }
0x42: {  	v8 =	vld [tilespmem:s31+$0xD0]  }
0x43: {  	v9 =	vld [tilespmem:s31+$0x24D0]  }
0x44: {  	v10 =	vld [tilespmem:s31+$0xA0]  }
0x45: {  	v11 =	vld [tilespmem:s31+$0x24A0]  }
0x46: {  	v12 =	vld [tilespmem:s31+$0xB0]  }
0x47: {  	v13 =	vld [tilespmem:s31+$0x24B0]  }
0x48: {  	v14 =	vld [tilespmem:s31+$0x80]  }
0x49: {  	v15 =	vld [tilespmem:s31+$0x2480]  }
0x4a: {  	v16 =	vld [tilespmem:s31+$0x90]  }
0x4b: {  	v17 =	vld [tilespmem:s31+$0x2490]  }
0x4c: {  	v18 =	vld [tilespmem:s31+$0x24E0]  }
0x4d: {  	v19 =	vld [tilespmem:s31+$0xF0]  }
0x4e: {  	v6 =	vmul.f32 v7, v6;
	v7 =	vmul.f32 v9, v8;
	v8 =	vld [tilespmem:s31+$0x24F0]  }
0x4f: {  	v9 =	vmul.f32 v11, v10;
	v10 =	vmul.f32 v13, v12  }
0x50: {  	v20 =	vld [tilespmem:s31+$0x4880];
	v11 =	vmul.f32 v17, v16;
	v6 =	vadd.f32 v7, v6;
	v7 =	vmul.f32 v15, v14  }
0x51: {  	v21 =	vld [tilespmem:s31+$0x48A0];
	v9 =	vadd.f32 v10, v9  }
0x52: {  	v22 =	vld [tilespmem:s31+$0x48B0];
	(xrf2) =	vadd.scan.msk.f32 $0xffff, v6;
	v6 =	vadd.f32 v11, v7  }
0x53: {  	s30 =	simm.s32 $0x90;
	v23 =	vld [tilespmem:s31+$0x48E0];
	v5 =	vmul.f32 v18, v5;
	(xrf2) =	vadd.scan.msk.f32 $0xffff, v9;
	v7 =	vmul.f32 v8, v19  }
0x54: {  	v24 =	vld [tilespmem:s30+$0x24A0];
	(xrf2) =	vadd.scan.msk.f32 $0xffff, v6  }
0x55: {  	v25 =	vld [tilespmem:s30+$0xB0];
	v5 =	vadd.f32 v7, v5  }
0x56: {  	v26 =	vld [tilespmem:s30+$0x24B0]  }
0x57: {  	v27 =	vld [tilespmem:s30+$0x80];
	(xrf2) =	vadd.scan.msk.f32 $0xffff, v5  }
0x58: {  	v28 =	vld [tilespmem:s30+$0x2480]  }
0x59: {  	v29 =	vld [tilespmem:s30+$0x90]  }
0x5a: {  	v30 =	vld [tilespmem:s30+$0x2490]  }
0x5b: {  	v31 =	vld [tilespmem:s30+$0x24E0]  }
0x5c: {  	v32 =	vld [tilespmem:s30+$0xF0];
	v5, _, _ =	vpop (xrf2)  }
0x5d: {  	s0 =	simm.s32 $0x120;
	v33 =	vld [tilespmem:s30+$0x24F0];
	v6, _, _ =	vpop (xrf2)  }
0x5e: {  	v59 =	vld [tilespmem:s0+$0xD0];
	v7, _, _ =	vpop (xrf2)  }
0x5f: {  	v16 =	vld [tilespmem:s31+$0x4890];
	v7 =	vperm.xlane v7, v0  }
0x60: {  	v12 =	vld [tilespmem:s30+$0x24C0];
	v6 =	vperm.xlane v6, v0  }
0x61: {  	v10 =	vld [tilespmem:s30+$0xC0];
	v5 =	vperm.xlane v5, v0;
	v7 =	vnsel vm0, $0x0, v7;
	v8, _, _ =	vpop (xrf2)  }
0x62: {  	v14 =	vld [tilespmem:s30+$0xD0];
	v6 =	vsel vm1, v7, v6;
	v7 =	vperm.xlane v8, v0  }
0x63: {  	v15 =	vld [tilespmem:s30+$0x24D0];
	v5 =	vsel vm2, v6, v5  }
0x64: {  	v17 =	vld [tilespmem:s30+$0xA0];
	v5 =	vsel vm3, v5, v7  }
0x65: {  	v18 =	vld [tilespmem:s31+$0x48C0];
	v5 =	vmul.f32 $1.442695020e+00, v5  }
0x66: {  	v13 =	vld [tilespmem:s30+$0xE0]  }
0x67: {  	v11 =	vld [tilespmem:s30+$0x4880];
	(erf) = vpow2.f32 v5  }
0x68: {  	v19 =	vld [tilespmem:s31+$0x48D0];
	v12 =	vmul.f32 v12, v10;
	v14 =	vmul.f32 v15, v14  }
0x69: {  	v9 =	vld [tilespmem:s30+$0x4890];
	v15 =	vmul.f32 v24, v17;
	v17 =	vmul.f32 v26, v25  }
0x6a: {  	v10 =	vld [tilespmem:s30+$0x48E0];
	v25 =	vmul.f32 v28, v27;
	v26 =	vmul.f32 v30, v29;
	v14 =	vadd.f32 v14, v12  }
0x6b: {  	v24 =	vld [tilespmem:s31+$0x48F0];
	v15 =	vadd.f32 v17, v15  }
0x6c: {  	v27 =	vld [tilespmem:s0+$0xC0];
	(xrf2) =	vadd.scan.msk.f32 $0xffff, v14;
	v14 =	vadd.f32 v26, v25  }
0x6d: {  	v13 =	vmul.f32 v31, v13;
	v12 =	vld [tilespmem:s0+$0xE0];
	(xrf2) =	vadd.scan.msk.f32 $0xffff, v15;
	v15 =	vmul.f32 v33, v32  }
0x6e: {  	v26 =	vld [tilespmem:s0+$0x24C0];
	(xrf2) =	vadd.scan.msk.f32 $0xffff, v14  }
0x6f: {  	v14 =	vadd.f32 v15, v13;
	v8 =	vld [tilespmem:s30+$0x48A0]  }
0x70: {  	v6 =	vld [tilespmem:s30+$0x48C0];
	v25 =	vpop (erf)  }
0x71: {  	(xrf2) =	vadd.scan.msk.f32 $0xffff, v14;
	v7 =	vld [tilespmem:s30+$0x48B0];
	v17 =	vnsel vm4, $0x0, v25;
	v60 =	vperm.xlane v25, v4  }
0x72: {  	v5 =	vld [tilespmem:s30+$0x48D0];
	[tilespmem:s31+$0x6D00] =	vst v17;
	v17 =	vperm.xlane v25, v1  }
0x73: {  	v61 =	vld [tilespmem:s0+$0x24D0];
	v15 =	vmul.f32 v24, v60  }
0x74: {  	v13 =	vld [tilespmem:s0+$0xA0];
	v20 =	vmul.f32 v20, v17  }
0x75: {  	v14 =	vld [tilespmem:s0+$0x24A0];
	v24 =	vperm.xlane v25, v2;
	[tilespmem:s31+$0x6CF0] =	vst v15  }
0x76: {  	v62, _, _ =	vpop (xrf2);
	v16 =	vmul.f32 v16, v17;
	v15 =	vld [tilespmem:s0+$0xB0];
	[tilespmem:s31+$0x6C80] =	vst v20;
	v20 =	vperm.xlane v25, v3  }
0x77: {  	v21 =	vmul.f32 v21, v24;
	v22 =	vmul.f32 v22, v24;
	v25, _, _ =	vpop (xrf2)  }
0x78: {  	v17 =	vld [tilespmem:s0+$0x24B0];
	[tilespmem:s31+$0x6C90] =	vst v16;
	v25 =	vperm.xlane v25, v0;
	v63 =	vmul.f32 v18, v20;
	v18, _, _ =	vpop (xrf2)  }
0x79: {  	v16 =	vld [tilespmem:s0+$0x80];
	[tilespmem:s31+$0x6CA0] =	vst v21;
	v20 =	vmul.f32 v19, v20;
	v21 =	vperm.xlane v18, v0  }
0x7a: {  	v19 =	vmul.f32 v23, v60;
	v24 =	vmul.f32 v61, v59  }
0x7b: {  	v23 =	vperm.xlane v62, v0;
	v18 =	vld [tilespmem:s0+$0x2480];
	[tilespmem:s31+$0x6CB0] =	vst v22;
	v22 =	vmul.f32 v26, v27;
	v27, _, _ =	vpop (xrf2);
	v26 =	vnsel vm0, $0x0, v21  }
0x7c: {  	s1 =	simm.s32 $0x6C0;
	v21 =	vld [tilespmem:s0+$0x90];
	[tilespmem:s31+$0x6CC0] =	vst v63;
	v26 =	vsel vm1, v26, v25;
	v25 =	vperm.xlane v27, v0  }
.LBB2_5:
0x7d: {  	p0 =	sne.s32 s1, $0x8DC0;
	v27 =	vld [tilespmem:s0+$0x2490];
	v22 =	vadd.f32 v24, v22;
	v23 =	vsel vm2, v26, v23;
	[tilespmem:s31+$0x6CD0] =	vst v20  }
0x7e: {  	v13 =	vmul.f32 v14, v13;
	v14 =	vld [tilespmem:s0+$0x24E0];
	v20 =	vsel vm3, v23, v25;
	[tilespmem:s31+$0x6CE0] =	vst v19;
	s31 =	smov.u32 s30;
	s30 =	smov.u32 s0  }
0x7f: {  	v15 =	vmul.f32 v17, v15;
	v17 =	vld [tilespmem:s30+$0xF0];
	(xrf2) =	vadd.scan.msk.f32 $0xffff, v22;
	v19 =	vmul.f32 $1.442695020e+00, v20  }
0x80: {  	v20 =	vld [tilespmem:s30+$0x24F0]  }
0x81: {  	v13 =	vadd.f32 v15, v13;
	v15 =	vld [tilespmem:s30+$0x4880];
	(erf) = vpow2.f32 v19  }
0x82: {  	v16 =	vmul.f32 v18, v16;
	v18 =	vmul.f32 v27, v21;
	v19 =	vld [tilespmem:s30+$0x4890]  }
0x83: {  	v21 =	vld [tilespmem:s30+$0x48A0];
	(xrf2) =	vadd.scan.msk.f32 $0xffff, v13  }
0x84: {  	v13 =	vadd.f32 v18, v16;
	v16 =	vld [tilespmem:s30+$0x48B0]  }
0x85: {  	v12 =	vmul.f32 v14, v12;
	v14 =	vmul.f32 v20, v17;
	v17 =	vld [tilespmem:s30+$0x48C0]  }
0x86: {  	v18 =	vld [tilespmem:s30+$0x48D0];
	(xrf2) =	vadd.scan.msk.f32 $0xffff, v13  }
0x87: {  	v20 =	vadd.f32 v14, v12;
	v22 =	vld [tilespmem:s30+$0x48E0]  }
0x88: {  	s0 =	sshra.s32 s1, $0x2;
	v14 =	vld [tilespmem:s31+$0x48F0]  }
0x89: {  	v12 =	vld [tilespmem:s0+$0xE0];
	v23, _, _ =	vpop (xrf2);
	(xrf2) =	vadd.scan.msk.f32 $0xffff, v20  }
0x8a: {  	v24 =	vld [tilespmem:s0+$0xC0];
	v13 =	vpop (erf)  }
0x8b: {  	v25 =	vld [tilespmem:s0+$0x24C0];
	v20 =	vperm.xlane v13, v1;
	v26 =	vperm.xlane v13, v4;
	v27 =	vnsel vm4, $0x0, v13  }
0x8c: {  	v29 =	vperm.xlane v13, v2;
	v30 =	vperm.xlane v13, v3;
	v28 =	vld [tilespmem:s0+$0xD0];
	[tilespmem:s31+$0x6D00] =	vst v27  }
0x8d: {  	v27 =	vld [tilespmem:s0+$0x24D0];
	v31, _, _ =	vpop (xrf2);
	v32 =	vmul.f32 v11, v20;
	v33 =	vmul.f32 v14, v26;
	v11 =	vmov v15  }
0x8e: {  	v34 =	vmul.f32 v9, v20;
	v35 =	vmul.f32 v8, v29;
	v9 =	vmovc v19;
	v8 =	vmov v21;
	v13 =	vld [tilespmem:s0+$0xA0]  }
0x8f: {  	v21 =	vmul.f32 v7, v29;
	v29 =	vmul.f32 v6, v30;
	v7 =	vmovc v16;
	v6 =	vmov v17;
	v14 =	vld [tilespmem:s0+$0x24A0];
	[tilespmem:s31+$0x6CF0] =	vst v33  }
.Ltmp2:
0x90: {  	v20 =	vmul.f32 v5, v30;
	v19 =	vmul.f32 v10, v26;
	v5 =	vmov v18;
	v15 =	vld [tilespmem:s0+$0xB0];
	v16, _, _ =	vpop (xrf2);
	[tilespmem:s31+$0x6C80] =	vst v32;
	(pc) =	sbr.rel @p0 .LBB2_5-.Ltmp2, $4  }
0x91: {  	v10 =	vmov v22;
	v17 =	vld [tilespmem:s0+$0x24B0];
	v26 =	vperm.xlane v16, v0;
	[tilespmem:s31+$0x6C90] =	vst v34  }
0x92: {  	v22 =	vmul.f32 v25, v24;
	v25 =	vperm.xlane v31, v0;
	v16 =	vld [tilespmem:s0+$0x80];
	[tilespmem:s31+$0x6CA0] =	vst v35  }
0x93: {  	v23 =	vperm.xlane v23, v0;
	v24 =	vmul.f32 v27, v28;
	v18 =	vld [tilespmem:s0+$0x2480];
	v26 =	vnsel vm0, $0x0, v26;
	v27, _, _ =	vpop (xrf2);
	[tilespmem:s31+$0x6CB0] =	vst v21  }
0x94: {  	s1 =	sadd.s32 $0x240, s1;
	v21 =	vld [tilespmem:s0+$0x90];
	v26 =	vsel vm1, v26, v25;
	v25 =	vperm.xlane v27, v0;
	[tilespmem:s31+$0x6CC0] =	vst v29  }
0x95: {  	v27 =	vld [tilespmem:s0+$0x2490];
	[tilespmem:s31+$0x6CD0] =	vst v20  }
0x96: {  	v20 =	vld [tilespmem:s0+$0x24E0];
	[tilespmem:s31+$0x6CE0] =	vst v19  }
0x97: {  	v19 =	vld [tilespmem:s0+$0xF0]  }
0x98: {  	v28 =	vld [tilespmem:s0+$0x24F0]  }
0x99: {  	v13 =	vmul.f32 v14, v13;
	v32 =	vmul.f32 v17, v15  }
0x9a: {  	v33 =	vadd.f32 v24, v22;
	v16 =	vmul.f32 v18, v16;
	v34 =	vmul.f32 v27, v21  }
0x9b: {  	v13 =	vadd.f32 v32, v13  }
0x9c: {  	(xrf2) =	vadd.scan.msk.f32 $0xffff, v33;
	v35 =	vadd.f32 v34, v16  }
0x9d: {  	v36 =	vsel vm2, v26, v23;
	(xrf2) =	vadd.scan.msk.f32 $0xffff, v13;
	v12 =	vmul.f32 v20, v12;
	v37 =	vmul.f32 v28, v19  }
0x9e: {  	v15 =	vsel vm3, v36, v25;
	(xrf2) =	vadd.scan.msk.f32 $0xffff, v35  }
0x9f: {  	v38 =	vmul.f32 $1.442695020e+00, v15;
	v12 =	vadd.f32 v37, v12;
	_ =	sdelay $0x1  }
0xa0: {  	(erf) = vpow2.f32 v38;
	(xrf2) =	vadd.scan.msk.f32 $0xffff, v12;
	_ =	sdelay $0x4  }
0xa1: {  	v39, _, _ =	vpop (xrf2)  }
0xa2: {  	v41, _, _ =	vpop (xrf2)  }
0xa3: {  	v40 =	vld [tilespmem:s0+$0x4880];
	v43, _, _ =	vpop (xrf2)  }
0xa4: {  	v44 =	vld [tilespmem:s30+$0x48F0];
	v16 =	vperm.xlane v43, v0  }
0xa5: {  	v42 =	vld [tilespmem:s0+$0x4890];
	v46 =	vpop (erf);
	v14 =	vperm.xlane v41, v0  }
0xa6: {  	v45 =	vld [tilespmem:s0+$0x48A0];
	v12 =	vperm.xlane v39, v0;
	v48, _, _ =	vpop (xrf2);
	v16 =	vnsel vm0, $0x0, v16  }
0xa7: {  	v47 =	vld [tilespmem:s0+$0x48B0];
	v50 =	vperm.xlane v46, v4;
	v51 =	vperm.xlane v48, v0;
	v14 =	vsel vm1, v16, v14  }
0xa8: {  	v49 =	vld [tilespmem:s0+$0x48C0];
	v53 =	vperm.xlane v46, v1;
	v54 =	vnsel vm4, $0x0, v46;
	v12 =	vsel vm2, v14, v12  }
0xa9: {  	v52 =	vld [tilespmem:s0+$0x48D0];
	v56 =	vperm.xlane v46, v2;
	v17 =	vmul.f32 v44, v50;
	v12 =	vsel vm3, v12, v51  }
0xaa: {  	v55 =	vld [tilespmem:s0+$0x48E0];
	[tilespmem:s30+$0x6D00] =	vst v54;
	v11 =	vmul.f32 v11, v53;
	v12 =	vmul.f32 $1.442695020e+00, v12  }
0xab: {  	v57 =	vperm.xlane v46, v3;
	v9 =	vmul.f32 v9, v53;
	[tilespmem:s30+$0x6CF0] =	vst v17  }
0xac: {  	v8 =	vmul.f32 v8, v56;
	[tilespmem:s30+$0x6C80] =	vst v11;
	(erf) = vpow2.f32 v12  }
0xad: {  	v7 =	vmul.f32 v7, v56;
	[tilespmem:s30+$0x6C90] =	vst v9  }
0xae: {  	v6 =	vmul.f32 v6, v57;
	[tilespmem:s30+$0x6CA0] =	vst v8  }
0xaf: {  	v5 =	vmul.f32 v5, v57;
	[tilespmem:s30+$0x6CB0] =	vst v7  }
0xb0: {  	v7 =	vmul.f32 v10, v50;
	[tilespmem:s30+$0x6CC0] =	vst v6  }
0xb1: {  	[tilespmem:s30+$0x6CD0] =	vst v5  }
0xb2: {  	[tilespmem:s30+$0x6CE0] =	vst v7  }
0xb3: {  	v5 =	vld [tilespmem:s0+$0x48F0];
	_ =	sdelay $0x1  }
0xb4: {  	v6 =	vpop (erf)  }
0xb5: {  	v7 =	vperm.xlane v6, v4  }
0xb6: {  	v58 =	vperm.xlane v6, v1  }
0xb7: {  	v59 =	vnsel vm4, $0x0, v6;
	v5 =	vmul.f32 v5, v7  }
0xb8: {  	v60 =	vperm.xlane v6, v2;
	[tilespmem:s0+$0x6D00] =	vst v59;
	v61 =	vmul.f32 v40, v58  }
0xb9: {  	v8 =	vmul.f32 v42, v58;
	[tilespmem:s0+$0x6CF0] =	vst v5  }
0xba: {  	v62 =	vmul.f32 v47, v60;
	v5 =	vperm.xlane v6, v3;
	[tilespmem:s0+$0x6C80] =	vst v61  }
0xbb: {  	v6 =	vmul.f32 v45, v60;
	[tilespmem:s0+$0x6C90] =	vst v8  }
0xbc: {  	[tilespmem:s0+$0x6CB0] =	vst v62;
	v63 =	vmul.f32 v49, v5  }
0xbd: {  	[tilespmem:s0+$0x6CA0] =	vst v6;
	v5 =	vmul.f32 v52, v5  }
0xbe: {  	s29 =	sadd.s32 $0x1, s29;
	v6 =	vmul.f32 v55, v7;
	[tilespmem:s0+$0x6CC0] =	vst v63  }
0xbf: {  	p0 =	slt.u32 s29, s12;
	[tilespmem:s0+$0x6CD0] =	vst v5  }
.Ltmp3:
0xc0: {  	[tilespmem:s0+$0x6CE0] =	vst v6;
	(pc) =	sbr.rel @p0 .LBB2_4-.Ltmp3, $4  }
0xc1: {  	[spmem:s2] =	stream.indirect.scatter.add.f32 [tilespmem:s26], [sflag:$0x4], $0x90, s19, s19, $0xb8;
	[tilespmem:$0x1F010] =	vst v63  }
0xc2: {  	_ =	swait.ge [sflag:s18], $0x2400  }
0xc3: {  	[sflag:s18] =	ssyncset.done $0x0  }
0xc4: {  	[sflag:s18] =	ssyncadd.s32 $0xFFFFDC00  }
0xc5: {  	s0 =	sadd.s32 $0x1, s9  }
0xc6: {  	p0 =	slt.u32 s0, s10  }
.Ltmp4:
0xc7: {  	_ = 	snop;
	(pc) =	sbr.rel @!p0 .LBB2_9-.Ltmp4, $4  }
0xc8: {  	[bflag:$0x0] =	sbarrier.arrive $0xFFFF  }
0xc9: {  	[hbm:s16], [sflag:s17] =	dma.local [spmem:s28], $0x5A0  }
0xca: {  	_ =	swait.ge [sflag:s18], $0x5A0  }
0xcb: {  	s1 =	sadd.s32 $0x5A0, s16;
	s28 =	smov.u32 s15;
	[sflag:s18] =	ssyncset.done $0x0  }
.LBB2_8:
0xcc: {  	s0 =	sadd.s32 $0x1, s0  }
0xcd: {  	[sflag:s18] =	ssyncadd.s32 $0xFFFFFA60;
	s28 =	sadd.s32 $0x2D00, s28;
	p0 =	slt.u32 s0, s10  }
.Ltmp5:
0xce: {  	(pc) =	sbr.rel @p0 .LBB2_8-.Ltmp5, $4  }
0xcf: {  	s29 =	sshrl.u32 s28, $0x3  }
0xd0: {  	[hbm:s1], [sflag:s17] =	dma.local [spmem:s29], $0x5A0  }
0xd1: {  	_ =	swait.ge [sflag:s18], $0x5A0  }
0xd2: {  	s1 =	sadd.s32 $0x5A0, s1;
	[sflag:s18] =	ssyncset.done $0x0  }
.LBB2_9:
0xd3: {  	s3 =	sadd.s32 $0x1, s3  }
0xd4: {  	p0 =	sne.s32 s3, s13  }
.Ltmp6:
0xd5: {  	_ = 	snop;
	(pc) =	sbr.rel @p0 .LBB2_1-.Ltmp6, $2  }
0xd6: {  	_ =	sdelay $0x2  }
0xd7: {  	[sflag:s18] =	ssyncadd.s32 $0xFFFFFA60  }
0xd8: {  	_ =	sfence.sel $0x180000  }
0xd9: {  	[bflag:$0x0] =	sbarrier.arrive $0xFFFF  }
0xda: {  	_ =	strace $0x90000047  }
0xdb: {  	s0 =	stileid.u32;
	[bflag:$0x2] =	sbarrier.arrive $0xFFFF  }
0xdc: {  	p0 =	sne.s32 s0, $0x0;
	s0 =	rddreg [dreg:$0x2]  }
0xdd: {  	s0 =	sadd.s32 @!p0 $0x100000, s0  }
0xde: {  	[sflag:s0] =	ssyncadd.tile.s32 @!p0 $0x1;
	_ =	shalt  }
.Lfunc_end2:
_tile_overlayer_lowered:
.L_overlay_start_2:
0xdf: {  	(tag) =	ssettag $0x2  }
0xe0: {  	s0 =	rddreg [dreg:$0x0];
	s2 =	stileid.u32  }
0xe1: {  	s1 =	rddreg [dreg:$0x1];
	p0 =	sne.s32 s2, $0x0  }
0xe2: {  	s3 =	rddreg [dreg:$0x2];
	[bflag:$0x3] =	sbarrier.arrive $0xFFFF;
	s2 =	simm.s32 @!p0 $0x1C04  }
0xe3: {  	[timem:s3], [sflag:s2] =	dma.local @!p0 [hbm:s0], s1  }
0xe4: {  	s0 =	simm.s32 @!p0 $0x4  }
0xe5: {  	_ =	swait.ge @!p0 [sflag:s0], s1  }
0xe6: {  	s1 =	ssub.s32 @!p0 $0x0, s1;
	[sflag:s0] =	ssyncset.done @!p0 $0x0  }
0xe7: {  	[sflag:s0] =	ssyncadd.s32 @!p0 s1  }
0xe8: {  	[bflag:$0x3] =	sbarrier.arrive $0xFFFF  }
0xe9: {  	_ =	shalt  }

</sc_bundles>
